<compile_context>
chip_gen: v7x
topology: tpu7x:2x2x1
jax: 0.10.2.dev20260603
libtpu: 0.0.44.dev20260713+nightly
codegen_flags: <defaults>
</compile_context>

<pallas_src>
import functools

import jax
import jax.numpy as jnp
from jax.experimental import pallas as pl
from jax.experimental.pallas import tpu as pltpu
from jax.experimental.pallas import tpu_sc as plsc

B = 1
C = (128, 128, 128)
STRIDES = (8, 16, 32)
SCALES = (1.0,)
A = 1
TOPK = 1000
NMS_THR = 0.7
FEAT_HW = ((64, 64), (32, 32), (16, 16))
PKEYS = ('w1', 'b1', 'w2', 'b2', 'wo', 'bo', 'wb', 'bb')

NEG = float('-inf')



def _conv(x, w, b, pad):
    y = jax.lax.conv_general_dilated(x, w, (1, 1), ((pad, pad), (pad, pad)), dimension_numbers=('NCHW', 'OIHW', 'NCHW'))
    return y + b[None, :, None, None]


def _grid_anchors(H, W, stride):
    ys, xs = jnp.meshgrid(jnp.arange(H, dtype=jnp.float32), jnp.arange(W, dtype=jnp.float32), indexing='ij')
    cx = (xs + 0.5) * stride
    cy = (ys + 0.5) * stride
    out = []
    for s in SCALES:
        w = jnp.full_like(cx, float(stride * s))
        h = jnp.full_like(cy, float(stride * s))
        out.append(jnp.stack([cx, cy, w, h], -1))
    return jnp.stack(out, 0)


def _decode(anchors, deltas):
    cx = anchors[..., 0] + deltas[..., 0] * anchors[..., 2]
    cy = anchors[..., 1] + deltas[..., 1] * anchors[..., 3]
    w = anchors[..., 2] * jnp.exp(deltas[..., 2])
    h = anchors[..., 3] * jnp.exp(deltas[..., 3])
    return jnp.stack([cx - w / 2, cy - h / 2, cx + w / 2, cy + h / 2], -1)



def _rank_body(scol_ref, srow_ref, out_ref, *, Sj, N):
    j = pl.program_id(0)
    sj = scol_ref[...]
    srow = srow_ref[...]
    jidx = jax.lax.broadcasted_iota(jnp.int32, (Sj, 1), 0) + j * Sj
    iidx = jax.lax.broadcasted_iota(jnp.int32, (1, N), 1)
    cmp = (sj > srow) | ((sj == srow) & (jidx < iidx))
    part = jnp.sum(cmp.astype(jnp.float32), axis=0, keepdims=True)

    @pl.when(j == 0)
    def _():
        out_ref[...] = jnp.zeros_like(out_ref)

    out_ref[...] += part


def _rank_call(scores_row, Sj=256):
    N = scores_row.shape[1]
    scol = scores_row.reshape(N, 1)
    return pl.pallas_call(
        functools.partial(_rank_body, Sj=Sj, N=N),
        grid=(N // Sj,),
        in_specs=[
            pl.BlockSpec((Sj, 1), lambda j: (j, 0)),
            pl.BlockSpec((1, N), lambda j: (0, 0)),
        ],
        out_specs=pl.BlockSpec((1, N), lambda j: (0, 0)),
        out_shape=jax.ShapeDtypeStruct((1, N), jnp.float32),
    )(scol, scores_row)


def _gather_body(rank_ref, dataT_ref, out_ref, *, Rb, N, NC):
    r = pl.program_id(0)
    rank = rank_ref[...]
    ridx = (jax.lax.broadcasted_iota(jnp.int32, (Rb, 1), 0) + r * Rb).astype(jnp.float32)
    P = rank == ridx
    for c in range(NC):
        drow = dataT_ref[c:c + 1, :]
        sel = jnp.where(P, drow, NEG)
        out_ref[:, c:c + 1] = jnp.max(sel, axis=1, keepdims=True)


def _gather_call(rank_row, dataT, K, Rb=256):
    NC, N = dataT.shape
    return pl.pallas_call(
        functools.partial(_gather_body, Rb=Rb, N=N, NC=NC),
        grid=(K // Rb,),
        in_specs=[
            pl.BlockSpec((1, N), lambda r: (0, 0)),
            pl.BlockSpec((NC, N), lambda r: (0, 0)),
        ],
        out_specs=pl.BlockSpec((Rb, NC), lambda r: (r, 0)),
        out_shape=jax.ShapeDtypeStruct((K, NC), jnp.float32),
    )(rank_row, dataT)


def _sc_permute(data128, rank_i32):
    N = data128.shape[0]
    info = plsc.get_sparse_core_info()
    NW = info.num_cores * info.num_subcores
    chunk = N // NW
    mesh = plsc.VectorSubcoreMesh(core_axis_name="c", subcore_axis_name="s")

    @functools.partial(
        pl.kernel, mesh=mesh,
        out_type=jax.ShapeDtypeStruct((N, 128), jnp.float32),
        scratch_types=[
            pltpu.VMEM((chunk,), jnp.int32),
            pltpu.VMEM((chunk, 128), jnp.float32),
            pltpu.SemaphoreType.DMA,
        ],
    )
    def k(data_hbm, idx_hbm, out_hbm, idx_v, rows_v, sem):
        wid = jax.lax.axis_index("s") * info.num_cores + jax.lax.axis_index("c")
        base = wid * chunk
        pltpu.sync_copy(idx_hbm.at[pl.ds(base, chunk)], idx_v)
        pltpu.sync_copy(data_hbm.at[pl.ds(base, chunk)], rows_v)
        pltpu.async_copy(rows_v, out_hbm.at[idx_v], sem).wait()

    return k(data128, rank_i32)


def _nms_body(data_ref, dataT_ref, out_ref, keep_ref, sup_ref, *, K, k_real, S, lvl, thr, topk):
    nb = K // S
    f32 = jnp.float32

    boxes = data_ref[:, 0:4]
    rmask = jax.lax.broadcasted_iota(jnp.int32, (K, 1), 0) < k_real
    bmax = jnp.max(jnp.where(rmask, boxes, NEG))
    off = jnp.float32(lvl) * (bmax + 1.0)

    def cols(lo, n):
        x0 = data_ref[lo:lo + n, 0:1] + off
        y0 = data_ref[lo:lo + n, 1:2] + off
        x1 = data_ref[lo:lo + n, 2:3] + off
        y1 = data_ref[lo:lo + n, 3:4] + off
        ar = (x1 - x0) * (y1 - y0)
        return x0, y0, x1, y1, ar

    def rows(lo, n):
        x0 = dataT_ref[0:1, lo:lo + n] + off
        y0 = dataT_ref[1:2, lo:lo + n] + off
        x1 = dataT_ref[2:3, lo:lo + n] + off
        y1 = dataT_ref[3:4, lo:lo + n] + off
        ar = (x1 - x0) * (y1 - y0)
        return x0, y0, x1, y1, ar

    def iou_gt(ca, ra):
        cx0, cy0, cx1, cy1, car = ca
        rx0, ry0, rx1, ry1, rar = ra
        ltx = jnp.maximum(cx0, rx0)
        lty = jnp.maximum(cy0, ry0)
        rbx = jnp.minimum(cx1, rx1)
        rby = jnp.minimum(cy1, ry1)
        whx = jnp.maximum(rbx - ltx, 0.0)
        why = jnp.maximum(rby - lty, 0.0)
        inter = whx * why
        iou = inter / (car + rar - inter + 1e-9)
        return (iou > thr).astype(f32)

    sup_ref[...] = jnp.zeros((1, K), f32)

    for b in range(nb):
        lo = b * S
        ca = cols(lo, S)
        ra = rows(lo, S)
        M = iou_gt(ca, ra)
        upper = (jax.lax.broadcasted_iota(jnp.int32, (S, 1), 0)
                 < jax.lax.broadcasted_iota(jnp.int32, (1, S), 1)).astype(f32)
        M = M * upper
        pre = (sup_ref[0:1, lo:lo + S] == 0.0).astype(f32)

        def cond(c):
            return c[1]

        def body(c):
            kb, _ = c
            hit = jnp.dot(kb, M, preferred_element_type=f32)
            kb2 = pre * (hit == 0.0).astype(f32)
            return kb2, jnp.any(kb2 != kb)

        kb, _ = jax.lax.while_loop(cond, body, (pre, True))
        keep_ref[0:1, lo:lo + S] = kb

        rest = K - (lo + S)
        if rest > 0:
            for b2 in range(b + 1, nb):
                lo2 = b2 * S
                M12 = iou_gt(ca, rows(lo2, S))
                sup_ref[0:1, lo2:lo2 + S] += jnp.dot(kb, M12, preferred_element_type=f32)

    keep = keep_ref[...]
    csum = jnp.zeros((1, 0), f32)
    running = jnp.zeros((), f32)
    U = (jax.lax.broadcasted_iota(jnp.int32, (S, 1), 0)
         <= jax.lax.broadcasted_iota(jnp.int32, (1, S), 1)).astype(f32)
    parts = []
    for b in range(nb):
        lo = b * S
        kb = keep[0:1, lo:lo + S]
        local = jnp.dot(kb, U, preferred_element_type=f32) + running
        parts.append(local)
        running = running + jnp.sum(kb)
    csum = jnp.concatenate(parts, axis=1)

    score = dataT_ref[4:5, :]
    idx = jax.lax.broadcasted_iota(jnp.int32, (1, K), 1)
    valid = (keep != 0.0) & (csum <= jnp.float32(topk)) & (idx < k_real)
    out_ref[...] = jnp.where(valid, score, NEG)


def _nms_call(data, dataT, k_real, S, lvl):
    K = data.shape[0]
    return pl.pallas_call(
        functools.partial(_nms_body, K=K, k_real=k_real, S=S, lvl=lvl,
                          thr=NMS_THR, topk=TOPK),
        scratch_shapes=[
            pltpu.VMEM((1, K), jnp.float32),
            pltpu.VMEM((1, K), jnp.float32),
        ],
        out_shape=jax.ShapeDtypeStruct((1, K), jnp.float32),
    )(data, dataT)



def kernel(feat0, feat1, feat2, l0_w1, l0_b1, l0_w2, l0_b2, l0_wo, l0_bo, l0_wb, l0_bb, l1_w1, l1_b1, l1_w2, l1_b2, l1_wo, l1_bo, l1_wb, l1_bb, l2_w1, l2_b1, l2_w2, l2_b2, l2_wo, l2_bo, l2_wb, l2_bb):
    feats = [feat0, feat1, feat2]
    kw = dict(l0_w1=l0_w1, l0_b1=l0_b1, l0_w2=l0_w2, l0_b2=l0_b2,
              l0_wo=l0_wo, l0_bo=l0_bo, l0_wb=l0_wb, l0_bb=l0_bb,
              l1_w1=l1_w1, l1_b1=l1_b1, l1_w2=l1_w2, l1_b2=l1_b2,
              l1_wo=l1_wo, l1_bo=l1_bo, l1_wb=l1_wb, l1_bb=l1_bb,
              l2_w1=l2_w1, l2_b1=l2_b1, l2_w2=l2_w2, l2_b2=l2_b2,
              l2_wo=l2_wo, l2_bo=l2_bo, l2_wb=l2_wb, l2_bb=l2_bb)
    params = [{k: kw['l%d_%s' % (i, k)] for k in PKEYS} for i in range(3)]

    KPAD = (3072, 1024, 256)
    SBLK = (512, 512, 256)

    masked, sorted_data = [], []
    for lvl in range(3):
        p = params[lvl]
        x = jax.nn.relu(_conv(feats[lvl], p['w1'], p['b1'], 1))
        x = jax.nn.relu(_conv(x, p['w2'], p['b2'], 1))
        obj = jax.nn.sigmoid(_conv(x, p['wo'], p['bo'], 0))
        box = _conv(x, p['wb'], p['bb'], 0)
        Hh, Ww = obj.shape[2], obj.shape[3]
        N = Hh * Ww
        anchors = _grid_anchors(Hh, Ww, STRIDES[lvl]).reshape(1, A, Hh, Ww, 4)
        box = box.reshape(B, A, 4, Hh, Ww).transpose(0, 1, 3, 4, 2)
        props = _decode(anchors, box).reshape(B, -1, 4)
        scores = obj.reshape(B, N)

        k = min(N, TOPK * 3)
        sc, idx = jax.lax.top_k(scores, k)
        gp = jnp.take_along_axis(props, idx[:, :, None], axis=1)

        data8 = jnp.concatenate([
            gp[0],
            sc[0].reshape(k, 1),
            jnp.full((k, 1), float(lvl), jnp.float32),
            jnp.zeros((k, 2), jnp.float32),
        ], axis=1)
        if KPAD[lvl] > k:
            data8p = jnp.concatenate(
                [data8, jnp.zeros((KPAD[lvl] - k, 8), jnp.float32)], axis=0)
        else:
            data8p = data8

        m = _nms_call(data8p, data8p.T, k, SBLK[lvl], lvl)
        masked.append(m[:, :k])
        sorted_data.append(data8)

    M = sum(d.shape[0] for d in sorted_data)
    MPAD = 4352
    pad = MPAD - M
    scat = jnp.concatenate(masked + [jnp.full((1, pad), NEG, jnp.float32)], axis=1)
    dcat = jnp.concatenate(sorted_data + [jnp.zeros((pad, 8), jnp.float32)], axis=0)
    dcat128 = jnp.concatenate([dcat, jnp.zeros((MPAD, 120), jnp.float32)], axis=1)

    frank = _rank_call(scat, Sj=256)
    out128 = _sc_permute(dcat128, frank.reshape(MPAD).astype(jnp.int32))
    out8 = out128[:1024, :8]

    props_final = out8[:TOPK, 0:4].reshape(1, TOPK, 4)
    sc = out8[:TOPK, 4].reshape(1, TOPK)
    lvls = out8[:TOPK, 5].astype(jnp.int32).reshape(1, TOPK)
    return props_final, sc, lvls

# --- scband reference (transcript-rebuilt; emitter-appended) ---
"""Pipeline reference for scband-dsrpn-76716705841927 (READ-ONLY COPY).

The authoritative reference and input builder live on the scoring server;
editing this copy changes nothing except your own understanding.
"""

import jax, jax.numpy as jnp
import numpy as np

B = 1
C = (128, 128, 128)
STRIDES = (8, 16, 32)
SCALES = (1.0,)
A = 1
TOPK = 1000
NMS_THR = 0.7
FEAT_HW = ((64, 64), (32, 32), (16, 16))
PKEYS = ('w1', 'b1', 'w2', 'b2', 'wo', 'bo', 'wb', 'bb')

def _conv(x, w, b, pad):
    y = jax.lax.conv_general_dilated(x, w, (1, 1), ((pad, pad), (pad, pad)), dimension_numbers=('NCHW', 'OIHW', 'NCHW'))
    return y + b[None, :, None, None]

def _grid_anchors(H, W, stride):
    ys, xs = jnp.meshgrid(jnp.arange(H, dtype=jnp.float32), jnp.arange(W, dtype=jnp.float32), indexing='ij')
    cx = (xs + 0.5) * stride
    cy = (ys + 0.5) * stride
    out = []
    for s in SCALES:
        w = jnp.full_like(cx, float(stride * s))
        h = jnp.full_like(cy, float(stride * s))
        out.append(jnp.stack([cx, cy, w, h], -1))
    return jnp.stack(out, 0)

def _decode(anchors, deltas):
    cx = anchors[..., 0] + deltas[..., 0] * anchors[..., 2]
    cy = anchors[..., 1] + deltas[..., 1] * anchors[..., 3]
    w = anchors[..., 2] * jnp.exp(deltas[..., 2])
    h = anchors[..., 3] * jnp.exp(deltas[..., 3])
    return jnp.stack([cx - w / 2, cy - h / 2, cx + w / 2, cy + h / 2], -1)

def _nms_keep_sorted(boxes, thr):
    n = boxes.shape[0]
    area = (boxes[:, 2] - boxes[:, 0]) * (boxes[:, 3] - boxes[:, 1])
    lt = jnp.maximum(boxes[:, None, :2], boxes[None, :, :2])
    rb = jnp.minimum(boxes[:, None, 2:], boxes[None, :, 2:])
    wh = jnp.clip(rb - lt, 0.0)
    inter = wh[..., 0] * wh[..., 1]
    iou = inter / (area[:, None] + area[None, :] - inter + 1e-9)
    ar = jnp.arange(n)
    def body(keep, i):
        sup = (iou[i] > thr) & (ar > i) & keep[i]
        return keep & (~sup), None
    keep, _ = jax.lax.scan(body, jnp.ones((n,), dtype=bool), jnp.arange(n))
    return keep

def _batched_nms_sorted(boxes, idxs, thr):
    off = idxs.astype(boxes.dtype) * (jnp.max(boxes) + 1.0)
    return _nms_keep_sorted(boxes + off[:, None], thr)

def _forward(feats, params):
    Bsz = feats[0].shape[0]
    cp, cs, cl = [], [], []
    for lvl in range(3):
        p = params[lvl]
        x = jax.nn.relu(_conv(feats[lvl], p['w1'], p['b1'], 1))
        x = jax.nn.relu(_conv(x, p['w2'], p['b2'], 1))
        obj = jax.nn.sigmoid(_conv(x, p['wo'], p['bo'], 0))
        box = _conv(x, p['wb'], p['bb'], 0)
        Hh, Ww = obj.shape[2], obj.shape[3]
        anchors = _grid_anchors(Hh, Ww, STRIDES[lvl]).reshape(1, A, Hh, Ww, 4)
        box = box.reshape(Bsz, A, 4, Hh, Ww).transpose(0, 1, 3, 4, 2)
        props = _decode(anchors, box).reshape(Bsz, -1, 4)
        scores = obj.reshape(Bsz, -1)
        k = min(scores.shape[1], TOPK * 3)
        sc, idx = jax.lax.top_k(scores, k)
        gp = jnp.take_along_axis(props, idx[:, :, None], axis=1)
        lvls = jnp.full((Bsz, k), lvl, dtype=jnp.int32)
        sc_rows = []
        for b in range(Bsz):
            keep = _batched_nms_sorted(jax.lax.stop_gradient(gp[b]), lvls[b], NMS_THR)
            rank = jnp.cumsum(keep.astype(jnp.int32)) - 1
            valid = keep & (rank < TOPK)
            sc_rows.append(jnp.where(valid, sc[b], -jnp.inf))
        cp.append(gp)
        cs.append(jnp.stack(sc_rows, 0))
        cl.append(lvls)
    props_cat = jnp.concatenate(cp, 1)
    scores_cat = jnp.concatenate(cs, 1)
    lvls_cat = jnp.concatenate(cl, 1)
    Kf = min(TOPK, scores_cat.shape[1])
    sc, idx = jax.lax.top_k(scores_cat, Kf)
    props_final = jnp.take_along_axis(props_cat, idx[:, :, None], axis=1)
    lvls_final = jnp.take_along_axis(lvls_cat, idx, axis=1)
    return props_final, sc, lvls_final

def setup_inputs(seed=0):
    key = jax.random.key(seed)
    ks = iter(jax.random.split(key, 40))
    d = {}
    for i, (h, w) in enumerate(FEAT_HW):
        d['feat%d' % i] = jax.random.normal(next(ks), (B, C[i], h, w), dtype=jnp.float32)
    for i in range(3):
        c = C[i]
        d['l%d_w1' % i] = jax.random.normal(next(ks), (c, c, 3, 3), dtype=jnp.float32) * 0.03
        d['l%d_b1' % i] = jnp.zeros((c,), jnp.float32)
        d['l%d_w2' % i] = jax.random.normal(next(ks), (c, c, 3, 3), dtype=jnp.float32) * 0.03
        d['l%d_b2' % i] = jnp.zeros((c,), jnp.float32)
        d['l%d_wo' % i] = jax.random.normal(next(ks), (A, c, 1, 1), dtype=jnp.float32) * 0.03
        d['l%d_bo' % i] = jnp.zeros((A,), jnp.float32)
        d['l%d_wb' % i] = jax.random.normal(next(ks), (4 * A, c, 1, 1), dtype=jnp.float32) * 0.03
        d['l%d_bb' % i] = jnp.zeros((4 * A,), jnp.float32)
    return d

def reference(feat0, feat1, feat2,
              l0_w1, l0_b1, l0_w2, l0_b2, l0_wo, l0_bo, l0_wb, l0_bb,
              l1_w1, l1_b1, l1_w2, l1_b2, l1_wo, l1_bo, l1_wb, l1_bb,
              l2_w1, l2_b1, l2_w2, l2_b2, l2_wo, l2_bo, l2_wb, l2_bb):
    feats = [feat0, feat1, feat2]
    kw = {
        'l0_w1': l0_w1, 'l0_b1': l0_b1, 'l0_w2': l0_w2, 'l0_b2': l0_b2,
        'l0_wo': l0_wo, 'l0_bo': l0_bo, 'l0_wb': l0_wb, 'l0_bb': l0_bb,
        'l1_w1': l1_w1, 'l1_b1': l1_b1, 'l1_w2': l1_w2, 'l1_b2': l1_b2,
        'l1_wo': l1_wo, 'l1_bo': l1_bo, 'l1_wb': l1_wb, 'l1_bb': l1_bb,
        'l2_w1': l2_w1, 'l2_b1': l2_b1, 'l2_w2': l2_w2, 'l2_b2': l2_b2,
        'l2_wo': l2_wo, 'l2_bo': l2_bo, 'l2_wb': l2_wb, 'l2_bb': l2_bb,
    }
    params = [{k: kw['l%d_%s' % (i, k)] for k in PKEYS} for i in range(3)]
    return _forward(feats, params)

if __name__ == "__main__":
    import jax
    _d = setup_inputs()
    print(jax.jit(kernel)(*tuple(_d.values())))

</pallas_src>

<mosaic_0001>
#map = affine_map<(d0, d1) -> (0, 0)>
#map1 = affine_map<(d0, d1) -> (0)>
module attributes {stable_mosaic.version = 14 : i64} {
  func.func @k(%arg0: i32, %arg1: i32, %arg2: memref<4352x128xf32, #tpu.memory_space<hbm>>, %arg3: memref<4352xi32, #tpu.memory_space<hbm>>, %arg4: memref<4352x128xf32, #tpu.memory_space<hbm>>, %arg5: memref<136xi32, #tpu.memory_space<vmem>>, %arg6: memref<136x128xf32, #tpu.memory_space<vmem>>, %arg7: memref<!tpu.dma_semaphore, #tpu.memory_space<semaphore_mem>>) attributes {dimension_semantics = [#tpu.dimension_semantics<core_parallel>, #tpu.dimension_semantics<subcore_parallel>], iteration_bounds = array<i64: 2, 16>, scalar_prefetch = 0 : i64, scratch_operands = 3 : i64, tpu.core_type = #tpu.core_type<sc_vector_subcore>, window_params = [{transform_indices = #map}, {transform_indices = #map1}, {transform_indices = #map}]} {
    %mul3A = arith.constant 2 : i32
    %mul3A_0 = arith.muli %arg1, %mul3A : i32
    %add3A = arith.addi %mul3A_0, %arg0 : i32
    %mul3A_1 = arith.constant 136 : i32
    %mul3A_2 = arith.muli %add3A, %mul3A_1 : i32
    "tpu.region"() ({
      %run_scoped3A = tpu.sem_alloc : memref<!tpu.dma_semaphore, #tpu.memory_space<semaphore_mem>>
      %dma_start3A_7 = tpu.memref_slice %arg3[%mul3A_2] : memref<4352xi32, #tpu.memory_space<hbm>> -> memref<136xi32, #tpu.memory_space<hbm>>
      %dma_start3A_8 = tpu.memref_slice %arg3[%mul3A_2] : memref<4352xi32, #tpu.memory_space<hbm>> -> memref<136xi32, #tpu.memory_space<hbm>>
      tpu.enqueue_dma source(%dma_start3A_8 : memref<136xi32, #tpu.memory_space<hbm>>) target(%arg5 : memref<136xi32, #tpu.memory_space<vmem>>) target_semaphore(%run_scoped3A : memref<!tpu.dma_semaphore, #tpu.memory_space<semaphore_mem>>)
      %dma_wait3A_9 = tpu.memref_slice %arg3[%mul3A_2] : memref<4352xi32, #tpu.memory_space<hbm>> -> memref<136xi32, #tpu.memory_space<hbm>>
      %dma_wait3A_10 = tpu.memref_slice %arg3[%mul3A_2] : memref<4352xi32, #tpu.memory_space<hbm>> -> memref<136xi32, #tpu.memory_space<hbm>>
      tpu.wait_dma2 semaphore(%run_scoped3A : memref<!tpu.dma_semaphore, #tpu.memory_space<semaphore_mem>>) src(%dma_wait3A_10 : memref<136xi32, #tpu.memory_space<hbm>>) dst(%arg5 : memref<136xi32, #tpu.memory_space<vmem>>)
      tpu.yield
    }) : () -> ()
    "tpu.region"() ({
      %run_scoped3A = tpu.sem_alloc : memref<!tpu.dma_semaphore, #tpu.memory_space<semaphore_mem>>
      %dma_start3A_7 = arith.constant 0 : i32
      %dma_start3A_8 = tpu.memref_slice %arg2[%mul3A_2, %dma_start3A_7] : memref<4352x128xf32, #tpu.memory_space<hbm>> -> memref<136x128xf32, #tpu.memory_space<hbm>>
      %dma_start3A_9 = arith.constant 0 : i32
      %dma_start3A_10 = tpu.memref_slice %arg2[%mul3A_2, %dma_start3A_9] : memref<4352x128xf32, #tpu.memory_space<hbm>> -> memref<136x128xf32, #tpu.memory_space<hbm>>
      tpu.enqueue_dma source(%dma_start3A_10 : memref<136x128xf32, #tpu.memory_space<hbm>>) target(%arg6 : memref<136x128xf32, #tpu.memory_space<vmem>>) target_semaphore(%run_scoped3A : memref<!tpu.dma_semaphore, #tpu.memory_space<semaphore_mem>>)
      %dma_wait3A_11 = arith.constant 0 : i32
      %dma_wait3A_12 = tpu.memref_slice %arg2[%mul3A_2, %dma_wait3A_11] : memref<4352x128xf32, #tpu.memory_space<hbm>> -> memref<136x128xf32, #tpu.memory_space<hbm>>
      %dma_wait3A_13 = arith.constant 0 : i32
      %dma_wait3A_14 = tpu.memref_slice %arg2[%mul3A_2, %dma_wait3A_13] : memref<4352x128xf32, #tpu.memory_space<hbm>> -> memref<136x128xf32, #tpu.memory_space<hbm>>
      tpu.wait_dma2 semaphore(%run_scoped3A : memref<!tpu.dma_semaphore, #tpu.memory_space<semaphore_mem>>) src(%dma_wait3A_14 : memref<136x128xf32, #tpu.memory_space<hbm>>) dst(%arg6 : memref<136x128xf32, #tpu.memory_space<vmem>>)
      tpu.yield
    }) : () -> ()
    %dma_start3A = arith.constant 0 : i32
    %dma_start3A_3 = arith.constant 0 : i32
    %dma_start3A_4 = tpu.memref_slice %arg4[%dma_start3A, %dma_start3A_3] : memref<4352x128xf32, #tpu.memory_space<hbm>> -> memref<4352x128xf32, #tpu.memory_space<hbm>>
    tpu.enqueue_indirect_dma source(%arg6 : memref<136x128xf32, #tpu.memory_space<vmem>>) target(%dma_start3A_4 : memref<4352x128xf32, #tpu.memory_space<hbm>>) offsets(%arg5 : memref<136xi32, #tpu.memory_space<vmem>>) semaphore(%arg7 : memref<!tpu.dma_semaphore, #tpu.memory_space<semaphore_mem>>)
    %dma_wait3A = arith.constant 0 : i32
    %dma_wait3A_5 = arith.constant 0 : i32
    %dma_wait3A_6 = tpu.memref_slice %arg4[%dma_wait3A, %dma_wait3A_5] : memref<4352x128xf32, #tpu.memory_space<hbm>> -> memref<4352x128xf32, #tpu.memory_space<hbm>>
    tpu.wait_indirect_dma semaphore(%arg7 : memref<!tpu.dma_semaphore, #tpu.memory_space<semaphore_mem>>) src(%arg6 : memref<136x128xf32, #tpu.memory_space<vmem>>) dst(%dma_wait3A_6 : memref<4352x128xf32, #tpu.memory_space<hbm>>)
    return
  }
}

module attributes {stable_mosaic.version = 14 : i64} {
  func.func @_nms_body(%arg0: memref<1024x8xf32, #tpu.memory_space<vmem>>, %arg1: memref<8x1024xf32, #tpu.memory_space<vmem>>, %arg2: memref<1x1024xf32, #tpu.memory_space<vmem>>, %arg3: memref<1x1024xf32, #tpu.memory_space<vmem>>, %arg4: memref<1x1024xf32, #tpu.memory_space<vmem>>) attributes {dimension_semantics = [], scalar_prefetch = 0 : i64, scratch_operands = 2 : i64, tpu.core_type = #tpu.core_type<tc>} {
    %get3A = arith.constant 0 : index
    %get3A_0 = arith.constant 0 : index
    %get3A_1 = vector.load %arg0[%get3A, %get3A_0] : memref<1024x8xf32, #tpu.memory_space<vmem>>, vector<1024x4xf32>
    %iota3A = tpu.iota {dimensions = array<i32: 0>} : vector<1024x1xi32>
    %lt3A = arith.constant 1024 : i32
    %lt3A_2 = vector.broadcast %lt3A : i32 to vector<1024x1xi32>
    %lt3A_3 = arith.cmpi slt, %iota3A, %lt3A_2 : vector<1024x1xi32>
    %jit3A = arith.constant 0xFF800000 : f32
    %broadcast_in_dim3A = vector.shape_cast %lt3A_3 : vector<1024x1xi1> to vector<1024x1xi1>
    %broadcast_in_dim3A_4 = vector.broadcast %broadcast_in_dim3A : vector<1024x1xi1> to vector<1024x4xi1>
    %broadcast_in_dim3A_5 = vector.broadcast %jit3A : f32 to vector<1024x4xf32>
    %select_n3A = arith.select %broadcast_in_dim3A_4, %get3A_1, %broadcast_in_dim3A_5 : vector<1024x4xi1>, vector<1024x4xf32>
    %reduce_max3A = vector.shape_cast %select_n3A : vector<1024x4xf32> to vector<1x1024x4xf32>
    %reduce_max3A_6 = arith.constant dense<0xFF800000> : vector<1xf32>
    %reduce_max3A_7 = vector.multi_reduction <maximumf>, %reduce_max3A, %reduce_max3A_6 [1, 2] : vector<1x1024x4xf32> to vector<1xf32>
    %reduce_max3A_8 = vector.shape_cast %reduce_max3A_7 : vector<1xf32> to vector<1x1x1xf32>
    %reduce_max3A_9 = vector.extract %reduce_max3A_8[0, 0, 0] : f32 from vector<1x1x1xf32>
    %add3A = arith.constant 1.000000e+00 : f32
    %add3A_10 = arith.addf %reduce_max3A_9, %add3A : f32
    %mul3A = arith.constant 1.000000e+00 : f32
    %mul3A_11 = arith.mulf %mul3A, %add3A_10 : f32
    %broadcast_in_dim3A_12 = arith.constant 0.000000e+00 : f32
    %broadcast_in_dim3A_13 = vector.broadcast %broadcast_in_dim3A_12 : f32 to vector<1x1024xf32>
    %swap3A = arith.constant 0 : index
    %swap3A_14 = arith.constant 0 : index
    %swap3A_15 = vector.load %arg4[%swap3A, %swap3A_14] : memref<1x1024xf32, #tpu.memory_space<vmem>>, vector<1x1024xf32>
    tpu.vector_store %arg4[%swap3A, %swap3A_14], %broadcast_in_dim3A_13 {strides = array<i32>} : memref<1x1024xf32, #tpu.memory_space<vmem>>, vector<1x1024xf32>,
    %get3A_16 = arith.constant 0 : index
    %get3A_17 = arith.constant 0 : index
    %get3A_18 = vector.load %arg0[%get3A_16, %get3A_17] : memref<1024x8xf32, #tpu.memory_space<vmem>>, vector<512x1xf32>
    %add3A_19 = vector.broadcast %mul3A_11 : f32 to vector<512x1xf32>
    %add3A_20 = arith.addf %get3A_18, %add3A_19 : vector<512x1xf32>
    %get3A_21 = arith.constant 0 : index
    %get3A_22 = arith.constant 1 : index
    %get3A_23 = vector.load %arg0[%get3A_21, %get3A_22] : memref<1024x8xf32, #tpu.memory_space<vmem>>, vector<512x1xf32>
    %add3A_24 = vector.broadcast %mul3A_11 : f32 to vector<512x1xf32>
    %add3A_25 = arith.addf %get3A_23, %add3A_24 : vector<512x1xf32>
    %get3A_26 = arith.constant 0 : index
    %get3A_27 = arith.constant 2 : index
    %get3A_28 = vector.load %arg0[%get3A_26, %get3A_27] : memref<1024x8xf32, #tpu.memory_space<vmem>>, vector<512x1xf32>
    %add3A_29 = vector.broadcast %mul3A_11 : f32 to vector<512x1xf32>
    %add3A_30 = arith.addf %get3A_28, %add3A_29 : vector<512x1xf32>
    %get3A_31 = arith.constant 0 : index
    %get3A_32 = arith.constant 3 : index
    %get3A_33 = vector.load %arg0[%get3A_31, %get3A_32] : memref<1024x8xf32, #tpu.memory_space<vmem>>, vector<512x1xf32>
    %add3A_34 = vector.broadcast %mul3A_11 : f32 to vector<512x1xf32>
    %add3A_35 = arith.addf %get3A_33, %add3A_34 : vector<512x1xf32>
    %sub3A = arith.subf %add3A_30, %add3A_20 : vector<512x1xf32>
    %sub3A_36 = arith.subf %add3A_35, %add3A_25 : vector<512x1xf32>
    %mul3A_37 = arith.mulf %sub3A, %sub3A_36 : vector<512x1xf32>
    %get3A_38 = arith.constant 0 : index
    %get3A_39 = arith.constant 0 : index
    %get3A_40 = vector.load %arg1[%get3A_38, %get3A_39] : memref<8x1024xf32, #tpu.memory_space<vmem>>, vector<1x512xf32>
    %add3A_41 = vector.broadcast %mul3A_11 : f32 to vector<1x512xf32>
    %add3A_42 = arith.addf %get3A_40, %add3A_41 : vector<1x512xf32>
    %get3A_43 = arith.constant 1 : index
    %get3A_44 = arith.constant 0 : index
    %get3A_45 = vector.load %arg1[%get3A_43, %get3A_44] : memref<8x1024xf32, #tpu.memory_space<vmem>>, vector<1x512xf32>
    %add3A_46 = vector.broadcast %mul3A_11 : f32 to vector<1x512xf32>
    %add3A_47 = arith.addf %get3A_45, %add3A_46 : vector<1x512xf32>
    %get3A_48 = arith.constant 2 : index
    %get3A_49 = arith.constant 0 : index
    %get3A_50 = vector.load %arg1[%get3A_48, %get3A_49] : memref<8x1024xf32, #tpu.memory_space<vmem>>, vector<1x512xf32>
    %add3A_51 = vector.broadcast %mul3A_11 : f32 to vector<1x512xf32>
    %add3A_52 = arith.addf %get3A_50, %add3A_51 : vector<1x512xf32>
    %get3A_53 = arith.constant 3 : index
    %get3A_54 = arith.constant 0 : index
    %get3A_55 = vector.load %arg1[%get3A_53, %get3A_54] : memref<8x1024xf32, #tpu.memory_space<vmem>>, vector<1x512xf32>
    %add3A_56 = vector.broadcast %mul3A_11 : f32 to vector<1x512xf32>
    %add3A_57 = arith.addf %get3A_55, %add3A_56 : vector<1x512xf32>
    %sub3A_58 = arith.subf %add3A_52, %add3A_42 : vector<1x512xf32>
    %sub3A_59 = arith.subf %add3A_57, %add3A_47 : vector<1x512xf32>
    %mul3A_60 = arith.mulf %sub3A_58, %sub3A_59 : vector<1x512xf32>
    %max3A = vector.broadcast %add3A_20 : vector<512x1xf32> to vector<512x512xf32>
    %max3A_61 = vector.broadcast %add3A_42 : vector<1x512xf32> to vector<512x512xf32>
    %max3A_62 = arith.maximumf %max3A, %max3A_61 : vector<512x512xf32>
    %max3A_63 = vector.broadcast %add3A_25 : vector<512x1xf32> to vector<512x512xf32>
    %max3A_64 = vector.broadcast %add3A_47 : vector<1x512xf32> to vector<512x512xf32>
    %max3A_65 = arith.maximumf %max3A_63, %max3A_64 : vector<512x512xf32>
    %min3A = vector.broadcast %add3A_30 : vector<512x1xf32> to vector<512x512xf32>
    %min3A_66 = vector.broadcast %add3A_52 : vector<1x512xf32> to vector<512x512xf32>
    %min3A_67 = arith.minimumf %min3A, %min3A_66 : vector<512x512xf32>
    %min3A_68 = vector.broadcast %add3A_35 : vector<512x1xf32> to vector<512x512xf32>
    %min3A_69 = vector.broadcast %add3A_57 : vector<1x512xf32> to vector<512x512xf32>
    %min3A_70 = arith.minimumf %min3A_68, %min3A_69 : vector<512x512xf32>
    %sub3A_71 = arith.subf %min3A_67, %max3A_62 : vector<512x512xf32>
    %max3A_72 = arith.constant 0.000000e+00 : f32
    %max3A_73 = vector.broadcast %max3A_72 : f32 to vector<512x512xf32>
    %max3A_74 = arith.maximumf %sub3A_71, %max3A_73 : vector<512x512xf32>
    %sub3A_75 = arith.subf %min3A_70, %max3A_65 : vector<512x512xf32>
    %max3A_76 = arith.constant 0.000000e+00 : f32
    %max3A_77 = vector.broadcast %max3A_76 : f32 to vector<512x512xf32>
    %max3A_78 = arith.maximumf %sub3A_75, %max3A_77 : vector<512x512xf32>
    %mul3A_79 = arith.mulf %max3A_74, %max3A_78 : vector<512x512xf32>
    %add3A_80 = vector.broadcast %mul3A_37 : vector<512x1xf32> to vector<512x512xf32>
    %add3A_81 = vector.broadcast %mul3A_60 : vector<1x512xf32> to vector<512x512xf32>
    %add3A_82 = arith.addf %add3A_80, %add3A_81 : vector<512x512xf32>
    %sub3A_83 = arith.subf %add3A_82, %mul3A_79 : vector<512x512xf32>
    %add3A_84 = arith.constant 9.99999971E-10 : f32
    %add3A_85 = vector.broadcast %add3A_84 : f32 to vector<512x512xf32>
    %add3A_86 = arith.addf %sub3A_83, %add3A_85 : vector<512x512xf32>
    %div3A = arith.divf %mul3A_79, %add3A_86 : vector<512x512xf32>
    %gt3A = arith.constant 0.699999988 : f32
    %gt3A_87 = vector.broadcast %gt3A : f32 to vector<512x512xf32>
    %gt3A_88 = arith.cmpf ogt, %div3A, %gt3A_87 : vector<512x512xf32>
    %convert_element_type3A = arith.extui %gt3A_88 : vector<512x512xi1> to vector<512x512xi32>
    %convert_element_type3A_89 = arith.sitofp %convert_element_type3A : vector<512x512xi32> to vector<512x512xf32>
    %iota3A_90 = tpu.iota {dimensions = array<i32: 0>} : vector<512x1xi32>
    %iota3A_91 = tpu.iota {dimensions = array<i32: 1>} : vector<1x512xi32>
    %lt3A_92 = vector.broadcast %iota3A_90 : vector<512x1xi32> to vector<512x512xi32>
    %lt3A_93 = vector.broadcast %iota3A_91 : vector<1x512xi32> to vector<512x512xi32>
    %lt3A_94 = arith.cmpi slt, %lt3A_92, %lt3A_93 : vector<512x512xi32>
    %convert_element_type3A_95 = arith.extui %lt3A_94 : vector<512x512xi1> to vector<512x512xi32>
    %convert_element_type3A_96 = arith.sitofp %convert_element_type3A_95 : vector<512x512xi32> to vector<512x512xf32>
    %mul3A_97 = arith.mulf %convert_element_type3A_89, %convert_element_type3A_96 : vector<512x512xf32>
    %get3A_98 = arith.constant 0 : index
    %get3A_99 = arith.constant 0 : index
    %get3A_100 = vector.load %arg4[%get3A_98, %get3A_99] : memref<1x1024xf32, #tpu.memory_space<vmem>>, vector<1x512xf32>
    %eq3A = arith.constant 0.000000e+00 : f32
    %eq3A_101 = vector.broadcast %eq3A : f32 to vector<1x512xf32>
    %eq3A_102 = arith.cmpf oeq, %get3A_100, %eq3A_101 : vector<1x512xf32>
    %convert_element_type3A_103 = arith.extui %eq3A_102 : vector<1x512xi1> to vector<1x512xi32>
    %convert_element_type3A_104 = arith.sitofp %convert_element_type3A_103 : vector<1x512xi32> to vector<1x512xf32>
    %while3A = arith.constant true
    %while3A_105:2 = scf.while (%while3A_319 = %convert_element_type3A_104, %while3A_320 = %while3A) : (vector<1x512xf32>, i1) -> (vector<1x512xf32>, i1) {
      scf.condition(%while3A_320) %while3A_319, %while3A_320 : vector<1x512xf32>, i1
    } do {
    ^bb0(%while3A_319: vector<1x512xf32>, %while3A_320: i1):
      %dot_general3A_321 = arith.constant dense<0.000000e+00> : vector<1x512xf32>
      %dot_general3A_322 = tpu.matmul %while3A_319, %mul3A_97, %dot_general3A_321 {dimension_numbers = #tpu.dot_dimension_numbers<[1], [0], [0], [1], [0, 0, 1, 1], [], []>, transpose_lhs_hint = false} : vector<1x512xf32>, vector<512x512xf32>, vector<1x512xf32> -> vector<1x512xf32>
      %eq3A_323 = arith.constant 0.000000e+00 : f32
      %eq3A_324 = vector.broadcast %eq3A_323 : f32 to vector<1x512xf32>
      %eq3A_325 = arith.cmpf oeq, %dot_general3A_322, %eq3A_324 : vector<1x512xf32>
      %convert_element_type3A_326 = arith.extui %eq3A_325 : vector<1x512xi1> to vector<1x512xi32>
      %convert_element_type3A_327 = arith.sitofp %convert_element_type3A_326 : vector<1x512xi32> to vector<1x512xf32>
      %mul3A_328 = arith.mulf %convert_element_type3A_104, %convert_element_type3A_327 : vector<1x512xf32>
      %ne3A_329 = arith.cmpf one, %mul3A_328, %while3A_319 : vector<1x512xf32>
      %reduce_or3A = arith.constant 1.000000e+00 : f32
      %reduce_or3A_330 = arith.constant 0.000000e+00 : f32
      %reduce_or3A_331 = vector.broadcast %reduce_or3A : f32 to vector<1x512xf32>
      %reduce_or3A_332 = vector.broadcast %reduce_or3A_330 : f32 to vector<1x512xf32>
      %reduce_or3A_333 = arith.select %ne3A_329, %reduce_or3A_331, %reduce_or3A_332 : vector<1x512xi1>, vector<1x512xf32>
      %reduce_or3A_334 = vector.shape_cast %reduce_or3A_333 : vector<1x512xf32> to vector<1x1x512xf32>
      %reduce_or3A_335 = arith.constant dense<0xFF800000> : vector<1xf32>
      %reduce_or3A_336 = vector.multi_reduction <maximumf>, %reduce_or3A_334, %reduce_or3A_335 [1, 2] : vector<1x1x512xf32> to vector<1xf32>
      %reduce_or3A_337 = vector.shape_cast %reduce_or3A_336 : vector<1xf32> to vector<1x1x1xf32>
      %reduce_or3A_338 = vector.extract %reduce_or3A_337[0, 0, 0] : f32 from vector<1x1x1xf32>
      %reduce_or3A_339 = arith.constant 0.000000e+00 : f32
      %reduce_or3A_340 = arith.cmpf ogt, %reduce_or3A_338, %reduce_or3A_339 : f32
      scf.yield %mul3A_328, %reduce_or3A_340 : vector<1x512xf32>, i1
    }
    %swap3A_106 = arith.constant 0 : index
    %swap3A_107 = arith.constant 0 : index
    %swap3A_108 = vector.load %arg3[%swap3A_106, %swap3A_107] : memref<1x1024xf32, #tpu.memory_space<vmem>>, vector<1x512xf32>
    tpu.vector_store %arg3[%swap3A_106, %swap3A_107], %while3A_105#0 {strides = array<i32>} : memref<1x1024xf32, #tpu.memory_space<vmem>>, vector<1x512xf32>,
    %get3A_109 = arith.constant 0 : index
    %get3A_110 = arith.constant 512 : index
    %get3A_111 = vector.load %arg1[%get3A_109, %get3A_110] : memref<8x1024xf32, #tpu.memory_space<vmem>>, vector<1x512xf32>
    %add3A_112 = vector.broadcast %mul3A_11 : f32 to vector<1x512xf32>
    %add3A_113 = arith.addf %get3A_111, %add3A_112 : vector<1x512xf32>
    %get3A_114 = arith.constant 1 : index
    %get3A_115 = arith.constant 512 : index
    %get3A_116 = vector.load %arg1[%get3A_114, %get3A_115] : memref<8x1024xf32, #tpu.memory_space<vmem>>, vector<1x512xf32>
    %add3A_117 = vector.broadcast %mul3A_11 : f32 to vector<1x512xf32>
    %add3A_118 = arith.addf %get3A_116, %add3A_117 : vector<1x512xf32>
    %get3A_119 = arith.constant 2 : index
    %get3A_120 = arith.constant 512 : index
    %get3A_121 = vector.load %arg1[%get3A_119, %get3A_120] : memref<8x1024xf32, #tpu.memory_space<vmem>>, vector<1x512xf32>
    %add3A_122 = vector.broadcast %mul3A_11 : f32 to vector<1x512xf32>
    %add3A_123 = arith.addf %get3A_121, %add3A_122 : vector<1x512xf32>
    %get3A_124 = arith.constant 3 : index
    %get3A_125 = arith.constant 512 : index
    %get3A_126 = vector.load %arg1[%get3A_124, %get3A_125] : memref<8x1024xf32, #tpu.memory_space<vmem>>, vector<1x512xf32>
    %add3A_127 = vector.broadcast %mul3A_11 : f32 to vector<1x512xf32>
    %add3A_128 = arith.addf %get3A_126, %add3A_127 : vector<1x512xf32>
    %sub3A_129 = arith.subf %add3A_123, %add3A_113 : vector<1x512xf32>
    %sub3A_130 = arith.subf %add3A_128, %add3A_118 : vector<1x512xf32>
    %mul3A_131 = arith.mulf %sub3A_129, %sub3A_130 : vector<1x512xf32>
    %max3A_132 = vector.broadcast %add3A_20 : vector<512x1xf32> to vector<512x512xf32>
    %max3A_133 = vector.broadcast %add3A_113 : vector<1x512xf32> to vector<512x512xf32>
    %max3A_134 = arith.maximumf %max3A_132, %max3A_133 : vector<512x512xf32>
    %max3A_135 = vector.broadcast %add3A_25 : vector<512x1xf32> to vector<512x512xf32>
    %max3A_136 = vector.broadcast %add3A_118 : vector<1x512xf32> to vector<512x512xf32>
    %max3A_137 = arith.maximumf %max3A_135, %max3A_136 : vector<512x512xf32>
    %min3A_138 = vector.broadcast %add3A_30 : vector<512x1xf32> to vector<512x512xf32>
    %min3A_139 = vector.broadcast %add3A_123 : vector<1x512xf32> to vector<512x512xf32>
    %min3A_140 = arith.minimumf %min3A_138, %min3A_139 : vector<512x512xf32>
    %min3A_141 = vector.broadcast %add3A_35 : vector<512x1xf32> to vector<512x512xf32>
    %min3A_142 = vector.broadcast %add3A_128 : vector<1x512xf32> to vector<512x512xf32>
    %min3A_143 = arith.minimumf %min3A_141, %min3A_142 : vector<512x512xf32>
    %sub3A_144 = arith.subf %min3A_140, %max3A_134 : vector<512x512xf32>
    %max3A_145 = arith.constant 0.000000e+00 : f32
    %max3A_146 = vector.broadcast %max3A_145 : f32 to vector<512x512xf32>
    %max3A_147 = arith.maximumf %sub3A_144, %max3A_146 : vector<512x512xf32>
    %sub3A_148 = arith.subf %min3A_143, %max3A_137 : vector<512x512xf32>
    %max3A_149 = arith.constant 0.000000e+00 : f32
    %max3A_150 = vector.broadcast %max3A_149 : f32 to vector<512x512xf32>
    %max3A_151 = arith.maximumf %sub3A_148, %max3A_150 : vector<512x512xf32>
    %mul3A_152 = arith.mulf %max3A_147, %max3A_151 : vector<512x512xf32>
    %add3A_153 = vector.broadcast %mul3A_37 : vector<512x1xf32> to vector<512x512xf32>
    %add3A_154 = vector.broadcast %mul3A_131 : vector<1x512xf32> to vector<512x512xf32>
    %add3A_155 = arith.addf %add3A_153, %add3A_154 : vector<512x512xf32>
    %sub3A_156 = arith.subf %add3A_155, %mul3A_152 : vector<512x512xf32>
    %add3A_157 = arith.constant 9.99999971E-10 : f32
    %add3A_158 = vector.broadcast %add3A_157 : f32 to vector<512x512xf32>
    %add3A_159 = arith.addf %sub3A_156, %add3A_158 : vector<512x512xf32>
    %div3A_160 = arith.divf %mul3A_152, %add3A_159 : vector<512x512xf32>
    %gt3A_161 = arith.constant 0.699999988 : f32
    %gt3A_162 = vector.broadcast %gt3A_161 : f32 to vector<512x512xf32>
    %gt3A_163 = arith.cmpf ogt, %div3A_160, %gt3A_162 : vector<512x512xf32>
    %convert_element_type3A_164 = arith.extui %gt3A_163 : vector<512x512xi1> to vector<512x512xi32>
    %convert_element_type3A_165 = arith.sitofp %convert_element_type3A_164 : vector<512x512xi32> to vector<512x512xf32>
    %get3A_166 = arith.constant 0 : index
    %get3A_167 = arith.constant 512 : index
    %get3A_168 = vector.load %arg4[%get3A_166, %get3A_167] : memref<1x1024xf32, #tpu.memory_space<vmem>>, vector<1x512xf32>
    %dot_general3A = arith.constant dense<0.000000e+00> : vector<1x512xf32>
    %dot_general3A_169 = tpu.matmul %while3A_105#0, %convert_element_type3A_165, %dot_general3A {dimension_numbers = #tpu.dot_dimension_numbers<[1], [0], [0], [1], [0, 0, 1, 1], [], []>, transpose_lhs_hint = false} : vector<1x512xf32>, vector<512x512xf32>, vector<1x512xf32> -> vector<1x512xf32>
    %add3A_170 = arith.addf %get3A_168, %dot_general3A_169 : vector<1x512xf32>
    %swap3A_171 = arith.constant 0 : index
    %swap3A_172 = arith.constant 512 : index
    %swap3A_173 = vector.load %arg4[%swap3A_171, %swap3A_172] : memref<1x1024xf32, #tpu.memory_space<vmem>>, vector<1x512xf32>
    tpu.vector_store %arg4[%swap3A_171, %swap3A_172], %add3A_170 {strides = array<i32>} : memref<1x1024xf32, #tpu.memory_space<vmem>>, vector<1x512xf32>,
    %get3A_174 = arith.constant 512 : index
    %get3A_175 = arith.constant 0 : index
    %get3A_176 = vector.load %arg0[%get3A_174, %get3A_175] : memref<1024x8xf32, #tpu.memory_space<vmem>>, vector<512x1xf32>
    %add3A_177 = vector.broadcast %mul3A_11 : f32 to vector<512x1xf32>
    %add3A_178 = arith.addf %get3A_176, %add3A_177 : vector<512x1xf32>
    %get3A_179 = arith.constant 512 : index
    %get3A_180 = arith.constant 1 : index
    %get3A_181 = vector.load %arg0[%get3A_179, %get3A_180] : memref<1024x8xf32, #tpu.memory_space<vmem>>, vector<512x1xf32>
    %add3A_182 = vector.broadcast %mul3A_11 : f32 to vector<512x1xf32>
    %add3A_183 = arith.addf %get3A_181, %add3A_182 : vector<512x1xf32>
    %get3A_184 = arith.constant 512 : index
    %get3A_185 = arith.constant 2 : index
    %get3A_186 = vector.load %arg0[%get3A_184, %get3A_185] : memref<1024x8xf32, #tpu.memory_space<vmem>>, vector<512x1xf32>
    %add3A_187 = vector.broadcast %mul3A_11 : f32 to vector<512x1xf32>
    %add3A_188 = arith.addf %get3A_186, %add3A_187 : vector<512x1xf32>
    %get3A_189 = arith.constant 512 : index
    %get3A_190 = arith.constant 3 : index
    %get3A_191 = vector.load %arg0[%get3A_189, %get3A_190] : memref<1024x8xf32, #tpu.memory_space<vmem>>, vector<512x1xf32>
    %add3A_192 = vector.broadcast %mul3A_11 : f32 to vector<512x1xf32>
    %add3A_193 = arith.addf %get3A_191, %add3A_192 : vector<512x1xf32>
    %sub3A_194 = arith.subf %add3A_188, %add3A_178 : vector<512x1xf32>
    %sub3A_195 = arith.subf %add3A_193, %add3A_183 : vector<512x1xf32>
    %mul3A_196 = arith.mulf %sub3A_194, %sub3A_195 : vector<512x1xf32>
    %get3A_197 = arith.constant 0 : index
    %get3A_198 = arith.constant 512 : index
    %get3A_199 = vector.load %arg1[%get3A_197, %get3A_198] : memref<8x1024xf32, #tpu.memory_space<vmem>>, vector<1x512xf32>
    %add3A_200 = vector.broadcast %mul3A_11 : f32 to vector<1x512xf32>
    %add3A_201 = arith.addf %get3A_199, %add3A_200 : vector<1x512xf32>
    %get3A_202 = arith.constant 1 : index
    %get3A_203 = arith.constant 512 : index
    %get3A_204 = vector.load %arg1[%get3A_202, %get3A_203] : memref<8x1024xf32, #tpu.memory_space<vmem>>, vector<1x512xf32>
    %add3A_205 = vector.broadcast %mul3A_11 : f32 to vector<1x512xf32>
    %add3A_206 = arith.addf %get3A_204, %add3A_205 : vector<1x512xf32>
    %get3A_207 = arith.constant 2 : index
    %get3A_208 = arith.constant 512 : index
    %get3A_209 = vector.load %arg1[%get3A_207, %get3A_208] : memref<8x1024xf32, #tpu.memory_space<vmem>>, vector<1x512xf32>
    %add3A_210 = vector.broadcast %mul3A_11 : f32 to vector<1x512xf32>
    %add3A_211 = arith.addf %get3A_209, %add3A_210 : vector<1x512xf32>
    %get3A_212 = arith.constant 3 : index
    %get3A_213 = arith.constant 512 : index
    %get3A_214 = vector.load %arg1[%get3A_212, %get3A_213] : memref<8x1024xf32, #tpu.memory_space<vmem>>, vector<1x512xf32>
    %add3A_215 = vector.broadcast %mul3A_11 : f32 to vector<1x512xf32>
    %add3A_216 = arith.addf %get3A_214, %add3A_215 : vector<1x512xf32>
    %sub3A_217 = arith.subf %add3A_211, %add3A_201 : vector<1x512xf32>
    %sub3A_218 = arith.subf %add3A_216, %add3A_206 : vector<1x512xf32>
    %mul3A_219 = arith.mulf %sub3A_217, %sub3A_218 : vector<1x512xf32>
    %max3A_220 = vector.broadcast %add3A_178 : vector<512x1xf32> to vector<512x512xf32>
    %max3A_221 = vector.broadcast %add3A_201 : vector<1x512xf32> to vector<512x512xf32>
    %max3A_222 = arith.maximumf %max3A_220, %max3A_221 : vector<512x512xf32>
    %max3A_223 = vector.broadcast %add3A_183 : vector<512x1xf32> to vector<512x512xf32>
    %max3A_224 = vector.broadcast %add3A_206 : vector<1x512xf32> to vector<512x512xf32>
    %max3A_225 = arith.maximumf %max3A_223, %max3A_224 : vector<512x512xf32>
    %min3A_226 = vector.broadcast %add3A_188 : vector<512x1xf32> to vector<512x512xf32>
    %min3A_227 = vector.broadcast %add3A_211 : vector<1x512xf32> to vector<512x512xf32>
    %min3A_228 = arith.minimumf %min3A_226, %min3A_227 : vector<512x512xf32>
    %min3A_229 = vector.broadcast %add3A_193 : vector<512x1xf32> to vector<512x512xf32>
    %min3A_230 = vector.broadcast %add3A_216 : vector<1x512xf32> to vector<512x512xf32>
    %min3A_231 = arith.minimumf %min3A_229, %min3A_230 : vector<512x512xf32>
    %sub3A_232 = arith.subf %min3A_228, %max3A_222 : vector<512x512xf32>
    %max3A_233 = arith.constant 0.000000e+00 : f32
    %max3A_234 = vector.broadcast %max3A_233 : f32 to vector<512x512xf32>
    %max3A_235 = arith.maximumf %sub3A_232, %max3A_234 : vector<512x512xf32>
    %sub3A_236 = arith.subf %min3A_231, %max3A_225 : vector<512x512xf32>
    %max3A_237 = arith.constant 0.000000e+00 : f32
    %max3A_238 = vector.broadcast %max3A_237 : f32 to vector<512x512xf32>
    %max3A_239 = arith.maximumf %sub3A_236, %max3A_238 : vector<512x512xf32>
    %mul3A_240 = arith.mulf %max3A_235, %max3A_239 : vector<512x512xf32>
    %add3A_241 = vector.broadcast %mul3A_196 : vector<512x1xf32> to vector<512x512xf32>
    %add3A_242 = vector.broadcast %mul3A_219 : vector<1x512xf32> to vector<512x512xf32>
    %add3A_243 = arith.addf %add3A_241, %add3A_242 : vector<512x512xf32>
    %sub3A_244 = arith.subf %add3A_243, %mul3A_240 : vector<512x512xf32>
    %add3A_245 = arith.constant 9.99999971E-10 : f32
    %add3A_246 = vector.broadcast %add3A_245 : f32 to vector<512x512xf32>
    %add3A_247 = arith.addf %sub3A_244, %add3A_246 : vector<512x512xf32>
    %div3A_248 = arith.divf %mul3A_240, %add3A_247 : vector<512x512xf32>
    %gt3A_249 = arith.constant 0.699999988 : f32
    %gt3A_250 = vector.broadcast %gt3A_249 : f32 to vector<512x512xf32>
    %gt3A_251 = arith.cmpf ogt, %div3A_248, %gt3A_250 : vector<512x512xf32>
    %convert_element_type3A_252 = arith.extui %gt3A_251 : vector<512x512xi1> to vector<512x512xi32>
    %convert_element_type3A_253 = arith.sitofp %convert_element_type3A_252 : vector<512x512xi32> to vector<512x512xf32>
    %iota3A_254 = tpu.iota {dimensions = array<i32: 0>} : vector<512x1xi32>
    %iota3A_255 = tpu.iota {dimensions = array<i32: 1>} : vector<1x512xi32>
    %lt3A_256 = vector.broadcast %iota3A_254 : vector<512x1xi32> to vector<512x512xi32>
    %lt3A_257 = vector.broadcast %iota3A_255 : vector<1x512xi32> to vector<512x512xi32>
    %lt3A_258 = arith.cmpi slt, %lt3A_256, %lt3A_257 : vector<512x512xi32>
    %convert_element_type3A_259 = arith.extui %lt3A_258 : vector<512x512xi1> to vector<512x512xi32>
    %convert_element_type3A_260 = arith.sitofp %convert_element_type3A_259 : vector<512x512xi32> to vector<512x512xf32>
    %mul3A_261 = arith.mulf %convert_element_type3A_253, %convert_element_type3A_260 : vector<512x512xf32>
    %get3A_262 = arith.constant 0 : index
    %get3A_263 = arith.constant 512 : index
    %get3A_264 = vector.load %arg4[%get3A_262, %get3A_263] : memref<1x1024xf32, #tpu.memory_space<vmem>>, vector<1x512xf32>
    %eq3A_265 = arith.constant 0.000000e+00 : f32
    %eq3A_266 = vector.broadcast %eq3A_265 : f32 to vector<1x512xf32>
    %eq3A_267 = arith.cmpf oeq, %get3A_264, %eq3A_266 : vector<1x512xf32>
    %convert_element_type3A_268 = arith.extui %eq3A_267 : vector<1x512xi1> to vector<1x512xi32>
    %convert_element_type3A_269 = arith.sitofp %convert_element_type3A_268 : vector<1x512xi32> to vector<1x512xf32>
    %while3A_270 = arith.constant true
    %while3A_271:2 = scf.while (%while3A_319 = %convert_element_type3A_269, %while3A_320 = %while3A_270) : (vector<1x512xf32>, i1) -> (vector<1x512xf32>, i1) {
      scf.condition(%while3A_320) %while3A_319, %while3A_320 : vector<1x512xf32>, i1
    } do {
    ^bb0(%while3A_319: vector<1x512xf32>, %while3A_320: i1):
      %dot_general3A_321 = arith.constant dense<0.000000e+00> : vector<1x512xf32>
      %dot_general3A_322 = tpu.matmul %while3A_319, %mul3A_261, %dot_general3A_321 {dimension_numbers = #tpu.dot_dimension_numbers<[1], [0], [0], [1], [0, 0, 1, 1], [], []>, transpose_lhs_hint = false} : vector<1x512xf32>, vector<512x512xf32>, vector<1x512xf32> -> vector<1x512xf32>
      %eq3A_323 = arith.constant 0.000000e+00 : f32
      %eq3A_324 = vector.broadcast %eq3A_323 : f32 to vector<1x512xf32>
      %eq3A_325 = arith.cmpf oeq, %dot_general3A_322, %eq3A_324 : vector<1x512xf32>
      %convert_element_type3A_326 = arith.extui %eq3A_325 : vector<1x512xi1> to vector<1x512xi32>
      %convert_element_type3A_327 = arith.sitofp %convert_element_type3A_326 : vector<1x512xi32> to vector<1x512xf32>
      %mul3A_328 = arith.mulf %convert_element_type3A_269, %convert_element_type3A_327 : vector<1x512xf32>
      %ne3A_329 = arith.cmpf one, %mul3A_328, %while3A_319 : vector<1x512xf32>
      %reduce_or3A = arith.constant 1.000000e+00 : f32
      %reduce_or3A_330 = arith.constant 0.000000e+00 : f32
      %reduce_or3A_331 = vector.broadcast %reduce_or3A : f32 to vector<1x512xf32>
      %reduce_or3A_332 = vector.broadcast %reduce_or3A_330 : f32 to vector<1x512xf32>
      %reduce_or3A_333 = arith.select %ne3A_329, %reduce_or3A_331, %reduce_or3A_332 : vector<1x512xi1>, vector<1x512xf32>
      %reduce_or3A_334 = vector.shape_cast %reduce_or3A_333 : vector<1x512xf32> to vector<1x1x512xf32>
      %reduce_or3A_335 = arith.constant dense<0xFF800000> : vector<1xf32>
      %reduce_or3A_336 = vector.multi_reduction <maximumf>, %reduce_or3A_334, %reduce_or3A_335 [1, 2] : vector<1x1x512xf32> to vector<1xf32>
      %reduce_or3A_337 = vector.shape_cast %reduce_or3A_336 : vector<1xf32> to vector<1x1x1xf32>
      %reduce_or3A_338 = vector.extract %reduce_or3A_337[0, 0, 0] : f32 from vector<1x1x1xf32>
      %reduce_or3A_339 = arith.constant 0.000000e+00 : f32
      %reduce_or3A_340 = arith.cmpf ogt, %reduce_or3A_338, %reduce_or3A_339 : f32
      scf.yield %mul3A_328, %reduce_or3A_340 : vector<1x512xf32>, i1
    }
    %swap3A_272 = arith.constant 0 : index
    %swap3A_273 = arith.constant 512 : index
    %swap3A_274 = vector.load %arg3[%swap3A_272, %swap3A_273] : memref<1x1024xf32, #tpu.memory_space<vmem>>, vector<1x512xf32>
    tpu.vector_store %arg3[%swap3A_272, %swap3A_273], %while3A_271#0 {strides = array<i32>} : memref<1x1024xf32, #tpu.memory_space<vmem>>, vector<1x512xf32>,
    %get3A_275 = arith.constant 0 : index
    %get3A_276 = arith.constant 0 : index
    %get3A_277 = vector.load %arg3[%get3A_275, %get3A_276] : memref<1x1024xf32, #tpu.memory_space<vmem>>, vector<1x1024xf32>
    %iota3A_278 = tpu.iota {dimensions = array<i32: 0>} : vector<512x1xi32>
    %iota3A_279 = tpu.iota {dimensions = array<i32: 1>} : vector<1x512xi32>
    %le3A = vector.broadcast %iota3A_278 : vector<512x1xi32> to vector<512x512xi32>
    %le3A_280 = vector.broadcast %iota3A_279 : vector<1x512xi32> to vector<512x512xi32>
    %le3A_281 = arith.cmpi sle, %le3A, %le3A_280 : vector<512x512xi32>
    %convert_element_type3A_282 = arith.extui %le3A_281 : vector<512x512xi1> to vector<512x512xi32>
    %convert_element_type3A_283 = arith.sitofp %convert_element_type3A_282 : vector<512x512xi32> to vector<512x512xf32>
    %slice3A = vector.extract_strided_slice %get3A_277 {offsets = [0, 0], sizes = [1, 512], strides = [1, 1]} : vector<1x1024xf32> to vector<1x512xf32>
    %dot_general3A_284 = arith.constant dense<0.000000e+00> : vector<1x512xf32>
    %dot_general3A_285 = tpu.matmul %slice3A, %convert_element_type3A_283, %dot_general3A_284 {dimension_numbers = #tpu.dot_dimension_numbers<[1], [0], [0], [1], [0, 0, 1, 1], [], []>, transpose_lhs_hint = false} : vector<1x512xf32>, vector<512x512xf32>, vector<1x512xf32> -> vector<1x512xf32>
    %add3A_286 = arith.constant 0.000000e+00 : f32
    %add3A_287 = vector.broadcast %add3A_286 : f32 to vector<1x512xf32>
    %add3A_288 = arith.addf %dot_general3A_285, %add3A_287 : vector<1x512xf32>
    %reduce_sum3A = vector.shape_cast %slice3A : vector<1x512xf32> to vector<1x1x512xf32>
    %reduce_sum3A_289 = arith.constant dense<0.000000e+00> : vector<1xf32>
    %reduce_sum3A_290 = vector.multi_reduction <add>, %reduce_sum3A, %reduce_sum3A_289 [1, 2] : vector<1x1x512xf32> to vector<1xf32>
    %reduce_sum3A_291 = vector.shape_cast %reduce_sum3A_290 : vector<1xf32> to vector<1x1x1xf32>
    %reduce_sum3A_292 = vector.extract %reduce_sum3A_291[0, 0, 0] : f32 from vector<1x1x1xf32>
    %add3A_293 = arith.constant 0.000000e+00 : f32
    %add3A_294 = arith.addf %add3A_293, %reduce_sum3A_292 : f32
    %slice3A_295 = vector.extract_strided_slice %get3A_277 {offsets = [0, 512], sizes = [1, 512], strides = [1, 1]} : vector<1x1024xf32> to vector<1x512xf32>
    %dot_general3A_296 = arith.constant dense<0.000000e+00> : vector<1x512xf32>
    %dot_general3A_297 = tpu.matmul %slice3A_295, %convert_element_type3A_283, %dot_general3A_296 {dimension_numbers = #tpu.dot_dimension_numbers<[1], [0], [0], [1], [0, 0, 1, 1], [], []>, transpose_lhs_hint = false} : vector<1x512xf32>, vector<512x512xf32>, vector<1x512xf32> -> vector<1x512xf32>
    %add3A_298 = vector.broadcast %add3A_294 : f32 to vector<1x512xf32>
    %add3A_299 = arith.addf %dot_general3A_297, %add3A_298 : vector<1x512xf32>
    %concatenate3A = tpu.concatenate %add3A_288, %add3A_299 in 1 : vector<1x512xf32>, vector<1x512xf32> -> vector<1x1024xf32>
    %get3A_300 = arith.constant 4 : index
    %get3A_301 = arith.constant 0 : index
    %get3A_302 = vector.load %arg1[%get3A_300, %get3A_301] : memref<8x1024xf32, #tpu.memory_space<vmem>>, vector<1x1024xf32>
    %iota3A_303 = tpu.iota {dimensions = array<i32: 1>} : vector<1x1024xi32>
    %ne3A = arith.constant 0.000000e+00 : f32
    %ne3A_304 = vector.broadcast %ne3A : f32 to vector<1x1024xf32>
    %ne3A_305 = arith.cmpf one, %get3A_277, %ne3A_304 : vector<1x1024xf32>
    %le3A_306 = arith.constant 1.000000e+03 : f32
    %le3A_307 = vector.broadcast %le3A_306 : f32 to vector<1x1024xf32>
    %le3A_308 = arith.cmpf ole, %concatenate3A, %le3A_307 : vector<1x1024xf32>
    %and3A = arith.andi %ne3A_305, %le3A_308 : vector<1x1024xi1>
    %lt3A_309 = arith.constant 1024 : i32
    %lt3A_310 = vector.broadcast %lt3A_309 : i32 to vector<1x1024xi32>
    %lt3A_311 = arith.cmpi slt, %iota3A_303, %lt3A_310 : vector<1x1024xi32>
    %and3A_312 = arith.andi %and3A, %lt3A_311 : vector<1x1024xi1>
    %jit3A_313 = arith.constant 0xFF800000 : f32
    %broadcast_in_dim3A_314 = vector.broadcast %jit3A_313 : f32 to vector<1x1024xf32>
    %select_n3A_315 = arith.select %and3A_312, %get3A_302, %broadcast_in_dim3A_314 : vector<1x1024xi1>, vector<1x1024xf32>
    %swap3A_316 = arith.constant 0 : index
    %swap3A_317 = arith.constant 0 : index
    %swap3A_318 = vector.load %arg2[%swap3A_316, %swap3A_317] : memref<1x1024xf32, #tpu.memory_space<vmem>>, vector<1x1024xf32>
    tpu.vector_store %arg2[%swap3A_316, %swap3A_317], %select_n3A_315 {strides = array<i32>} : memref<1x1024xf32, #tpu.memory_space<vmem>>, vector<1x1024xf32>,
    return
  }
}

module attributes {stable_mosaic.version = 14 : i64} {
  func.func @_nms_body(%arg0: memref<256x8xf32, #tpu.memory_space<vmem>>, %arg1: memref<8x256xf32, #tpu.memory_space<vmem>>, %arg2: memref<1x256xf32, #tpu.memory_space<vmem>>, %arg3: memref<1x256xf32, #tpu.memory_space<vmem>>, %arg4: memref<1x256xf32, #tpu.memory_space<vmem>>) attributes {dimension_semantics = [], scalar_prefetch = 0 : i64, scratch_operands = 2 : i64, tpu.core_type = #tpu.core_type<tc>} {
    %get3A = arith.constant 0 : index
    %get3A_0 = arith.constant 0 : index
    %get3A_1 = vector.load %arg0[%get3A, %get3A_0] : memref<256x8xf32, #tpu.memory_space<vmem>>, vector<256x4xf32>
    %iota3A = tpu.iota {dimensions = array<i32: 0>} : vector<256x1xi32>
    %lt3A = arith.constant 256 : i32
    %lt3A_2 = vector.broadcast %lt3A : i32 to vector<256x1xi32>
    %lt3A_3 = arith.cmpi slt, %iota3A, %lt3A_2 : vector<256x1xi32>
    %jit3A = arith.constant 0xFF800000 : f32
    %broadcast_in_dim3A = vector.shape_cast %lt3A_3 : vector<256x1xi1> to vector<256x1xi1>
    %broadcast_in_dim3A_4 = vector.broadcast %broadcast_in_dim3A : vector<256x1xi1> to vector<256x4xi1>
    %broadcast_in_dim3A_5 = vector.broadcast %jit3A : f32 to vector<256x4xf32>
    %select_n3A = arith.select %broadcast_in_dim3A_4, %get3A_1, %broadcast_in_dim3A_5 : vector<256x4xi1>, vector<256x4xf32>
    %reduce_max3A = vector.shape_cast %select_n3A : vector<256x4xf32> to vector<1x256x4xf32>
    %reduce_max3A_6 = arith.constant dense<0xFF800000> : vector<1xf32>
    %reduce_max3A_7 = vector.multi_reduction <maximumf>, %reduce_max3A, %reduce_max3A_6 [1, 2] : vector<1x256x4xf32> to vector<1xf32>
    %reduce_max3A_8 = vector.shape_cast %reduce_max3A_7 : vector<1xf32> to vector<1x1x1xf32>
    %reduce_max3A_9 = vector.extract %reduce_max3A_8[0, 0, 0] : f32 from vector<1x1x1xf32>
    %add3A = arith.constant 1.000000e+00 : f32
    %add3A_10 = arith.addf %reduce_max3A_9, %add3A : f32
    %mul3A = arith.constant 2.000000e+00 : f32
    %mul3A_11 = arith.mulf %mul3A, %add3A_10 : f32
    %broadcast_in_dim3A_12 = arith.constant 0.000000e+00 : f32
    %broadcast_in_dim3A_13 = vector.broadcast %broadcast_in_dim3A_12 : f32 to vector<1x256xf32>
    %swap3A = arith.constant 0 : index
    %swap3A_14 = arith.constant 0 : index
    %swap3A_15 = vector.load %arg4[%swap3A, %swap3A_14] : memref<1x256xf32, #tpu.memory_space<vmem>>, vector<1x256xf32>
    tpu.vector_store %arg4[%swap3A, %swap3A_14], %broadcast_in_dim3A_13 {strides = array<i32>} : memref<1x256xf32, #tpu.memory_space<vmem>>, vector<1x256xf32>,
    %get3A_16 = arith.constant 0 : index
    %get3A_17 = arith.constant 0 : index
    %get3A_18 = vector.load %arg0[%get3A_16, %get3A_17] : memref<256x8xf32, #tpu.memory_space<vmem>>, vector<256x1xf32>
    %add3A_19 = vector.broadcast %mul3A_11 : f32 to vector<256x1xf32>
    %add3A_20 = arith.addf %get3A_18, %add3A_19 : vector<256x1xf32>
    %get3A_21 = arith.constant 0 : index
    %get3A_22 = arith.constant 1 : index
    %get3A_23 = vector.load %arg0[%get3A_21, %get3A_22] : memref<256x8xf32, #tpu.memory_space<vmem>>, vector<256x1xf32>
    %add3A_24 = vector.broadcast %mul3A_11 : f32 to vector<256x1xf32>
    %add3A_25 = arith.addf %get3A_23, %add3A_24 : vector<256x1xf32>
    %get3A_26 = arith.constant 0 : index
    %get3A_27 = arith.constant 2 : index
    %get3A_28 = vector.load %arg0[%get3A_26, %get3A_27] : memref<256x8xf32, #tpu.memory_space<vmem>>, vector<256x1xf32>
    %add3A_29 = vector.broadcast %mul3A_11 : f32 to vector<256x1xf32>
    %add3A_30 = arith.addf %get3A_28, %add3A_29 : vector<256x1xf32>
    %get3A_31 = arith.constant 0 : index
    %get3A_32 = arith.constant 3 : index
    %get3A_33 = vector.load %arg0[%get3A_31, %get3A_32] : memref<256x8xf32, #tpu.memory_space<vmem>>, vector<256x1xf32>
    %add3A_34 = vector.broadcast %mul3A_11 : f32 to vector<256x1xf32>
    %add3A_35 = arith.addf %get3A_33, %add3A_34 : vector<256x1xf32>
    %sub3A = arith.subf %add3A_30, %add3A_20 : vector<256x1xf32>
    %sub3A_36 = arith.subf %add3A_35, %add3A_25 : vector<256x1xf32>
    %mul3A_37 = arith.mulf %sub3A, %sub3A_36 : vector<256x1xf32>
    %get3A_38 = arith.constant 0 : index
    %get3A_39 = arith.constant 0 : index
    %get3A_40 = vector.load %arg1[%get3A_38, %get3A_39] : memref<8x256xf32, #tpu.memory_space<vmem>>, vector<1x256xf32>
    %add3A_41 = vector.broadcast %mul3A_11 : f32 to vector<1x256xf32>
    %add3A_42 = arith.addf %get3A_40, %add3A_41 : vector<1x256xf32>
    %get3A_43 = arith.constant 1 : index
    %get3A_44 = arith.constant 0 : index
    %get3A_45 = vector.load %arg1[%get3A_43, %get3A_44] : memref<8x256xf32, #tpu.memory_space<vmem>>, vector<1x256xf32>
    %add3A_46 = vector.broadcast %mul3A_11 : f32 to vector<1x256xf32>
    %add3A_47 = arith.addf %get3A_45, %add3A_46 : vector<1x256xf32>
    %get3A_48 = arith.constant 2 : index
    %get3A_49 = arith.constant 0 : index
    %get3A_50 = vector.load %arg1[%get3A_48, %get3A_49] : memref<8x256xf32, #tpu.memory_space<vmem>>, vector<1x256xf32>
    %add3A_51 = vector.broadcast %mul3A_11 : f32 to vector<1x256xf32>
    %add3A_52 = arith.addf %get3A_50, %add3A_51 : vector<1x256xf32>
    %get3A_53 = arith.constant 3 : index
    %get3A_54 = arith.constant 0 : index
    %get3A_55 = vector.load %arg1[%get3A_53, %get3A_54] : memref<8x256xf32, #tpu.memory_space<vmem>>, vector<1x256xf32>
    %add3A_56 = vector.broadcast %mul3A_11 : f32 to vector<1x256xf32>
    %add3A_57 = arith.addf %get3A_55, %add3A_56 : vector<1x256xf32>
    %sub3A_58 = arith.subf %add3A_52, %add3A_42 : vector<1x256xf32>
    %sub3A_59 = arith.subf %add3A_57, %add3A_47 : vector<1x256xf32>
    %mul3A_60 = arith.mulf %sub3A_58, %sub3A_59 : vector<1x256xf32>
    %max3A = vector.broadcast %add3A_20 : vector<256x1xf32> to vector<256x256xf32>
    %max3A_61 = vector.broadcast %add3A_42 : vector<1x256xf32> to vector<256x256xf32>
    %max3A_62 = arith.maximumf %max3A, %max3A_61 : vector<256x256xf32>
    %max3A_63 = vector.broadcast %add3A_25 : vector<256x1xf32> to vector<256x256xf32>
    %max3A_64 = vector.broadcast %add3A_47 : vector<1x256xf32> to vector<256x256xf32>
    %max3A_65 = arith.maximumf %max3A_63, %max3A_64 : vector<256x256xf32>
    %min3A = vector.broadcast %add3A_30 : vector<256x1xf32> to vector<256x256xf32>
    %min3A_66 = vector.broadcast %add3A_52 : vector<1x256xf32> to vector<256x256xf32>
    %min3A_67 = arith.minimumf %min3A, %min3A_66 : vector<256x256xf32>
    %min3A_68 = vector.broadcast %add3A_35 : vector<256x1xf32> to vector<256x256xf32>
    %min3A_69 = vector.broadcast %add3A_57 : vector<1x256xf32> to vector<256x256xf32>
    %min3A_70 = arith.minimumf %min3A_68, %min3A_69 : vector<256x256xf32>
    %sub3A_71 = arith.subf %min3A_67, %max3A_62 : vector<256x256xf32>
    %max3A_72 = arith.constant 0.000000e+00 : f32
    %max3A_73 = vector.broadcast %max3A_72 : f32 to vector<256x256xf32>
    %max3A_74 = arith.maximumf %sub3A_71, %max3A_73 : vector<256x256xf32>
    %sub3A_75 = arith.subf %min3A_70, %max3A_65 : vector<256x256xf32>
    %max3A_76 = arith.constant 0.000000e+00 : f32
    %max3A_77 = vector.broadcast %max3A_76 : f32 to vector<256x256xf32>
    %max3A_78 = arith.maximumf %sub3A_75, %max3A_77 : vector<256x256xf32>
    %mul3A_79 = arith.mulf %max3A_74, %max3A_78 : vector<256x256xf32>
    %add3A_80 = vector.broadcast %mul3A_37 : vector<256x1xf32> to vector<256x256xf32>
    %add3A_81 = vector.broadcast %mul3A_60 : vector<1x256xf32> to vector<256x256xf32>
    %add3A_82 = arith.addf %add3A_80, %add3A_81 : vector<256x256xf32>
    %sub3A_83 = arith.subf %add3A_82, %mul3A_79 : vector<256x256xf32>
    %add3A_84 = arith.constant 9.99999971E-10 : f32
    %add3A_85 = vector.broadcast %add3A_84 : f32 to vector<256x256xf32>
    %add3A_86 = arith.addf %sub3A_83, %add3A_85 : vector<256x256xf32>
    %div3A = arith.divf %mul3A_79, %add3A_86 : vector<256x256xf32>
    %gt3A = arith.constant 0.699999988 : f32
    %gt3A_87 = vector.broadcast %gt3A : f32 to vector<256x256xf32>
    %gt3A_88 = arith.cmpf ogt, %div3A, %gt3A_87 : vector<256x256xf32>
    %convert_element_type3A = arith.extui %gt3A_88 : vector<256x256xi1> to vector<256x256xi32>
    %convert_element_type3A_89 = arith.sitofp %convert_element_type3A : vector<256x256xi32> to vector<256x256xf32>
    %iota3A_90 = tpu.iota {dimensions = array<i32: 0>} : vector<256x1xi32>
    %iota3A_91 = tpu.iota {dimensions = array<i32: 1>} : vector<1x256xi32>
    %lt3A_92 = vector.broadcast %iota3A_90 : vector<256x1xi32> to vector<256x256xi32>
    %lt3A_93 = vector.broadcast %iota3A_91 : vector<1x256xi32> to vector<256x256xi32>
    %lt3A_94 = arith.cmpi slt, %lt3A_92, %lt3A_93 : vector<256x256xi32>
    %convert_element_type3A_95 = arith.extui %lt3A_94 : vector<256x256xi1> to vector<256x256xi32>
    %convert_element_type3A_96 = arith.sitofp %convert_element_type3A_95 : vector<256x256xi32> to vector<256x256xf32>
    %mul3A_97 = arith.mulf %convert_element_type3A_89, %convert_element_type3A_96 : vector<256x256xf32>
    %get3A_98 = arith.constant 0 : index
    %get3A_99 = arith.constant 0 : index
    %get3A_100 = vector.load %arg4[%get3A_98, %get3A_99] : memref<1x256xf32, #tpu.memory_space<vmem>>, vector<1x256xf32>
    %eq3A = arith.constant 0.000000e+00 : f32
    %eq3A_101 = vector.broadcast %eq3A : f32 to vector<1x256xf32>
    %eq3A_102 = arith.cmpf oeq, %get3A_100, %eq3A_101 : vector<1x256xf32>
    %convert_element_type3A_103 = arith.extui %eq3A_102 : vector<1x256xi1> to vector<1x256xi32>
    %convert_element_type3A_104 = arith.sitofp %convert_element_type3A_103 : vector<1x256xi32> to vector<1x256xf32>
    %while3A = arith.constant true
    %while3A_105:2 = scf.while (%while3A_141 = %convert_element_type3A_104, %while3A_142 = %while3A) : (vector<1x256xf32>, i1) -> (vector<1x256xf32>, i1) {
      scf.condition(%while3A_142) %while3A_141, %while3A_142 : vector<1x256xf32>, i1
    } do {
    ^bb0(%while3A_141: vector<1x256xf32>, %while3A_142: i1):
      %dot_general3A_143 = arith.constant dense<0.000000e+00> : vector<1x256xf32>
      %dot_general3A_144 = tpu.matmul %while3A_141, %mul3A_97, %dot_general3A_143 {dimension_numbers = #tpu.dot_dimension_numbers<[1], [0], [0], [1], [0, 0, 1, 1], [], []>, transpose_lhs_hint = false} : vector<1x256xf32>, vector<256x256xf32>, vector<1x256xf32> -> vector<1x256xf32>
      %eq3A_145 = arith.constant 0.000000e+00 : f32
      %eq3A_146 = vector.broadcast %eq3A_145 : f32 to vector<1x256xf32>
      %eq3A_147 = arith.cmpf oeq, %dot_general3A_144, %eq3A_146 : vector<1x256xf32>
      %convert_element_type3A_148 = arith.extui %eq3A_147 : vector<1x256xi1> to vector<1x256xi32>
      %convert_element_type3A_149 = arith.sitofp %convert_element_type3A_148 : vector<1x256xi32> to vector<1x256xf32>
      %mul3A_150 = arith.mulf %convert_element_type3A_104, %convert_element_type3A_149 : vector<1x256xf32>
      %ne3A_151 = arith.cmpf one, %mul3A_150, %while3A_141 : vector<1x256xf32>
      %reduce_or3A = arith.constant 1.000000e+00 : f32
      %reduce_or3A_152 = arith.constant 0.000000e+00 : f32
      %reduce_or3A_153 = vector.broadcast %reduce_or3A : f32 to vector<1x256xf32>
      %reduce_or3A_154 = vector.broadcast %reduce_or3A_152 : f32 to vector<1x256xf32>
      %reduce_or3A_155 = arith.select %ne3A_151, %reduce_or3A_153, %reduce_or3A_154 : vector<1x256xi1>, vector<1x256xf32>
      %reduce_or3A_156 = vector.shape_cast %reduce_or3A_155 : vector<1x256xf32> to vector<1x1x256xf32>
      %reduce_or3A_157 = arith.constant dense<0xFF800000> : vector<1xf32>
      %reduce_or3A_158 = vector.multi_reduction <maximumf>, %reduce_or3A_156, %reduce_or3A_157 [1, 2] : vector<1x1x256xf32> to vector<1xf32>
      %reduce_or3A_159 = vector.shape_cast %reduce_or3A_158 : vector<1xf32> to vector<1x1x1xf32>
      %reduce_or3A_160 = vector.extract %reduce_or3A_159[0, 0, 0] : f32 from vector<1x1x1xf32>
      %reduce_or3A_161 = arith.constant 0.000000e+00 : f32
      %reduce_or3A_162 = arith.cmpf ogt, %reduce_or3A_160, %reduce_or3A_161 : f32
      scf.yield %mul3A_150, %reduce_or3A_162 : vector<1x256xf32>, i1
    }
    %swap3A_106 = arith.constant 0 : index
    %swap3A_107 = arith.constant 0 : index
    %swap3A_108 = vector.load %arg3[%swap3A_106, %swap3A_107] : memref<1x256xf32, #tpu.memory_space<vmem>>, vector<1x256xf32>
    tpu.vector_store %arg3[%swap3A_106, %swap3A_107], %while3A_105#0 {strides = array<i32>} : memref<1x256xf32, #tpu.memory_space<vmem>>, vector<1x256xf32>,
    %get3A_109 = arith.constant 0 : index
    %get3A_110 = arith.constant 0 : index
    %get3A_111 = vector.load %arg3[%get3A_109, %get3A_110] : memref<1x256xf32, #tpu.memory_space<vmem>>, vector<1x256xf32>
    %iota3A_112 = tpu.iota {dimensions = array<i32: 0>} : vector<256x1xi32>
    %iota3A_113 = tpu.iota {dimensions = array<i32: 1>} : vector<1x256xi32>
    %le3A = vector.broadcast %iota3A_112 : vector<256x1xi32> to vector<256x256xi32>
    %le3A_114 = vector.broadcast %iota3A_113 : vector<1x256xi32> to vector<256x256xi32>
    %le3A_115 = arith.cmpi sle, %le3A, %le3A_114 : vector<256x256xi32>
    %convert_element_type3A_116 = arith.extui %le3A_115 : vector<256x256xi1> to vector<256x256xi32>
    %convert_element_type3A_117 = arith.sitofp %convert_element_type3A_116 : vector<256x256xi32> to vector<256x256xf32>
    %dot_general3A = arith.constant dense<0.000000e+00> : vector<1x256xf32>
    %dot_general3A_118 = tpu.matmul %get3A_111, %convert_element_type3A_117, %dot_general3A {dimension_numbers = #tpu.dot_dimension_numbers<[1], [0], [0], [1], [0, 0, 1, 1], [], []>, transpose_lhs_hint = false} : vector<1x256xf32>, vector<256x256xf32>, vector<1x256xf32> -> vector<1x256xf32>
    %add3A_119 = arith.constant 0.000000e+00 : f32
    %add3A_120 = vector.broadcast %add3A_119 : f32 to vector<1x256xf32>
    %add3A_121 = arith.addf %dot_general3A_118, %add3A_120 : vector<1x256xf32>
    %get3A_122 = arith.constant 4 : index
    %get3A_123 = arith.constant 0 : index
    %get3A_124 = vector.load %arg1[%get3A_122, %get3A_123] : memref<8x256xf32, #tpu.memory_space<vmem>>, vector<1x256xf32>
    %iota3A_125 = tpu.iota {dimensions = array<i32: 1>} : vector<1x256xi32>
    %ne3A = arith.constant 0.000000e+00 : f32
    %ne3A_126 = vector.broadcast %ne3A : f32 to vector<1x256xf32>
    %ne3A_127 = arith.cmpf one, %get3A_111, %ne3A_126 : vector<1x256xf32>
    %le3A_128 = arith.constant 1.000000e+03 : f32
    %le3A_129 = vector.broadcast %le3A_128 : f32 to vector<1x256xf32>
    %le3A_130 = arith.cmpf ole, %add3A_121, %le3A_129 : vector<1x256xf32>
    %and3A = arith.andi %ne3A_127, %le3A_130 : vector<1x256xi1>
    %lt3A_131 = arith.constant 256 : i32
    %lt3A_132 = vector.broadcast %lt3A_131 : i32 to vector<1x256xi32>
    %lt3A_133 = arith.cmpi slt, %iota3A_125, %lt3A_132 : vector<1x256xi32>
    %and3A_134 = arith.andi %and3A, %lt3A_133 : vector<1x256xi1>
    %jit3A_135 = arith.constant 0xFF800000 : f32
    %broadcast_in_dim3A_136 = vector.broadcast %jit3A_135 : f32 to vector<1x256xf32>
    %select_n3A_137 = arith.select %and3A_134, %get3A_124, %broadcast_in_dim3A_136 : vector<1x256xi1>, vector<1x256xf32>
    %swap3A_138 = arith.constant 0 : index
    %swap3A_139 = arith.constant 0 : index
    %swap3A_140 = vector.load %arg2[%swap3A_138, %swap3A_139] : memref<1x256xf32, #tpu.memory_space<vmem>>, vector<1x256xf32>
    tpu.vector_store %arg2[%swap3A_138, %swap3A_139], %select_n3A_137 {strides = array<i32>} : memref<1x256xf32, #tpu.memory_space<vmem>>, vector<1x256xf32>,
    return
  }
}

module attributes {stable_mosaic.version = 14 : i64} {
  func.func @_nms_body(%arg0: memref<3072x8xf32, #tpu.memory_space<vmem>>, %arg1: memref<8x3072xf32, #tpu.memory_space<vmem>>, %arg2: memref<1x3072xf32, #tpu.memory_space<vmem>>, %arg3: memref<1x3072xf32, #tpu.memory_space<vmem>>, %arg4: memref<1x3072xf32, #tpu.memory_space<vmem>>) attributes {dimension_semantics = [], scalar_prefetch = 0 : i64, scratch_operands = 2 : i64, tpu.core_type = #tpu.core_type<tc>} {
    %get3A = arith.constant 0 : index
    %get3A_0 = arith.constant 0 : index
    %get3A_1 = vector.load %arg0[%get3A, %get3A_0] : memref<3072x8xf32, #tpu.memory_space<vmem>>, vector<3072x4xf32>
    %iota3A = tpu.iota {dimensions = array<i32: 0>} : vector<3072x1xi32>
    %lt3A = arith.constant 3000 : i32
    %lt3A_2 = vector.broadcast %lt3A : i32 to vector<3072x1xi32>
    %lt3A_3 = arith.cmpi slt, %iota3A, %lt3A_2 : vector<3072x1xi32>
    %jit3A = arith.constant 0xFF800000 : f32
    %broadcast_in_dim3A = vector.shape_cast %lt3A_3 : vector<3072x1xi1> to vector<3072x1xi1>
    %broadcast_in_dim3A_4 = vector.broadcast %broadcast_in_dim3A : vector<3072x1xi1> to vector<3072x4xi1>
    %broadcast_in_dim3A_5 = vector.broadcast %jit3A : f32 to vector<3072x4xf32>
    %select_n3A = arith.select %broadcast_in_dim3A_4, %get3A_1, %broadcast_in_dim3A_5 : vector<3072x4xi1>, vector<3072x4xf32>
    %reduce_max3A = vector.shape_cast %select_n3A : vector<3072x4xf32> to vector<1x3072x4xf32>
    %reduce_max3A_6 = arith.constant dense<0xFF800000> : vector<1xf32>
    %reduce_max3A_7 = vector.multi_reduction <maximumf>, %reduce_max3A, %reduce_max3A_6 [1, 2] : vector<1x3072x4xf32> to vector<1xf32>
    %reduce_max3A_8 = vector.shape_cast %reduce_max3A_7 : vector<1xf32> to vector<1x1x1xf32>
    %reduce_max3A_9 = vector.extract %reduce_max3A_8[0, 0, 0] : f32 from vector<1x1x1xf32>
    %add3A = arith.constant 1.000000e+00 : f32
    %add3A_10 = arith.addf %reduce_max3A_9, %add3A : f32
    %mul3A = arith.constant 0.000000e+00 : f32
    %mul3A_11 = arith.mulf %mul3A, %add3A_10 : f32
    %broadcast_in_dim3A_12 = arith.constant 0.000000e+00 : f32
    %broadcast_in_dim3A_13 = vector.broadcast %broadcast_in_dim3A_12 : f32 to vector<1x3072xf32>
    %swap3A = arith.constant 0 : index
    %swap3A_14 = arith.constant 0 : index
    %swap3A_15 = vector.load %arg4[%swap3A, %swap3A_14] : memref<1x3072xf32, #tpu.memory_space<vmem>>, vector<1x3072xf32>
    tpu.vector_store %arg4[%swap3A, %swap3A_14], %broadcast_in_dim3A_13 {strides = array<i32>} : memref<1x3072xf32, #tpu.memory_space<vmem>>, vector<1x3072xf32>,
    %get3A_16 = arith.constant 0 : index
    %get3A_17 = arith.constant 0 : index
    %get3A_18 = vector.load %arg0[%get3A_16, %get3A_17] : memref<3072x8xf32, #tpu.memory_space<vmem>>, vector<512x1xf32>
    %add3A_19 = vector.broadcast %mul3A_11 : f32 to vector<512x1xf32>
    %add3A_20 = arith.addf %get3A_18, %add3A_19 : vector<512x1xf32>
    %get3A_21 = arith.constant 0 : index
    %get3A_22 = arith.constant 1 : index
    %get3A_23 = vector.load %arg0[%get3A_21, %get3A_22] : memref<3072x8xf32, #tpu.memory_space<vmem>>, vector<512x1xf32>
    %add3A_24 = vector.broadcast %mul3A_11 : f32 to vector<512x1xf32>
    %add3A_25 = arith.addf %get3A_23, %add3A_24 : vector<512x1xf32>
    %get3A_26 = arith.constant 0 : index
    %get3A_27 = arith.constant 2 : index
    %get3A_28 = vector.load %arg0[%get3A_26, %get3A_27] : memref<3072x8xf32, #tpu.memory_space<vmem>>, vector<512x1xf32>
    %add3A_29 = vector.broadcast %mul3A_11 : f32 to vector<512x1xf32>
    %add3A_30 = arith.addf %get3A_28, %add3A_29 : vector<512x1xf32>
    %get3A_31 = arith.constant 0 : index
    %get3A_32 = arith.constant 3 : index
    %get3A_33 = vector.load %arg0[%get3A_31, %get3A_32] : memref<3072x8xf32, #tpu.memory_space<vmem>>, vector<512x1xf32>
    %add3A_34 = vector.broadcast %mul3A_11 : f32 to vector<512x1xf32>
    %add3A_35 = arith.addf %get3A_33, %add3A_34 : vector<512x1xf32>
    %sub3A = arith.subf %add3A_30, %add3A_20 : vector<512x1xf32>
    %sub3A_36 = arith.subf %add3A_35, %add3A_25 : vector<512x1xf32>
    %mul3A_37 = arith.mulf %sub3A, %sub3A_36 : vector<512x1xf32>
    %get3A_38 = arith.constant 0 : index
    %get3A_39 = arith.constant 0 : index
    %get3A_40 = vector.load %arg1[%get3A_38, %get3A_39] : memref<8x3072xf32, #tpu.memory_space<vmem>>, vector<1x512xf32>
    %add3A_41 = vector.broadcast %mul3A_11 : f32 to vector<1x512xf32>
    %add3A_42 = arith.addf %get3A_40, %add3A_41 : vector<1x512xf32>
    %get3A_43 = arith.constant 1 : index
    %get3A_44 = arith.constant 0 : index
    %get3A_45 = vector.load %arg1[%get3A_43, %get3A_44] : memref<8x3072xf32, #tpu.memory_space<vmem>>, vector<1x512xf32>
    %add3A_46 = vector.broadcast %mul3A_11 : f32 to vector<1x512xf32>
    %add3A_47 = arith.addf %get3A_45, %add3A_46 : vector<1x512xf32>
    %get3A_48 = arith.constant 2 : index
    %get3A_49 = arith.constant 0 : index
    %get3A_50 = vector.load %arg1[%get3A_48, %get3A_49] : memref<8x3072xf32, #tpu.memory_space<vmem>>, vector<1x512xf32>
    %add3A_51 = vector.broadcast %mul3A_11 : f32 to vector<1x512xf32>
    %add3A_52 = arith.addf %get3A_50, %add3A_51 : vector<1x512xf32>
    %get3A_53 = arith.constant 3 : index
    %get3A_54 = arith.constant 0 : index
    %get3A_55 = vector.load %arg1[%get3A_53, %get3A_54] : memref<8x3072xf32, #tpu.memory_space<vmem>>, vector<1x512xf32>
    %add3A_56 = vector.broadcast %mul3A_11 : f32 to vector<1x512xf32>
    %add3A_57 = arith.addf %get3A_55, %add3A_56 : vector<1x512xf32>
    %sub3A_58 = arith.subf %add3A_52, %add3A_42 : vector<1x512xf32>
    %sub3A_59 = arith.subf %add3A_57, %add3A_47 : vector<1x512xf32>
    %mul3A_60 = arith.mulf %sub3A_58, %sub3A_59 : vector<1x512xf32>
    %max3A = vector.broadcast %add3A_20 : vector<512x1xf32> to vector<512x512xf32>
    %max3A_61 = vector.broadcast %add3A_42 : vector<1x512xf32> to vector<512x512xf32>
    %max3A_62 = arith.maximumf %max3A, %max3A_61 : vector<512x512xf32>
    %max3A_63 = vector.broadcast %add3A_25 : vector<512x1xf32> to vector<512x512xf32>
    %max3A_64 = vector.broadcast %add3A_47 : vector<1x512xf32> to vector<512x512xf32>
    %max3A_65 = arith.maximumf %max3A_63, %max3A_64 : vector<512x512xf32>
    %min3A = vector.broadcast %add3A_30 : vector<512x1xf32> to vector<512x512xf32>
    %min3A_66 = vector.broadcast %add3A_52 : vector<1x512xf32> to vector<512x512xf32>
    %min3A_67 = arith.minimumf %min3A, %min3A_66 : vector<512x512xf32>
    %min3A_68 = vector.broadcast %add3A_35 : vector<512x1xf32> to vector<512x512xf32>
    %min3A_69 = vector.broadcast %add3A_57 : vector<1x512xf32> to vector<512x512xf32>
    %min3A_70 = arith.minimumf %min3A_68, %min3A_69 : vector<512x512xf32>
    %sub3A_71 = arith.subf %min3A_67, %max3A_62 : vector<512x512xf32>
    %max3A_72 = arith.constant 0.000000e+00 : f32
    %max3A_73 = vector.broadcast %max3A_72 : f32 to vector<512x512xf32>
    %max3A_74 = arith.maximumf %sub3A_71, %max3A_73 : vector<512x512xf32>
    %sub3A_75 = arith.subf %min3A_70, %max3A_65 : vector<512x512xf32>
    %max3A_76 = arith.constant 0.000000e+00 : f32
    %max3A_77 = vector.broadcast %max3A_76 : f32 to vector<512x512xf32>
    %max3A_78 = arith.maximumf %sub3A_75, %max3A_77 : vector<512x512xf32>
    %mul3A_79 = arith.mulf %max3A_74, %max3A_78 : vector<512x512xf32>
    %add3A_80 = vector.broadcast %mul3A_37 : vector<512x1xf32> to vector<512x512xf32>
    %add3A_81 = vector.broadcast %mul3A_60 : vector<1x512xf32> to vector<512x512xf32>
    %add3A_82 = arith.addf %add3A_80, %add3A_81 : vector<512x512xf32>
    %sub3A_83 = arith.subf %add3A_82, %mul3A_79 : vector<512x512xf32>
    %add3A_84 = arith.constant 9.99999971E-10 : f32
    %add3A_85 = vector.broadcast %add3A_84 : f32 to vector<512x512xf32>
    %add3A_86 = arith.addf %sub3A_83, %add3A_85 : vector<512x512xf32>
    %div3A = arith.divf %mul3A_79, %add3A_86 : vector<512x512xf32>
    %gt3A = arith.constant 0.699999988 : f32
    %gt3A_87 = vector.broadcast %gt3A : f32 to vector<512x512xf32>
    %gt3A_88 = arith.cmpf ogt, %div3A, %gt3A_87 : vector<512x512xf32>
    %convert_element_type3A = arith.extui %gt3A_88 : vector<512x512xi1> to vector<512x512xi32>
    %convert_element_type3A_89 = arith.sitofp %convert_element_type3A : vector<512x512xi32> to vector<512x512xf32>
    %iota3A_90 = tpu.iota {dimensions = array<i32: 0>} : vector<512x1xi32>
    %iota3A_91 = tpu.iota {dimensions = array<i32: 1>} : vector<1x512xi32>
    %lt3A_92 = vector.broadcast %iota3A_90 : vector<512x1xi32> to vector<512x512xi32>
    %lt3A_93 = vector.broadcast %iota3A_91 : vector<1x512xi32> to vector<512x512xi32>
    %lt3A_94 = arith.cmpi slt, %lt3A_92, %lt3A_93 : vector<512x512xi32>
    %convert_element_type3A_95 = arith.extui %lt3A_94 : vector<512x512xi1> to vector<512x512xi32>
    %convert_element_type3A_96 = arith.sitofp %convert_element_type3A_95 : vector<512x512xi32> to vector<512x512xf32>
    %mul3A_97 = arith.mulf %convert_element_type3A_89, %convert_element_type3A_96 : vector<512x512xf32>
    %get3A_98 = arith.constant 0 : index
    %get3A_99 = arith.constant 0 : index
    %get3A_100 = vector.load %arg4[%get3A_98, %get3A_99] : memref<1x3072xf32, #tpu.memory_space<vmem>>, vector<1x512xf32>
    %eq3A = arith.constant 0.000000e+00 : f32
    %eq3A_101 = vector.broadcast %eq3A : f32 to vector<1x512xf32>
    %eq3A_102 = arith.cmpf oeq, %get3A_100, %eq3A_101 : vector<1x512xf32>
    %convert_element_type3A_103 = arith.extui %eq3A_102 : vector<1x512xi1> to vector<1x512xi32>
    %convert_element_type3A_104 = arith.sitofp %convert_element_type3A_103 : vector<1x512xi32> to vector<1x512xf32>
    %while3A = arith.constant true
    %while3A_105:2 = scf.while (%while3A_1691 = %convert_element_type3A_104, %while3A_1692 = %while3A) : (vector<1x512xf32>, i1) -> (vector<1x512xf32>, i1) {
      scf.condition(%while3A_1692) %while3A_1691, %while3A_1692 : vector<1x512xf32>, i1
    } do {
    ^bb0(%while3A_1691: vector<1x512xf32>, %while3A_1692: i1):
      %dot_general3A_1693 = arith.constant dense<0.000000e+00> : vector<1x512xf32>
      %dot_general3A_1694 = tpu.matmul %while3A_1691, %mul3A_97, %dot_general3A_1693 {dimension_numbers = #tpu.dot_dimension_numbers<[1], [0], [0], [1], [0, 0, 1, 1], [], []>, transpose_lhs_hint = false} : vector<1x512xf32>, vector<512x512xf32>, vector<1x512xf32> -> vector<1x512xf32>
      %eq3A_1695 = arith.constant 0.000000e+00 : f32
      %eq3A_1696 = vector.broadcast %eq3A_1695 : f32 to vector<1x512xf32>
      %eq3A_1697 = arith.cmpf oeq, %dot_general3A_1694, %eq3A_1696 : vector<1x512xf32>
      %convert_element_type3A_1698 = arith.extui %eq3A_1697 : vector<1x512xi1> to vector<1x512xi32>
      %convert_element_type3A_1699 = arith.sitofp %convert_element_type3A_1698 : vector<1x512xi32> to vector<1x512xf32>
      %mul3A_1700 = arith.mulf %convert_element_type3A_104, %convert_element_type3A_1699 : vector<1x512xf32>
      %ne3A_1701 = arith.cmpf one, %mul3A_1700, %while3A_1691 : vector<1x512xf32>
      %reduce_or3A = arith.constant 1.000000e+00 : f32
      %reduce_or3A_1702 = arith.constant 0.000000e+00 : f32
      %reduce_or3A_1703 = vector.broadcast %reduce_or3A : f32 to vector<1x512xf32>
      %reduce_or3A_1704 = vector.broadcast %reduce_or3A_1702 : f32 to vector<1x512xf32>
      %reduce_or3A_1705 = arith.select %ne3A_1701, %reduce_or3A_1703, %reduce_or3A_1704 : vector<1x512xi1>, vector<1x512xf32>
      %reduce_or3A_1706 = vector.shape_cast %reduce_or3A_1705 : vector<1x512xf32> to vector<1x1x512xf32>
      %reduce_or3A_1707 = arith.constant dense<0xFF800000> : vector<1xf32>
      %reduce_or3A_1708 = vector.multi_reduction <maximumf>, %reduce_or3A_1706, %reduce_or3A_1707 [1, 2] : vector<1x1x512xf32> to vector<1xf32>
      %reduce_or3A_1709 = vector.shape_cast %reduce_or3A_1708 : vector<1xf32> to vector<1x1x1xf32>
      %reduce_or3A_1710 = vector.extract %reduce_or3A_1709[0, 0, 0] : f32 from vector<1x1x1xf32>
      %reduce_or3A_1711 = arith.constant 0.000000e+00 : f32
      %reduce_or3A_1712 = arith.cmpf ogt, %reduce_or3A_1710, %reduce_or3A_1711 : f32
      scf.yield %mul3A_1700, %reduce_or3A_1712 : vector<1x512xf32>, i1
    }
    %swap3A_106 = arith.constant 0 : index
    %swap3A_107 = arith.constant 0 : index
    %swap3A_108 = vector.load %arg3[%swap3A_106, %swap3A_107] : memref<1x3072xf32, #tpu.memory_space<vmem>>, vector<1x512xf32>
    tpu.vector_store %arg3[%swap3A_106, %swap3A_107], %while3A_105#0 {strides = array<i32>} : memref<1x3072xf32, #tpu.memory_space<vmem>>, vector<1x512xf32>,
    %get3A_109 = arith.constant 0 : index
    %get3A_110 = arith.constant 512 : index
    %get3A_111 = vector.load %arg1[%get3A_109, %get3A_110] : memref<8x3072xf32, #tpu.memory_space<vmem>>, vector<1x512xf32>
    %add3A_112 = vector.broadcast %mul3A_11 : f32 to vector<1x512xf32>
    %add3A_113 = arith.addf %get3A_111, %add3A_112 : vector<1x512xf32>
    %get3A_114 = arith.constant 1 : index
    %get3A_115 = arith.constant 512 : index
    %get3A_116 = vector.load %arg1[%get3A_114, %get3A_115] : memref<8x3072xf32, #tpu.memory_space<vmem>>, vector<1x512xf32>
    %add3A_117 = vector.broadcast %mul3A_11 : f32 to vector<1x512xf32>
    %add3A_118 = arith.addf %get3A_116, %add3A_117 : vector<1x512xf32>
    %get3A_119 = arith.constant 2 : index
    %get3A_120 = arith.constant 512 : index
    %get3A_121 = vector.load %arg1[%get3A_119, %get3A_120] : memref<8x3072xf32, #tpu.memory_space<vmem>>, vector<1x512xf32>
    %add3A_122 = vector.broadcast %mul3A_11 : f32 to vector<1x512xf32>
    %add3A_123 = arith.addf %get3A_121, %add3A_122 : vector<1x512xf32>
    %get3A_124 = arith.constant 3 : index
    %get3A_125 = arith.constant 512 : index
    %get3A_126 = vector.load %arg1[%get3A_124, %get3A_125] : memref<8x3072xf32, #tpu.memory_space<vmem>>, vector<1x512xf32>
    %add3A_127 = vector.broadcast %mul3A_11 : f32 to vector<1x512xf32>
    %add3A_128 = arith.addf %get3A_126, %add3A_127 : vector<1x512xf32>
    %sub3A_129 = arith.subf %add3A_123, %add3A_113 : vector<1x512xf32>
    %sub3A_130 = arith.subf %add3A_128, %add3A_118 : vector<1x512xf32>
    %mul3A_131 = arith.mulf %sub3A_129, %sub3A_130 : vector<1x512xf32>
    %max3A_132 = vector.broadcast %add3A_20 : vector<512x1xf32> to vector<512x512xf32>
    %max3A_133 = vector.broadcast %add3A_113 : vector<1x512xf32> to vector<512x512xf32>
    %max3A_134 = arith.maximumf %max3A_132, %max3A_133 : vector<512x512xf32>
    %max3A_135 = vector.broadcast %add3A_25 : vector<512x1xf32> to vector<512x512xf32>
    %max3A_136 = vector.broadcast %add3A_118 : vector<1x512xf32> to vector<512x512xf32>
    %max3A_137 = arith.maximumf %max3A_135, %max3A_136 : vector<512x512xf32>
    %min3A_138 = vector.broadcast %add3A_30 : vector<512x1xf32> to vector<512x512xf32>
    %min3A_139 = vector.broadcast %add3A_123 : vector<1x512xf32> to vector<512x512xf32>
    %min3A_140 = arith.minimumf %min3A_138, %min3A_139 : vector<512x512xf32>
    %min3A_141 = vector.broadcast %add3A_35 : vector<512x1xf32> to vector<512x512xf32>
    %min3A_142 = vector.broadcast %add3A_128 : vector<1x512xf32> to vector<512x512xf32>
    %min3A_143 = arith.minimumf %min3A_141, %min3A_142 : vector<512x512xf32>
    %sub3A_144 = arith.subf %min3A_140, %max3A_134 : vector<512x512xf32>
    %max3A_145 = arith.constant 0.000000e+00 : f32
    %max3A_146 = vector.broadcast %max3A_145 : f32 to vector<512x512xf32>
    %max3A_147 = arith.maximumf %sub3A_144, %max3A_146 : vector<512x512xf32>
    %sub3A_148 = arith.subf %min3A_143, %max3A_137 : vector<512x512xf32>
    %max3A_149 = arith.constant 0.000000e+00 : f32
    %max3A_150 = vector.broadcast %max3A_149 : f32 to vector<512x512xf32>
    %max3A_151 = arith.maximumf %sub3A_148, %max3A_150 : vector<512x512xf32>
    %mul3A_152 = arith.mulf %max3A_147, %max3A_151 : vector<512x512xf32>
    %add3A_153 = vector.broadcast %mul3A_37 : vector<512x1xf32> to vector<512x512xf32>
    %add3A_154 = vector.broadcast %mul3A_131 : vector<1x512xf32> to vector<512x512xf32>
    %add3A_155 = arith.addf %add3A_153, %add3A_154 : vector<512x512xf32>
    %sub3A_156 = arith.subf %add3A_155, %mul3A_152 : vector<512x512xf32>
    %add3A_157 = arith.constant 9.99999971E-10 : f32
    %add3A_158 = vector.broadcast %add3A_157 : f32 to vector<512x512xf32>
    %add3A_159 = arith.addf %sub3A_156, %add3A_158 : vector<512x512xf32>
    %div3A_160 = arith.divf %mul3A_152, %add3A_159 : vector<512x512xf32>
    %gt3A_161 = arith.constant 0.699999988 : f32
    %gt3A_162 = vector.broadcast %gt3A_161 : f32 to vector<512x512xf32>
    %gt3A_163 = arith.cmpf ogt, %div3A_160, %gt3A_162 : vector<512x512xf32>
    %convert_element_type3A_164 = arith.extui %gt3A_163 : vector<512x512xi1> to vector<512x512xi32>
    %convert_element_type3A_165 = arith.sitofp %convert_element_type3A_164 : vector<512x512xi32> to vector<512x512xf32>
    %get3A_166 = arith.constant 0 : index
    %get3A_167 = arith.constant 512 : index
    %get3A_168 = vector.load %arg4[%get3A_166, %get3A_167] : memref<1x3072xf32, #tpu.memory_space<vmem>>, vector<1x512xf32>
    %dot_general3A = arith.constant dense<0.000000e+00> : vector<1x512xf32>
    %dot_general3A_169 = tpu.matmul %while3A_105#0, %convert_element_type3A_165, %dot_general3A {dimension_numbers = #tpu.dot_dimension_numbers<[1], [0], [0], [1], [0, 0, 1, 1], [], []>, transpose_lhs_hint = false} : vector<1x512xf32>, vector<512x512xf32>, vector<1x512xf32> -> vector<1x512xf32>
    %add3A_170 = arith.addf %get3A_168, %dot_general3A_169 : vector<1x512xf32>
    %swap3A_171 = arith.constant 0 : index
    %swap3A_172 = arith.constant 512 : index
    %swap3A_173 = vector.load %arg4[%swap3A_171, %swap3A_172] : memref<1x3072xf32, #tpu.memory_space<vmem>>, vector<1x512xf32>
    tpu.vector_store %arg4[%swap3A_171, %swap3A_172], %add3A_170 {strides = array<i32>} : memref<1x3072xf32, #tpu.memory_space<vmem>>, vector<1x512xf32>,
    %get3A_174 = arith.constant 0 : index
    %get3A_175 = arith.constant 1024 : index
    %get3A_176 = vector.load %arg1[%get3A_174, %get3A_175] : memref<8x3072xf32, #tpu.memory_space<vmem>>, vector<1x512xf32>
    %add3A_177 = vector.broadcast %mul3A_11 : f32 to vector<1x512xf32>
    %add3A_178 = arith.addf %get3A_176, %add3A_177 : vector<1x512xf32>
    %get3A_179 = arith.constant 1 : index
    %get3A_180 = arith.constant 1024 : index
    %get3A_181 = vector.load %arg1[%get3A_179, %get3A_180] : memref<8x3072xf32, #tpu.memory_space<vmem>>, vector<1x512xf32>
    %add3A_182 = vector.broadcast %mul3A_11 : f32 to vector<1x512xf32>
    %add3A_183 = arith.addf %get3A_181, %add3A_182 : vector<1x512xf32>
    %get3A_184 = arith.constant 2 : index
    %get3A_185 = arith.constant 1024 : index
    %get3A_186 = vector.load %arg1[%get3A_184, %get3A_185] : memref<8x3072xf32, #tpu.memory_space<vmem>>, vector<1x512xf32>
    %add3A_187 = vector.broadcast %mul3A_11 : f32 to vector<1x512xf32>
    %add3A_188 = arith.addf %get3A_186, %add3A_187 : vector<1x512xf32>
    %get3A_189 = arith.constant 3 : index
    %get3A_190 = arith.constant 1024 : index
    %get3A_191 = vector.load %arg1[%get3A_189, %get3A_190] : memref<8x3072xf32, #tpu.memory_space<vmem>>, vector<1x512xf32>
    %add3A_192 = vector.broadcast %mul3A_11 : f32 to vector<1x512xf32>
    %add3A_193 = arith.addf %get3A_191, %add3A_192 : vector<1x512xf32>
    %sub3A_194 = arith.subf %add3A_188, %add3A_178 : vector<1x512xf32>
    %sub3A_195 = arith.subf %add3A_193, %add3A_183 : vector<1x512xf32>
    %mul3A_196 = arith.mulf %sub3A_194, %sub3A_195 : vector<1x512xf32>
    %max3A_197 = vector.broadcast %add3A_20 : vector<512x1xf32> to vector<512x512xf32>
    %max3A_198 = vector.broadcast %add3A_178 : vector<1x512xf32> to vector<512x512xf32>
    %max3A_199 = arith.maximumf %max3A_197, %max3A_198 : vector<512x512xf32>
    %max3A_200 = vector.broadcast %add3A_25 : vector<512x1xf32> to vector<512x512xf32>
    %max3A_201 = vector.broadcast %add3A_183 : vector<1x512xf32> to vector<512x512xf32>
    %max3A_202 = arith.maximumf %max3A_200, %max3A_201 : vector<512x512xf32>
    %min3A_203 = vector.broadcast %add3A_30 : vector<512x1xf32> to vector<512x512xf32>
    %min3A_204 = vector.broadcast %add3A_188 : vector<1x512xf32> to vector<512x512xf32>
    %min3A_205 = arith.minimumf %min3A_203, %min3A_204 : vector<512x512xf32>
    %min3A_206 = vector.broadcast %add3A_35 : vector<512x1xf32> to vector<512x512xf32>
    %min3A_207 = vector.broadcast %add3A_193 : vector<1x512xf32> to vector<512x512xf32>
    %min3A_208 = arith.minimumf %min3A_206, %min3A_207 : vector<512x512xf32>
    %sub3A_209 = arith.subf %min3A_205, %max3A_199 : vector<512x512xf32>
    %max3A_210 = arith.constant 0.000000e+00 : f32
    %max3A_211 = vector.broadcast %max3A_210 : f32 to vector<512x512xf32>
    %max3A_212 = arith.maximumf %sub3A_209, %max3A_211 : vector<512x512xf32>
    %sub3A_213 = arith.subf %min3A_208, %max3A_202 : vector<512x512xf32>
    %max3A_214 = arith.constant 0.000000e+00 : f32
    %max3A_215 = vector.broadcast %max3A_214 : f32 to vector<512x512xf32>
    %max3A_216 = arith.maximumf %sub3A_213, %max3A_215 : vector<512x512xf32>
    %mul3A_217 = arith.mulf %max3A_212, %max3A_216 : vector<512x512xf32>
    %add3A_218 = vector.broadcast %mul3A_37 : vector<512x1xf32> to vector<512x512xf32>
    %add3A_219 = vector.broadcast %mul3A_196 : vector<1x512xf32> to vector<512x512xf32>
    %add3A_220 = arith.addf %add3A_218, %add3A_219 : vector<512x512xf32>
    %sub3A_221 = arith.subf %add3A_220, %mul3A_217 : vector<512x512xf32>
    %add3A_222 = arith.constant 9.99999971E-10 : f32
    %add3A_223 = vector.broadcast %add3A_222 : f32 to vector<512x512xf32>
    %add3A_224 = arith.addf %sub3A_221, %add3A_223 : vector<512x512xf32>
    %div3A_225 = arith.divf %mul3A_217, %add3A_224 : vector<512x512xf32>
    %gt3A_226 = arith.constant 0.699999988 : f32
    %gt3A_227 = vector.broadcast %gt3A_226 : f32 to vector<512x512xf32>
    %gt3A_228 = arith.cmpf ogt, %div3A_225, %gt3A_227 : vector<512x512xf32>
    %convert_element_type3A_229 = arith.extui %gt3A_228 : vector<512x512xi1> to vector<512x512xi32>
    %convert_element_type3A_230 = arith.sitofp %convert_element_type3A_229 : vector<512x512xi32> to vector<512x512xf32>
    %get3A_231 = arith.constant 0 : index
    %get3A_232 = arith.constant 1024 : index
    %get3A_233 = vector.load %arg4[%get3A_231, %get3A_232] : memref<1x3072xf32, #tpu.memory_space<vmem>>, vector<1x512xf32>
    %dot_general3A_234 = arith.constant dense<0.000000e+00> : vector<1x512xf32>
    %dot_general3A_235 = tpu.matmul %while3A_105#0, %convert_element_type3A_230, %dot_general3A_234 {dimension_numbers = #tpu.dot_dimension_numbers<[1], [0], [0], [1], [0, 0, 1, 1], [], []>, transpose_lhs_hint = false} : vector<1x512xf32>, vector<512x512xf32>, vector<1x512xf32> -> vector<1x512xf32>
    %add3A_236 = arith.addf %get3A_233, %dot_general3A_235 : vector<1x512xf32>
    %swap3A_237 = arith.constant 0 : index
    %swap3A_238 = arith.constant 1024 : index
    %swap3A_239 = vector.load %arg4[%swap3A_237, %swap3A_238] : memref<1x3072xf32, #tpu.memory_space<vmem>>, vector<1x512xf32>
    tpu.vector_store %arg4[%swap3A_237, %swap3A_238], %add3A_236 {strides = array<i32>} : memref<1x3072xf32, #tpu.memory_space<vmem>>, vector<1x512xf32>,
    %get3A_240 = arith.constant 0 : index
    %get3A_241 = arith.constant 1536 : index
    %get3A_242 = vector.load %arg1[%get3A_240, %get3A_241] : memref<8x3072xf32, #tpu.memory_space<vmem>>, vector<1x512xf32>
    %add3A_243 = vector.broadcast %mul3A_11 : f32 to vector<1x512xf32>
    %add3A_244 = arith.addf %get3A_242, %add3A_243 : vector<1x512xf32>
    %get3A_245 = arith.constant 1 : index
    %get3A_246 = arith.constant 1536 : index
    %get3A_247 = vector.load %arg1[%get3A_245, %get3A_246] : memref<8x3072xf32, #tpu.memory_space<vmem>>, vector<1x512xf32>
    %add3A_248 = vector.broadcast %mul3A_11 : f32 to vector<1x512xf32>
    %add3A_249 = arith.addf %get3A_247, %add3A_248 : vector<1x512xf32>
    %get3A_250 = arith.constant 2 : index
    %get3A_251 = arith.constant 1536 : index
    %get3A_252 = vector.load %arg1[%get3A_250, %get3A_251] : memref<8x3072xf32, #tpu.memory_space<vmem>>, vector<1x512xf32>
    %add3A_253 = vector.broadcast %mul3A_11 : f32 to vector<1x512xf32>
    %add3A_254 = arith.addf %get3A_252, %add3A_253 : vector<1x512xf32>
    %get3A_255 = arith.constant 3 : index
    %get3A_256 = arith.constant 1536 : index
    %get3A_257 = vector.load %arg1[%get3A_255, %get3A_256] : memref<8x3072xf32, #tpu.memory_space<vmem>>, vector<1x512xf32>
    %add3A_258 = vector.broadcast %mul3A_11 : f32 to vector<1x512xf32>
    %add3A_259 = arith.addf %get3A_257, %add3A_258 : vector<1x512xf32>
    %sub3A_260 = arith.subf %add3A_254, %add3A_244 : vector<1x512xf32>
    %sub3A_261 = arith.subf %add3A_259, %add3A_249 : vector<1x512xf32>
    %mul3A_262 = arith.mulf %sub3A_260, %sub3A_261 : vector<1x512xf32>
    %max3A_263 = vector.broadcast %add3A_20 : vector<512x1xf32> to vector<512x512xf32>
    %max3A_264 = vector.broadcast %add3A_244 : vector<1x512xf32> to vector<512x512xf32>
    %max3A_265 = arith.maximumf %max3A_263, %max3A_264 : vector<512x512xf32>
    %max3A_266 = vector.broadcast %add3A_25 : vector<512x1xf32> to vector<512x512xf32>
    %max3A_267 = vector.broadcast %add3A_249 : vector<1x512xf32> to vector<512x512xf32>
    %max3A_268 = arith.maximumf %max3A_266, %max3A_267 : vector<512x512xf32>
    %min3A_269 = vector.broadcast %add3A_30 : vector<512x1xf32> to vector<512x512xf32>
    %min3A_270 = vector.broadcast %add3A_254 : vector<1x512xf32> to vector<512x512xf32>
    %min3A_271 = arith.minimumf %min3A_269, %min3A_270 : vector<512x512xf32>
    %min3A_272 = vector.broadcast %add3A_35 : vector<512x1xf32> to vector<512x512xf32>
    %min3A_273 = vector.broadcast %add3A_259 : vector<1x512xf32> to vector<512x512xf32>
    %min3A_274 = arith.minimumf %min3A_272, %min3A_273 : vector<512x512xf32>
    %sub3A_275 = arith.subf %min3A_271, %max3A_265 : vector<512x512xf32>
    %max3A_276 = arith.constant 0.000000e+00 : f32
    %max3A_277 = vector.broadcast %max3A_276 : f32 to vector<512x512xf32>
    %max3A_278 = arith.maximumf %sub3A_275, %max3A_277 : vector<512x512xf32>
    %sub3A_279 = arith.subf %min3A_274, %max3A_268 : vector<512x512xf32>
    %max3A_280 = arith.constant 0.000000e+00 : f32
    %max3A_281 = vector.broadcast %max3A_280 : f32 to vector<512x512xf32>
    %max3A_282 = arith.maximumf %sub3A_279, %max3A_281 : vector<512x512xf32>
    %mul3A_283 = arith.mulf %max3A_278, %max3A_282 : vector<512x512xf32>
    %add3A_284 = vector.broadcast %mul3A_37 : vector<512x1xf32> to vector<512x512xf32>
    %add3A_285 = vector.broadcast %mul3A_262 : vector<1x512xf32> to vector<512x512xf32>
    %add3A_286 = arith.addf %add3A_284, %add3A_285 : vector<512x512xf32>
    %sub3A_287 = arith.subf %add3A_286, %mul3A_283 : vector<512x512xf32>
    %add3A_288 = arith.constant 9.99999971E-10 : f32
    %add3A_289 = vector.broadcast %add3A_288 : f32 to vector<512x512xf32>
    %add3A_290 = arith.addf %sub3A_287, %add3A_289 : vector<512x512xf32>
    %div3A_291 = arith.divf %mul3A_283, %add3A_290 : vector<512x512xf32>
    %gt3A_292 = arith.constant 0.699999988 : f32
    %gt3A_293 = vector.broadcast %gt3A_292 : f32 to vector<512x512xf32>
    %gt3A_294 = arith.cmpf ogt, %div3A_291, %gt3A_293 : vector<512x512xf32>
    %convert_element_type3A_295 = arith.extui %gt3A_294 : vector<512x512xi1> to vector<512x512xi32>
    %convert_element_type3A_296 = arith.sitofp %convert_element_type3A_295 : vector<512x512xi32> to vector<512x512xf32>
    %get3A_297 = arith.constant 0 : index
    %get3A_298 = arith.constant 1536 : index
    %get3A_299 = vector.load %arg4[%get3A_297, %get3A_298] : memref<1x3072xf32, #tpu.memory_space<vmem>>, vector<1x512xf32>
    %dot_general3A_300 = arith.constant dense<0.000000e+00> : vector<1x512xf32>
    %dot_general3A_301 = tpu.matmul %while3A_105#0, %convert_element_type3A_296, %dot_general3A_300 {dimension_numbers = #tpu.dot_dimension_numbers<[1], [0], [0], [1], [0, 0, 1, 1], [], []>, transpose_lhs_hint = false} : vector<1x512xf32>, vector<512x512xf32>, vector<1x512xf32> -> vector<1x512xf32>
    %add3A_302 = arith.addf %get3A_299, %dot_general3A_301 : vector<1x512xf32>
    %swap3A_303 = arith.constant 0 : index
    %swap3A_304 = arith.constant 1536 : index
    %swap3A_305 = vector.load %arg4[%swap3A_303, %swap3A_304] : memref<1x3072xf32, #tpu.memory_space<vmem>>, vector<1x512xf32>
    tpu.vector_store %arg4[%swap3A_303, %swap3A_304], %add3A_302 {strides = array<i32>} : memref<1x3072xf32, #tpu.memory_space<vmem>>, vector<1x512xf32>,
    %get3A_306 = arith.constant 0 : index
    %get3A_307 = arith.constant 2048 : index
    %get3A_308 = vector.load %arg1[%get3A_306, %get3A_307] : memref<8x3072xf32, #tpu.memory_space<vmem>>, vector<1x512xf32>
    %add3A_309 = vector.broadcast %mul3A_11 : f32 to vector<1x512xf32>
    %add3A_310 = arith.addf %get3A_308, %add3A_309 : vector<1x512xf32>
    %get3A_311 = arith.constant 1 : index
    %get3A_312 = arith.constant 2048 : index
    %get3A_313 = vector.load %arg1[%get3A_311, %get3A_312] : memref<8x3072xf32, #tpu.memory_space<vmem>>, vector<1x512xf32>
    %add3A_314 = vector.broadcast %mul3A_11 : f32 to vector<1x512xf32>
    %add3A_315 = arith.addf %get3A_313, %add3A_314 : vector<1x512xf32>
    %get3A_316 = arith.constant 2 : index
    %get3A_317 = arith.constant 2048 : index
    %get3A_318 = vector.load %arg1[%get3A_316, %get3A_317] : memref<8x3072xf32, #tpu.memory_space<vmem>>, vector<1x512xf32>
    %add3A_319 = vector.broadcast %mul3A_11 : f32 to vector<1x512xf32>
    %add3A_320 = arith.addf %get3A_318, %add3A_319 : vector<1x512xf32>
    %get3A_321 = arith.constant 3 : index
    %get3A_322 = arith.constant 2048 : index
    %get3A_323 = vector.load %arg1[%get3A_321, %get3A_322] : memref<8x3072xf32, #tpu.memory_space<vmem>>, vector<1x512xf32>
    %add3A_324 = vector.broadcast %mul3A_11 : f32 to vector<1x512xf32>
    %add3A_325 = arith.addf %get3A_323, %add3A_324 : vector<1x512xf32>
    %sub3A_326 = arith.subf %add3A_320, %add3A_310 : vector<1x512xf32>
    %sub3A_327 = arith.subf %add3A_325, %add3A_315 : vector<1x512xf32>
    %mul3A_328 = arith.mulf %sub3A_326, %sub3A_327 : vector<1x512xf32>
    %max3A_329 = vector.broadcast %add3A_20 : vector<512x1xf32> to vector<512x512xf32>
    %max3A_330 = vector.broadcast %add3A_310 : vector<1x512xf32> to vector<512x512xf32>
    %max3A_331 = arith.maximumf %max3A_329, %max3A_330 : vector<512x512xf32>
    %max3A_332 = vector.broadcast %add3A_25 : vector<512x1xf32> to vector<512x512xf32>
    %max3A_333 = vector.broadcast %add3A_315 : vector<1x512xf32> to vector<512x512xf32>
    %max3A_334 = arith.maximumf %max3A_332, %max3A_333 : vector<512x512xf32>
    %min3A_335 = vector.broadcast %add3A_30 : vector<512x1xf32> to vector<512x512xf32>
    %min3A_336 = vector.broadcast %add3A_320 : vector<1x512xf32> to vector<512x512xf32>
    %min3A_337 = arith.minimumf %min3A_335, %min3A_336 : vector<512x512xf32>
    %min3A_338 = vector.broadcast %add3A_35 : vector<512x1xf32> to vector<512x512xf32>
    %min3A_339 = vector.broadcast %add3A_325 : vector<1x512xf32> to vector<512x512xf32>
    %min3A_340 = arith.minimumf %min3A_338, %min3A_339 : vector<512x512xf32>
    %sub3A_341 = arith.subf %min3A_337, %max3A_331 : vector<512x512xf32>
    %max3A_342 = arith.constant 0.000000e+00 : f32
    %max3A_343 = vector.broadcast %max3A_342 : f32 to vector<512x512xf32>
    %max3A_344 = arith.maximumf %sub3A_341, %max3A_343 : vector<512x512xf32>
    %sub3A_345 = arith.subf %min3A_340, %max3A_334 : vector<512x512xf32>
    %max3A_346 = arith.constant 0.000000e+00 : f32
    %max3A_347 = vector.broadcast %max3A_346 : f32 to vector<512x512xf32>
    %max3A_348 = arith.maximumf %sub3A_345, %max3A_347 : vector<512x512xf32>
    %mul3A_349 = arith.mulf %max3A_344, %max3A_348 : vector<512x512xf32>
    %add3A_350 = vector.broadcast %mul3A_37 : vector<512x1xf32> to vector<512x512xf32>
    %add3A_351 = vector.broadcast %mul3A_328 : vector<1x512xf32> to vector<512x512xf32>
    %add3A_352 = arith.addf %add3A_350, %add3A_351 : vector<512x512xf32>
    %sub3A_353 = arith.subf %add3A_352, %mul3A_349 : vector<512x512xf32>
    %add3A_354 = arith.constant 9.99999971E-10 : f32
    %add3A_355 = vector.broadcast %add3A_354 : f32 to vector<512x512xf32>
    %add3A_356 = arith.addf %sub3A_353, %add3A_355 : vector<512x512xf32>
    %div3A_357 = arith.divf %mul3A_349, %add3A_356 : vector<512x512xf32>
    %gt3A_358 = arith.constant 0.699999988 : f32
    %gt3A_359 = vector.broadcast %gt3A_358 : f32 to vector<512x512xf32>
    %gt3A_360 = arith.cmpf ogt, %div3A_357, %gt3A_359 : vector<512x512xf32>
    %convert_element_type3A_361 = arith.extui %gt3A_360 : vector<512x512xi1> to vector<512x512xi32>
    %convert_element_type3A_362 = arith.sitofp %convert_element_type3A_361 : vector<512x512xi32> to vector<512x512xf32>
    %get3A_363 = arith.constant 0 : index
    %get3A_364 = arith.constant 2048 : index
    %get3A_365 = vector.load %arg4[%get3A_363, %get3A_364] : memref<1x3072xf32, #tpu.memory_space<vmem>>, vector<1x512xf32>
    %dot_general3A_366 = arith.constant dense<0.000000e+00> : vector<1x512xf32>
    %dot_general3A_367 = tpu.matmul %while3A_105#0, %convert_element_type3A_362, %dot_general3A_366 {dimension_numbers = #tpu.dot_dimension_numbers<[1], [0], [0], [1], [0, 0, 1, 1], [], []>, transpose_lhs_hint = false} : vector<1x512xf32>, vector<512x512xf32>, vector<1x512xf32> -> vector<1x512xf32>
    %add3A_368 = arith.addf %get3A_365, %dot_general3A_367 : vector<1x512xf32>
    %swap3A_369 = arith.constant 0 : index
    %swap3A_370 = arith.constant 2048 : index
    %swap3A_371 = vector.load %arg4[%swap3A_369, %swap3A_370] : memref<1x3072xf32, #tpu.memory_space<vmem>>, vector<1x512xf32>
    tpu.vector_store %arg4[%swap3A_369, %swap3A_370], %add3A_368 {strides = array<i32>} : memref<1x3072xf32, #tpu.memory_space<vmem>>, vector<1x512xf32>,
    %get3A_372 = arith.constant 0 : index
    %get3A_373 = arith.constant 2560 : index
    %get3A_374 = vector.load %arg1[%get3A_372, %get3A_373] : memref<8x3072xf32, #tpu.memory_space<vmem>>, vector<1x512xf32>
    %add3A_375 = vector.broadcast %mul3A_11 : f32 to vector<1x512xf32>
    %add3A_376 = arith.addf %get3A_374, %add3A_375 : vector<1x512xf32>
    %get3A_377 = arith.constant 1 : index
    %get3A_378 = arith.constant 2560 : index
    %get3A_379 = vector.load %arg1[%get3A_377, %get3A_378] : memref<8x3072xf32, #tpu.memory_space<vmem>>, vector<1x512xf32>
    %add3A_380 = vector.broadcast %mul3A_11 : f32 to vector<1x512xf32>
    %add3A_381 = arith.addf %get3A_379, %add3A_380 : vector<1x512xf32>
    %get3A_382 = arith.constant 2 : index
    %get3A_383 = arith.constant 2560 : index
    %get3A_384 = vector.load %arg1[%get3A_382, %get3A_383] : memref<8x3072xf32, #tpu.memory_space<vmem>>, vector<1x512xf32>
    %add3A_385 = vector.broadcast %mul3A_11 : f32 to vector<1x512xf32>
    %add3A_386 = arith.addf %get3A_384, %add3A_385 : vector<1x512xf32>
    %get3A_387 = arith.constant 3 : index
    %get3A_388 = arith.constant 2560 : index
    %get3A_389 = vector.load %arg1[%get3A_387, %get3A_388] : memref<8x3072xf32, #tpu.memory_space<vmem>>, vector<1x512xf32>
    %add3A_390 = vector.broadcast %mul3A_11 : f32 to vector<1x512xf32>
    %add3A_391 = arith.addf %get3A_389, %add3A_390 : vector<1x512xf32>
    %sub3A_392 = arith.subf %add3A_386, %add3A_376 : vector<1x512xf32>
    %sub3A_393 = arith.subf %add3A_391, %add3A_381 : vector<1x512xf32>
    %mul3A_394 = arith.mulf %sub3A_392, %sub3A_393 : vector<1x512xf32>
    %max3A_395 = vector.broadcast %add3A_20 : vector<512x1xf32> to vector<512x512xf32>
    %max3A_396 = vector.broadcast %add3A_376 : vector<1x512xf32> to vector<512x512xf32>
    %max3A_397 = arith.maximumf %max3A_395, %max3A_396 : vector<512x512xf32>
    %max3A_398 = vector.broadcast %add3A_25 : vector<512x1xf32> to vector<512x512xf32>
    %max3A_399 = vector.broadcast %add3A_381 : vector<1x512xf32> to vector<512x512xf32>
    %max3A_400 = arith.maximumf %max3A_398, %max3A_399 : vector<512x512xf32>
    %min3A_401 = vector.broadcast %add3A_30 : vector<512x1xf32> to vector<512x512xf32>
    %min3A_402 = vector.broadcast %add3A_386 : vector<1x512xf32> to vector<512x512xf32>
    %min3A_403 = arith.minimumf %min3A_401, %min3A_402 : vector<512x512xf32>
    %min3A_404 = vector.broadcast %add3A_35 : vector<512x1xf32> to vector<512x512xf32>
    %min3A_405 = vector.broadcast %add3A_391 : vector<1x512xf32> to vector<512x512xf32>
    %min3A_406 = arith.minimumf %min3A_404, %min3A_405 : vector<512x512xf32>
    %sub3A_407 = arith.subf %min3A_403, %max3A_397 : vector<512x512xf32>
    %max3A_408 = arith.constant 0.000000e+00 : f32
    %max3A_409 = vector.broadcast %max3A_408 : f32 to vector<512x512xf32>
    %max3A_410 = arith.maximumf %sub3A_407, %max3A_409 : vector<512x512xf32>
    %sub3A_411 = arith.subf %min3A_406, %max3A_400 : vector<512x512xf32>
    %max3A_412 = arith.constant 0.000000e+00 : f32
    %max3A_413 = vector.broadcast %max3A_412 : f32 to vector<512x512xf32>
    %max3A_414 = arith.maximumf %sub3A_411, %max3A_413 : vector<512x512xf32>
    %mul3A_415 = arith.mulf %max3A_410, %max3A_414 : vector<512x512xf32>
    %add3A_416 = vector.broadcast %mul3A_37 : vector<512x1xf32> to vector<512x512xf32>
    %add3A_417 = vector.broadcast %mul3A_394 : vector<1x512xf32> to vector<512x512xf32>
    %add3A_418 = arith.addf %add3A_416, %add3A_417 : vector<512x512xf32>
    %sub3A_419 = arith.subf %add3A_418, %mul3A_415 : vector<512x512xf32>
    %add3A_420 = arith.constant 9.99999971E-10 : f32
    %add3A_421 = vector.broadcast %add3A_420 : f32 to vector<512x512xf32>
    %add3A_422 = arith.addf %sub3A_419, %add3A_421 : vector<512x512xf32>
    %div3A_423 = arith.divf %mul3A_415, %add3A_422 : vector<512x512xf32>
    %gt3A_424 = arith.constant 0.699999988 : f32
    %gt3A_425 = vector.broadcast %gt3A_424 : f32 to vector<512x512xf32>
    %gt3A_426 = arith.cmpf ogt, %div3A_423, %gt3A_425 : vector<512x512xf32>
    %convert_element_type3A_427 = arith.extui %gt3A_426 : vector<512x512xi1> to vector<512x512xi32>
    %convert_element_type3A_428 = arith.sitofp %convert_element_type3A_427 : vector<512x512xi32> to vector<512x512xf32>
    %get3A_429 = arith.constant 0 : index
    %get3A_430 = arith.constant 2560 : index
    %get3A_431 = vector.load %arg4[%get3A_429, %get3A_430] : memref<1x3072xf32, #tpu.memory_space<vmem>>, vector<1x512xf32>
    %dot_general3A_432 = arith.constant dense<0.000000e+00> : vector<1x512xf32>
    %dot_general3A_433 = tpu.matmul %while3A_105#0, %convert_element_type3A_428, %dot_general3A_432 {dimension_numbers = #tpu.dot_dimension_numbers<[1], [0], [0], [1], [0, 0, 1, 1], [], []>, transpose_lhs_hint = false} : vector<1x512xf32>, vector<512x512xf32>, vector<1x512xf32> -> vector<1x512xf32>
    %add3A_434 = arith.addf %get3A_431, %dot_general3A_433 : vector<1x512xf32>
    %swap3A_435 = arith.constant 0 : index
    %swap3A_436 = arith.constant 2560 : index
    %swap3A_437 = vector.load %arg4[%swap3A_435, %swap3A_436] : memref<1x3072xf32, #tpu.memory_space<vmem>>, vector<1x512xf32>
    tpu.vector_store %arg4[%swap3A_435, %swap3A_436], %add3A_434 {strides = array<i32>} : memref<1x3072xf32, #tpu.memory_space<vmem>>, vector<1x512xf32>,
    %get3A_438 = arith.constant 512 : index
    %get3A_439 = arith.constant 0 : index
    %get3A_440 = vector.load %arg0[%get3A_438, %get3A_439] : memref<3072x8xf32, #tpu.memory_space<vmem>>, vector<512x1xf32>
    %add3A_441 = vector.broadcast %mul3A_11 : f32 to vector<512x1xf32>
    %add3A_442 = arith.addf %get3A_440, %add3A_441 : vector<512x1xf32>
    %get3A_443 = arith.constant 512 : index
    %get3A_444 = arith.constant 1 : index
    %get3A_445 = vector.load %arg0[%get3A_443, %get3A_444] : memref<3072x8xf32, #tpu.memory_space<vmem>>, vector<512x1xf32>
    %add3A_446 = vector.broadcast %mul3A_11 : f32 to vector<512x1xf32>
    %add3A_447 = arith.addf %get3A_445, %add3A_446 : vector<512x1xf32>
    %get3A_448 = arith.constant 512 : index
    %get3A_449 = arith.constant 2 : index
    %get3A_450 = vector.load %arg0[%get3A_448, %get3A_449] : memref<3072x8xf32, #tpu.memory_space<vmem>>, vector<512x1xf32>
    %add3A_451 = vector.broadcast %mul3A_11 : f32 to vector<512x1xf32>
    %add3A_452 = arith.addf %get3A_450, %add3A_451 : vector<512x1xf32>
    %get3A_453 = arith.constant 512 : index
    %get3A_454 = arith.constant 3 : index
    %get3A_455 = vector.load %arg0[%get3A_453, %get3A_454] : memref<3072x8xf32, #tpu.memory_space<vmem>>, vector<512x1xf32>
    %add3A_456 = vector.broadcast %mul3A_11 : f32 to vector<512x1xf32>
    %add3A_457 = arith.addf %get3A_455, %add3A_456 : vector<512x1xf32>
    %sub3A_458 = arith.subf %add3A_452, %add3A_442 : vector<512x1xf32>
    %sub3A_459 = arith.subf %add3A_457, %add3A_447 : vector<512x1xf32>
    %mul3A_460 = arith.mulf %sub3A_458, %sub3A_459 : vector<512x1xf32>
    %get3A_461 = arith.constant 0 : index
    %get3A_462 = arith.constant 512 : index
    %get3A_463 = vector.load %arg1[%get3A_461, %get3A_462] : memref<8x3072xf32, #tpu.memory_space<vmem>>, vector<1x512xf32>
    %add3A_464 = vector.broadcast %mul3A_11 : f32 to vector<1x512xf32>
    %add3A_465 = arith.addf %get3A_463, %add3A_464 : vector<1x512xf32>
    %get3A_466 = arith.constant 1 : index
    %get3A_467 = arith.constant 512 : index
    %get3A_468 = vector.load %arg1[%get3A_466, %get3A_467] : memref<8x3072xf32, #tpu.memory_space<vmem>>, vector<1x512xf32>
    %add3A_469 = vector.broadcast %mul3A_11 : f32 to vector<1x512xf32>
    %add3A_470 = arith.addf %get3A_468, %add3A_469 : vector<1x512xf32>
    %get3A_471 = arith.constant 2 : index
    %get3A_472 = arith.constant 512 : index
    %get3A_473 = vector.load %arg1[%get3A_471, %get3A_472] : memref<8x3072xf32, #tpu.memory_space<vmem>>, vector<1x512xf32>
    %add3A_474 = vector.broadcast %mul3A_11 : f32 to vector<1x512xf32>
    %add3A_475 = arith.addf %get3A_473, %add3A_474 : vector<1x512xf32>
    %get3A_476 = arith.constant 3 : index
    %get3A_477 = arith.constant 512 : index
    %get3A_478 = vector.load %arg1[%get3A_476, %get3A_477] : memref<8x3072xf32, #tpu.memory_space<vmem>>, vector<1x512xf32>
    %add3A_479 = vector.broadcast %mul3A_11 : f32 to vector<1x512xf32>
    %add3A_480 = arith.addf %get3A_478, %add3A_479 : vector<1x512xf32>
    %sub3A_481 = arith.subf %add3A_475, %add3A_465 : vector<1x512xf32>
    %sub3A_482 = arith.subf %add3A_480, %add3A_470 : vector<1x512xf32>
    %mul3A_483 = arith.mulf %sub3A_481, %sub3A_482 : vector<1x512xf32>
    %max3A_484 = vector.broadcast %add3A_442 : vector<512x1xf32> to vector<512x512xf32>
    %max3A_485 = vector.broadcast %add3A_465 : vector<1x512xf32> to vector<512x512xf32>
    %max3A_486 = arith.maximumf %max3A_484, %max3A_485 : vector<512x512xf32>
    %max3A_487 = vector.broadcast %add3A_447 : vector<512x1xf32> to vector<512x512xf32>
    %max3A_488 = vector.broadcast %add3A_470 : vector<1x512xf32> to vector<512x512xf32>
    %max3A_489 = arith.maximumf %max3A_487, %max3A_488 : vector<512x512xf32>
    %min3A_490 = vector.broadcast %add3A_452 : vector<512x1xf32> to vector<512x512xf32>
    %min3A_491 = vector.broadcast %add3A_475 : vector<1x512xf32> to vector<512x512xf32>
    %min3A_492 = arith.minimumf %min3A_490, %min3A_491 : vector<512x512xf32>
    %min3A_493 = vector.broadcast %add3A_457 : vector<512x1xf32> to vector<512x512xf32>
    %min3A_494 = vector.broadcast %add3A_480 : vector<1x512xf32> to vector<512x512xf32>
    %min3A_495 = arith.minimumf %min3A_493, %min3A_494 : vector<512x512xf32>
    %sub3A_496 = arith.subf %min3A_492, %max3A_486 : vector<512x512xf32>
    %max3A_497 = arith.constant 0.000000e+00 : f32
    %max3A_498 = vector.broadcast %max3A_497 : f32 to vector<512x512xf32>
    %max3A_499 = arith.maximumf %sub3A_496, %max3A_498 : vector<512x512xf32>
    %sub3A_500 = arith.subf %min3A_495, %max3A_489 : vector<512x512xf32>
    %max3A_501 = arith.constant 0.000000e+00 : f32
    %max3A_502 = vector.broadcast %max3A_501 : f32 to vector<512x512xf32>
    %max3A_503 = arith.maximumf %sub3A_500, %max3A_502 : vector<512x512xf32>
    %mul3A_504 = arith.mulf %max3A_499, %max3A_503 : vector<512x512xf32>
    %add3A_505 = vector.broadcast %mul3A_460 : vector<512x1xf32> to vector<512x512xf32>
    %add3A_506 = vector.broadcast %mul3A_483 : vector<1x512xf32> to vector<512x512xf32>
    %add3A_507 = arith.addf %add3A_505, %add3A_506 : vector<512x512xf32>
    %sub3A_508 = arith.subf %add3A_507, %mul3A_504 : vector<512x512xf32>
    %add3A_509 = arith.constant 9.99999971E-10 : f32
    %add3A_510 = vector.broadcast %add3A_509 : f32 to vector<512x512xf32>
    %add3A_511 = arith.addf %sub3A_508, %add3A_510 : vector<512x512xf32>
    %div3A_512 = arith.divf %mul3A_504, %add3A_511 : vector<512x512xf32>
    %gt3A_513 = arith.constant 0.699999988 : f32
    %gt3A_514 = vector.broadcast %gt3A_513 : f32 to vector<512x512xf32>
    %gt3A_515 = arith.cmpf ogt, %div3A_512, %gt3A_514 : vector<512x512xf32>
    %convert_element_type3A_516 = arith.extui %gt3A_515 : vector<512x512xi1> to vector<512x512xi32>
    %convert_element_type3A_517 = arith.sitofp %convert_element_type3A_516 : vector<512x512xi32> to vector<512x512xf32>
    %iota3A_518 = tpu.iota {dimensions = array<i32: 0>} : vector<512x1xi32>
    %iota3A_519 = tpu.iota {dimensions = array<i32: 1>} : vector<1x512xi32>
    %lt3A_520 = vector.broadcast %iota3A_518 : vector<512x1xi32> to vector<512x512xi32>
    %lt3A_521 = vector.broadcast %iota3A_519 : vector<1x512xi32> to vector<512x512xi32>
    %lt3A_522 = arith.cmpi slt, %lt3A_520, %lt3A_521 : vector<512x512xi32>
    %convert_element_type3A_523 = arith.extui %lt3A_522 : vector<512x512xi1> to vector<512x512xi32>
    %convert_element_type3A_524 = arith.sitofp %convert_element_type3A_523 : vector<512x512xi32> to vector<512x512xf32>
    %mul3A_525 = arith.mulf %convert_element_type3A_517, %convert_element_type3A_524 : vector<512x512xf32>
    %get3A_526 = arith.constant 0 : index
    %get3A_527 = arith.constant 512 : index
    %get3A_528 = vector.load %arg4[%get3A_526, %get3A_527] : memref<1x3072xf32, #tpu.memory_space<vmem>>, vector<1x512xf32>
    %eq3A_529 = arith.constant 0.000000e+00 : f32
    %eq3A_530 = vector.broadcast %eq3A_529 : f32 to vector<1x512xf32>
    %eq3A_531 = arith.cmpf oeq, %get3A_528, %eq3A_530 : vector<1x512xf32>
    %convert_element_type3A_532 = arith.extui %eq3A_531 : vector<1x512xi1> to vector<1x512xi32>
    %convert_element_type3A_533 = arith.sitofp %convert_element_type3A_532 : vector<1x512xi32> to vector<1x512xf32>
    %while3A_534 = arith.constant true
    %while3A_535:2 = scf.while (%while3A_1691 = %convert_element_type3A_533, %while3A_1692 = %while3A_534) : (vector<1x512xf32>, i1) -> (vector<1x512xf32>, i1) {
      scf.condition(%while3A_1692) %while3A_1691, %while3A_1692 : vector<1x512xf32>, i1
    } do {
    ^bb0(%while3A_1691: vector<1x512xf32>, %while3A_1692: i1):
      %dot_general3A_1693 = arith.constant dense<0.000000e+00> : vector<1x512xf32>
      %dot_general3A_1694 = tpu.matmul %while3A_1691, %mul3A_525, %dot_general3A_1693 {dimension_numbers = #tpu.dot_dimension_numbers<[1], [0], [0], [1], [0, 0, 1, 1], [], []>, transpose_lhs_hint = false} : vector<1x512xf32>, vector<512x512xf32>, vector<1x512xf32> -> vector<1x512xf32>
      %eq3A_1695 = arith.constant 0.000000e+00 : f32
      %eq3A_1696 = vector.broadcast %eq3A_1695 : f32 to vector<1x512xf32>
      %eq3A_1697 = arith.cmpf oeq, %dot_general3A_1694, %eq3A_1696 : vector<1x512xf32>
      %convert_element_type3A_1698 = arith.extui %eq3A_1697 : vector<1x512xi1> to vector<1x512xi32>
      %convert_element_type3A_1699 = arith.sitofp %convert_element_type3A_1698 : vector<1x512xi32> to vector<1x512xf32>
      %mul3A_1700 = arith.mulf %convert_element_type3A_533, %convert_element_type3A_1699 : vector<1x512xf32>
      %ne3A_1701 = arith.cmpf one, %mul3A_1700, %while3A_1691 : vector<1x512xf32>
      %reduce_or3A = arith.constant 1.000000e+00 : f32
      %reduce_or3A_1702 = arith.constant 0.000000e+00 : f32
      %reduce_or3A_1703 = vector.broadcast %reduce_or3A : f32 to vector<1x512xf32>
      %reduce_or3A_1704 = vector.broadcast %reduce_or3A_1702 : f32 to vector<1x512xf32>
      %reduce_or3A_1705 = arith.select %ne3A_1701, %reduce_or3A_1703, %reduce_or3A_1704 : vector<1x512xi1>, vector<1x512xf32>
      %reduce_or3A_1706 = vector.shape_cast %reduce_or3A_1705 : vector<1x512xf32> to vector<1x1x512xf32>
      %reduce_or3A_1707 = arith.constant dense<0xFF800000> : vector<1xf32>
      %reduce_or3A_1708 = vector.multi_reduction <maximumf>, %reduce_or3A_1706, %reduce_or3A_1707 [1, 2] : vector<1x1x512xf32> to vector<1xf32>
      %reduce_or3A_1709 = vector.shape_cast %reduce_or3A_1708 : vector<1xf32> to vector<1x1x1xf32>
      %reduce_or3A_1710 = vector.extract %reduce_or3A_1709[0, 0, 0] : f32 from vector<1x1x1xf32>
      %reduce_or3A_1711 = arith.constant 0.000000e+00 : f32
      %reduce_or3A_1712 = arith.cmpf ogt, %reduce_or3A_1710, %reduce_or3A_1711 : f32
      scf.yield %mul3A_1700, %reduce_or3A_1712 : vector<1x512xf32>, i1
    }
    %swap3A_536 = arith.constant 0 : index
    %swap3A_537 = arith.constant 512 : index
    %swap3A_538 = vector.load %arg3[%swap3A_536, %swap3A_537] : memref<1x3072xf32, #tpu.memory_space<vmem>>, vector<1x512xf32>
    tpu.vector_store %arg3[%swap3A_536, %swap3A_537], %while3A_535#0 {strides = array<i32>} : memref<1x3072xf32, #tpu.memory_space<vmem>>, vector<1x512xf32>,
    %get3A_539 = arith.constant 0 : index
    %get3A_540 = arith.constant 1024 : index
    %get3A_541 = vector.load %arg1[%get3A_539, %get3A_540] : memref<8x3072xf32, #tpu.memory_space<vmem>>, vector<1x512xf32>
    %add3A_542 = vector.broadcast %mul3A_11 : f32 to vector<1x512xf32>
    %add3A_543 = arith.addf %get3A_541, %add3A_542 : vector<1x512xf32>
    %get3A_544 = arith.constant 1 : index
    %get3A_545 = arith.constant 1024 : index
    %get3A_546 = vector.load %arg1[%get3A_544, %get3A_545] : memref<8x3072xf32, #tpu.memory_space<vmem>>, vector<1x512xf32>
    %add3A_547 = vector.broadcast %mul3A_11 : f32 to vector<1x512xf32>
    %add3A_548 = arith.addf %get3A_546, %add3A_547 : vector<1x512xf32>
    %get3A_549 = arith.constant 2 : index
    %get3A_550 = arith.constant 1024 : index
    %get3A_551 = vector.load %arg1[%get3A_549, %get3A_550] : memref<8x3072xf32, #tpu.memory_space<vmem>>, vector<1x512xf32>
    %add3A_552 = vector.broadcast %mul3A_11 : f32 to vector<1x512xf32>
    %add3A_553 = arith.addf %get3A_551, %add3A_552 : vector<1x512xf32>
    %get3A_554 = arith.constant 3 : index
    %get3A_555 = arith.constant 1024 : index
    %get3A_556 = vector.load %arg1[%get3A_554, %get3A_555] : memref<8x3072xf32, #tpu.memory_space<vmem>>, vector<1x512xf32>
    %add3A_557 = vector.broadcast %mul3A_11 : f32 to vector<1x512xf32>
    %add3A_558 = arith.addf %get3A_556, %add3A_557 : vector<1x512xf32>
    %sub3A_559 = arith.subf %add3A_553, %add3A_543 : vector<1x512xf32>
    %sub3A_560 = arith.subf %add3A_558, %add3A_548 : vector<1x512xf32>
    %mul3A_561 = arith.mulf %sub3A_559, %sub3A_560 : vector<1x512xf32>
    %max3A_562 = vector.broadcast %add3A_442 : vector<512x1xf32> to vector<512x512xf32>
    %max3A_563 = vector.broadcast %add3A_543 : vector<1x512xf32> to vector<512x512xf32>
    %max3A_564 = arith.maximumf %max3A_562, %max3A_563 : vector<512x512xf32>
    %max3A_565 = vector.broadcast %add3A_447 : vector<512x1xf32> to vector<512x512xf32>
    %max3A_566 = vector.broadcast %add3A_548 : vector<1x512xf32> to vector<512x512xf32>
    %max3A_567 = arith.maximumf %max3A_565, %max3A_566 : vector<512x512xf32>
    %min3A_568 = vector.broadcast %add3A_452 : vector<512x1xf32> to vector<512x512xf32>
    %min3A_569 = vector.broadcast %add3A_553 : vector<1x512xf32> to vector<512x512xf32>
    %min3A_570 = arith.minimumf %min3A_568, %min3A_569 : vector<512x512xf32>
    %min3A_571 = vector.broadcast %add3A_457 : vector<512x1xf32> to vector<512x512xf32>
    %min3A_572 = vector.broadcast %add3A_558 : vector<1x512xf32> to vector<512x512xf32>
    %min3A_573 = arith.minimumf %min3A_571, %min3A_572 : vector<512x512xf32>
    %sub3A_574 = arith.subf %min3A_570, %max3A_564 : vector<512x512xf32>
    %max3A_575 = arith.constant 0.000000e+00 : f32
    %max3A_576 = vector.broadcast %max3A_575 : f32 to vector<512x512xf32>
    %max3A_577 = arith.maximumf %sub3A_574, %max3A_576 : vector<512x512xf32>
    %sub3A_578 = arith.subf %min3A_573, %max3A_567 : vector<512x512xf32>
    %max3A_579 = arith.constant 0.000000e+00 : f32
    %max3A_580 = vector.broadcast %max3A_579 : f32 to vector<512x512xf32>
    %max3A_581 = arith.maximumf %sub3A_578, %max3A_580 : vector<512x512xf32>
    %mul3A_582 = arith.mulf %max3A_577, %max3A_581 : vector<512x512xf32>
    %add3A_583 = vector.broadcast %mul3A_460 : vector<512x1xf32> to vector<512x512xf32>
    %add3A_584 = vector.broadcast %mul3A_561 : vector<1x512xf32> to vector<512x512xf32>
    %add3A_585 = arith.addf %add3A_583, %add3A_584 : vector<512x512xf32>
    %sub3A_586 = arith.subf %add3A_585, %mul3A_582 : vector<512x512xf32>
    %add3A_587 = arith.constant 9.99999971E-10 : f32
    %add3A_588 = vector.broadcast %add3A_587 : f32 to vector<512x512xf32>
    %add3A_589 = arith.addf %sub3A_586, %add3A_588 : vector<512x512xf32>
    %div3A_590 = arith.divf %mul3A_582, %add3A_589 : vector<512x512xf32>
    %gt3A_591 = arith.constant 0.699999988 : f32
    %gt3A_592 = vector.broadcast %gt3A_591 : f32 to vector<512x512xf32>
    %gt3A_593 = arith.cmpf ogt, %div3A_590, %gt3A_592 : vector<512x512xf32>
    %convert_element_type3A_594 = arith.extui %gt3A_593 : vector<512x512xi1> to vector<512x512xi32>
    %convert_element_type3A_595 = arith.sitofp %convert_element_type3A_594 : vector<512x512xi32> to vector<512x512xf32>
    %get3A_596 = arith.constant 0 : index
    %get3A_597 = arith.constant 1024 : index
    %get3A_598 = vector.load %arg4[%get3A_596, %get3A_597] : memref<1x3072xf32, #tpu.memory_space<vmem>>, vector<1x512xf32>
    %dot_general3A_599 = arith.constant dense<0.000000e+00> : vector<1x512xf32>
    %dot_general3A_600 = tpu.matmul %while3A_535#0, %convert_element_type3A_595, %dot_general3A_599 {dimension_numbers = #tpu.dot_dimension_numbers<[1], [0], [0], [1], [0, 0, 1, 1], [], []>, transpose_lhs_hint = false} : vector<1x512xf32>, vector<512x512xf32>, vector<1x512xf32> -> vector<1x512xf32>
    %add3A_601 = arith.addf %get3A_598, %dot_general3A_600 : vector<1x512xf32>
    %swap3A_602 = arith.constant 0 : index
    %swap3A_603 = arith.constant 1024 : index
    %swap3A_604 = vector.load %arg4[%swap3A_602, %swap3A_603] : memref<1x3072xf32, #tpu.memory_space<vmem>>, vector<1x512xf32>
    tpu.vector_store %arg4[%swap3A_602, %swap3A_603], %add3A_601 {strides = array<i32>} : memref<1x3072xf32, #tpu.memory_space<vmem>>, vector<1x512xf32>,
    %get3A_605 = arith.constant 0 : index
    %get3A_606 = arith.constant 1536 : index
    %get3A_607 = vector.load %arg1[%get3A_605, %get3A_606] : memref<8x3072xf32, #tpu.memory_space<vmem>>, vector<1x512xf32>
    %add3A_608 = vector.broadcast %mul3A_11 : f32 to vector<1x512xf32>
    %add3A_609 = arith.addf %get3A_607, %add3A_608 : vector<1x512xf32>
    %get3A_610 = arith.constant 1 : index
    %get3A_611 = arith.constant 1536 : index
    %get3A_612 = vector.load %arg1[%get3A_610, %get3A_611] : memref<8x3072xf32, #tpu.memory_space<vmem>>, vector<1x512xf32>
    %add3A_613 = vector.broadcast %mul3A_11 : f32 to vector<1x512xf32>
    %add3A_614 = arith.addf %get3A_612, %add3A_613 : vector<1x512xf32>
    %get3A_615 = arith.constant 2 : index
    %get3A_616 = arith.constant 1536 : index
    %get3A_617 = vector.load %arg1[%get3A_615, %get3A_616] : memref<8x3072xf32, #tpu.memory_space<vmem>>, vector<1x512xf32>
    %add3A_618 = vector.broadcast %mul3A_11 : f32 to vector<1x512xf32>
    %add3A_619 = arith.addf %get3A_617, %add3A_618 : vector<1x512xf32>
    %get3A_620 = arith.constant 3 : index
    %get3A_621 = arith.constant 1536 : index
    %get3A_622 = vector.load %arg1[%get3A_620, %get3A_621] : memref<8x3072xf32, #tpu.memory_space<vmem>>, vector<1x512xf32>
    %add3A_623 = vector.broadcast %mul3A_11 : f32 to vector<1x512xf32>
    %add3A_624 = arith.addf %get3A_622, %add3A_623 : vector<1x512xf32>
    %sub3A_625 = arith.subf %add3A_619, %add3A_609 : vector<1x512xf32>
    %sub3A_626 = arith.subf %add3A_624, %add3A_614 : vector<1x512xf32>
    %mul3A_627 = arith.mulf %sub3A_625, %sub3A_626 : vector<1x512xf32>
    %max3A_628 = vector.broadcast %add3A_442 : vector<512x1xf32> to vector<512x512xf32>
    %max3A_629 = vector.broadcast %add3A_609 : vector<1x512xf32> to vector<512x512xf32>
    %max3A_630 = arith.maximumf %max3A_628, %max3A_629 : vector<512x512xf32>
    %max3A_631 = vector.broadcast %add3A_447 : vector<512x1xf32> to vector<512x512xf32>
    %max3A_632 = vector.broadcast %add3A_614 : vector<1x512xf32> to vector<512x512xf32>
    %max3A_633 = arith.maximumf %max3A_631, %max3A_632 : vector<512x512xf32>
    %min3A_634 = vector.broadcast %add3A_452 : vector<512x1xf32> to vector<512x512xf32>
    %min3A_635 = vector.broadcast %add3A_619 : vector<1x512xf32> to vector<512x512xf32>
    %min3A_636 = arith.minimumf %min3A_634, %min3A_635 : vector<512x512xf32>
    %min3A_637 = vector.broadcast %add3A_457 : vector<512x1xf32> to vector<512x512xf32>
    %min3A_638 = vector.broadcast %add3A_624 : vector<1x512xf32> to vector<512x512xf32>
    %min3A_639 = arith.minimumf %min3A_637, %min3A_638 : vector<512x512xf32>
    %sub3A_640 = arith.subf %min3A_636, %max3A_630 : vector<512x512xf32>
    %max3A_641 = arith.constant 0.000000e+00 : f32
    %max3A_642 = vector.broadcast %max3A_641 : f32 to vector<512x512xf32>
    %max3A_643 = arith.maximumf %sub3A_640, %max3A_642 : vector<512x512xf32>
    %sub3A_644 = arith.subf %min3A_639, %max3A_633 : vector<512x512xf32>
    %max3A_645 = arith.constant 0.000000e+00 : f32
    %max3A_646 = vector.broadcast %max3A_645 : f32 to vector<512x512xf32>
    %max3A_647 = arith.maximumf %sub3A_644, %max3A_646 : vector<512x512xf32>
    %mul3A_648 = arith.mulf %max3A_643, %max3A_647 : vector<512x512xf32>
    %add3A_649 = vector.broadcast %mul3A_460 : vector<512x1xf32> to vector<512x512xf32>
    %add3A_650 = vector.broadcast %mul3A_627 : vector<1x512xf32> to vector<512x512xf32>
    %add3A_651 = arith.addf %add3A_649, %add3A_650 : vector<512x512xf32>
    %sub3A_652 = arith.subf %add3A_651, %mul3A_648 : vector<512x512xf32>
    %add3A_653 = arith.constant 9.99999971E-10 : f32
    %add3A_654 = vector.broadcast %add3A_653 : f32 to vector<512x512xf32>
    %add3A_655 = arith.addf %sub3A_652, %add3A_654 : vector<512x512xf32>
    %div3A_656 = arith.divf %mul3A_648, %add3A_655 : vector<512x512xf32>
    %gt3A_657 = arith.constant 0.699999988 : f32
    %gt3A_658 = vector.broadcast %gt3A_657 : f32 to vector<512x512xf32>
    %gt3A_659 = arith.cmpf ogt, %div3A_656, %gt3A_658 : vector<512x512xf32>
    %convert_element_type3A_660 = arith.extui %gt3A_659 : vector<512x512xi1> to vector<512x512xi32>
    %convert_element_type3A_661 = arith.sitofp %convert_element_type3A_660 : vector<512x512xi32> to vector<512x512xf32>
    %get3A_662 = arith.constant 0 : index
    %get3A_663 = arith.constant 1536 : index
    %get3A_664 = vector.load %arg4[%get3A_662, %get3A_663] : memref<1x3072xf32, #tpu.memory_space<vmem>>, vector<1x512xf32>
    %dot_general3A_665 = arith.constant dense<0.000000e+00> : vector<1x512xf32>
    %dot_general3A_666 = tpu.matmul %while3A_535#0, %convert_element_type3A_661, %dot_general3A_665 {dimension_numbers = #tpu.dot_dimension_numbers<[1], [0], [0], [1], [0, 0, 1, 1], [], []>, transpose_lhs_hint = false} : vector<1x512xf32>, vector<512x512xf32>, vector<1x512xf32> -> vector<1x512xf32>
    %add3A_667 = arith.addf %get3A_664, %dot_general3A_666 : vector<1x512xf32>
    %swap3A_668 = arith.constant 0 : index
    %swap3A_669 = arith.constant 1536 : index
    %swap3A_670 = vector.load %arg4[%swap3A_668, %swap3A_669] : memref<1x3072xf32, #tpu.memory_space<vmem>>, vector<1x512xf32>
    tpu.vector_store %arg4[%swap3A_668, %swap3A_669], %add3A_667 {strides = array<i32>} : memref<1x3072xf32, #tpu.memory_space<vmem>>, vector<1x512xf32>,
    %get3A_671 = arith.constant 0 : index
    %get3A_672 = arith.constant 2048 : index
    %get3A_673 = vector.load %arg1[%get3A_671, %get3A_672] : memref<8x3072xf32, #tpu.memory_space<vmem>>, vector<1x512xf32>
    %add3A_674 = vector.broadcast %mul3A_11 : f32 to vector<1x512xf32>
    %add3A_675 = arith.addf %get3A_673, %add3A_674 : vector<1x512xf32>
    %get3A_676 = arith.constant 1 : index
    %get3A_677 = arith.constant 2048 : index
    %get3A_678 = vector.load %arg1[%get3A_676, %get3A_677] : memref<8x3072xf32, #tpu.memory_space<vmem>>, vector<1x512xf32>
    %add3A_679 = vector.broadcast %mul3A_11 : f32 to vector<1x512xf32>
    %add3A_680 = arith.addf %get3A_678, %add3A_679 : vector<1x512xf32>
    %get3A_681 = arith.constant 2 : index
    %get3A_682 = arith.constant 2048 : index
    %get3A_683 = vector.load %arg1[%get3A_681, %get3A_682] : memref<8x3072xf32, #tpu.memory_space<vmem>>, vector<1x512xf32>
    %add3A_684 = vector.broadcast %mul3A_11 : f32 to vector<1x512xf32>
    %add3A_685 = arith.addf %get3A_683, %add3A_684 : vector<1x512xf32>
    %get3A_686 = arith.constant 3 : index
    %get3A_687 = arith.constant 2048 : index
    %get3A_688 = vector.load %arg1[%get3A_686, %get3A_687] : memref<8x3072xf32, #tpu.memory_space<vmem>>, vector<1x512xf32>
    %add3A_689 = vector.broadcast %mul3A_11 : f32 to vector<1x512xf32>
    %add3A_690 = arith.addf %get3A_688, %add3A_689 : vector<1x512xf32>
    %sub3A_691 = arith.subf %add3A_685, %add3A_675 : vector<1x512xf32>
    %sub3A_692 = arith.subf %add3A_690, %add3A_680 : vector<1x512xf32>
    %mul3A_693 = arith.mulf %sub3A_691, %sub3A_692 : vector<1x512xf32>
    %max3A_694 = vector.broadcast %add3A_442 : vector<512x1xf32> to vector<512x512xf32>
    %max3A_695 = vector.broadcast %add3A_675 : vector<1x512xf32> to vector<512x512xf32>
    %max3A_696 = arith.maximumf %max3A_694, %max3A_695 : vector<512x512xf32>
    %max3A_697 = vector.broadcast %add3A_447 : vector<512x1xf32> to vector<512x512xf32>
    %max3A_698 = vector.broadcast %add3A_680 : vector<1x512xf32> to vector<512x512xf32>
    %max3A_699 = arith.maximumf %max3A_697, %max3A_698 : vector<512x512xf32>
    %min3A_700 = vector.broadcast %add3A_452 : vector<512x1xf32> to vector<512x512xf32>
    %min3A_701 = vector.broadcast %add3A_685 : vector<1x512xf32> to vector<512x512xf32>
    %min3A_702 = arith.minimumf %min3A_700, %min3A_701 : vector<512x512xf32>
    %min3A_703 = vector.broadcast %add3A_457 : vector<512x1xf32> to vector<512x512xf32>
    %min3A_704 = vector.broadcast %add3A_690 : vector<1x512xf32> to vector<512x512xf32>
    %min3A_705 = arith.minimumf %min3A_703, %min3A_704 : vector<512x512xf32>
    %sub3A_706 = arith.subf %min3A_702, %max3A_696 : vector<512x512xf32>
    %max3A_707 = arith.constant 0.000000e+00 : f32
    %max3A_708 = vector.broadcast %max3A_707 : f32 to vector<512x512xf32>
    %max3A_709 = arith.maximumf %sub3A_706, %max3A_708 : vector<512x512xf32>
    %sub3A_710 = arith.subf %min3A_705, %max3A_699 : vector<512x512xf32>
    %max3A_711 = arith.constant 0.000000e+00 : f32
    %max3A_712 = vector.broadcast %max3A_711 : f32 to vector<512x512xf32>
    %max3A_713 = arith.maximumf %sub3A_710, %max3A_712 : vector<512x512xf32>
    %mul3A_714 = arith.mulf %max3A_709, %max3A_713 : vector<512x512xf32>
    %add3A_715 = vector.broadcast %mul3A_460 : vector<512x1xf32> to vector<512x512xf32>
    %add3A_716 = vector.broadcast %mul3A_693 : vector<1x512xf32> to vector<512x512xf32>
    %add3A_717 = arith.addf %add3A_715, %add3A_716 : vector<512x512xf32>
    %sub3A_718 = arith.subf %add3A_717, %mul3A_714 : vector<512x512xf32>
    %add3A_719 = arith.constant 9.99999971E-10 : f32
    %add3A_720 = vector.broadcast %add3A_719 : f32 to vector<512x512xf32>
    %add3A_721 = arith.addf %sub3A_718, %add3A_720 : vector<512x512xf32>
    %div3A_722 = arith.divf %mul3A_714, %add3A_721 : vector<512x512xf32>
    %gt3A_723 = arith.constant 0.699999988 : f32
    %gt3A_724 = vector.broadcast %gt3A_723 : f32 to vector<512x512xf32>
    %gt3A_725 = arith.cmpf ogt, %div3A_722, %gt3A_724 : vector<512x512xf32>
    %convert_element_type3A_726 = arith.extui %gt3A_725 : vector<512x512xi1> to vector<512x512xi32>
    %convert_element_type3A_727 = arith.sitofp %convert_element_type3A_726 : vector<512x512xi32> to vector<512x512xf32>
    %get3A_728 = arith.constant 0 : index
    %get3A_729 = arith.constant 2048 : index
    %get3A_730 = vector.load %arg4[%get3A_728, %get3A_729] : memref<1x3072xf32, #tpu.memory_space<vmem>>, vector<1x512xf32>
    %dot_general3A_731 = arith.constant dense<0.000000e+00> : vector<1x512xf32>
    %dot_general3A_732 = tpu.matmul %while3A_535#0, %convert_element_type3A_727, %dot_general3A_731 {dimension_numbers = #tpu.dot_dimension_numbers<[1], [0], [0], [1], [0, 0, 1, 1], [], []>, transpose_lhs_hint = false} : vector<1x512xf32>, vector<512x512xf32>, vector<1x512xf32> -> vector<1x512xf32>
    %add3A_733 = arith.addf %get3A_730, %dot_general3A_732 : vector<1x512xf32>
    %swap3A_734 = arith.constant 0 : index
    %swap3A_735 = arith.constant 2048 : index
    %swap3A_736 = vector.load %arg4[%swap3A_734, %swap3A_735] : memref<1x3072xf32, #tpu.memory_space<vmem>>, vector<1x512xf32>
    tpu.vector_store %arg4[%swap3A_734, %swap3A_735], %add3A_733 {strides = array<i32>} : memref<1x3072xf32, #tpu.memory_space<vmem>>, vector<1x512xf32>,
    %get3A_737 = arith.constant 0 : index
    %get3A_738 = arith.constant 2560 : index
    %get3A_739 = vector.load %arg1[%get3A_737, %get3A_738] : memref<8x3072xf32, #tpu.memory_space<vmem>>, vector<1x512xf32>
    %add3A_740 = vector.broadcast %mul3A_11 : f32 to vector<1x512xf32>
    %add3A_741 = arith.addf %get3A_739, %add3A_740 : vector<1x512xf32>
    %get3A_742 = arith.constant 1 : index
    %get3A_743 = arith.constant 2560 : index
    %get3A_744 = vector.load %arg1[%get3A_742, %get3A_743] : memref<8x3072xf32, #tpu.memory_space<vmem>>, vector<1x512xf32>
    %add3A_745 = vector.broadcast %mul3A_11 : f32 to vector<1x512xf32>
    %add3A_746 = arith.addf %get3A_744, %add3A_745 : vector<1x512xf32>
    %get3A_747 = arith.constant 2 : index
    %get3A_748 = arith.constant 2560 : index
    %get3A_749 = vector.load %arg1[%get3A_747, %get3A_748] : memref<8x3072xf32, #tpu.memory_space<vmem>>, vector<1x512xf32>
    %add3A_750 = vector.broadcast %mul3A_11 : f32 to vector<1x512xf32>
    %add3A_751 = arith.addf %get3A_749, %add3A_750 : vector<1x512xf32>
    %get3A_752 = arith.constant 3 : index
    %get3A_753 = arith.constant 2560 : index
    %get3A_754 = vector.load %arg1[%get3A_752, %get3A_753] : memref<8x3072xf32, #tpu.memory_space<vmem>>, vector<1x512xf32>
    %add3A_755 = vector.broadcast %mul3A_11 : f32 to vector<1x512xf32>
    %add3A_756 = arith.addf %get3A_754, %add3A_755 : vector<1x512xf32>
    %sub3A_757 = arith.subf %add3A_751, %add3A_741 : vector<1x512xf32>
    %sub3A_758 = arith.subf %add3A_756, %add3A_746 : vector<1x512xf32>
    %mul3A_759 = arith.mulf %sub3A_757, %sub3A_758 : vector<1x512xf32>
    %max3A_760 = vector.broadcast %add3A_442 : vector<512x1xf32> to vector<512x512xf32>
    %max3A_761 = vector.broadcast %add3A_741 : vector<1x512xf32> to vector<512x512xf32>
    %max3A_762 = arith.maximumf %max3A_760, %max3A_761 : vector<512x512xf32>
    %max3A_763 = vector.broadcast %add3A_447 : vector<512x1xf32> to vector<512x512xf32>
    %max3A_764 = vector.broadcast %add3A_746 : vector<1x512xf32> to vector<512x512xf32>
    %max3A_765 = arith.maximumf %max3A_763, %max3A_764 : vector<512x512xf32>
    %min3A_766 = vector.broadcast %add3A_452 : vector<512x1xf32> to vector<512x512xf32>
    %min3A_767 = vector.broadcast %add3A_751 : vector<1x512xf32> to vector<512x512xf32>
    %min3A_768 = arith.minimumf %min3A_766, %min3A_767 : vector<512x512xf32>
    %min3A_769 = vector.broadcast %add3A_457 : vector<512x1xf32> to vector<512x512xf32>
    %min3A_770 = vector.broadcast %add3A_756 : vector<1x512xf32> to vector<512x512xf32>
    %min3A_771 = arith.minimumf %min3A_769, %min3A_770 : vector<512x512xf32>
    %sub3A_772 = arith.subf %min3A_768, %max3A_762 : vector<512x512xf32>
    %max3A_773 = arith.constant 0.000000e+00 : f32
    %max3A_774 = vector.broadcast %max3A_773 : f32 to vector<512x512xf32>
    %max3A_775 = arith.maximumf %sub3A_772, %max3A_774 : vector<512x512xf32>
    %sub3A_776 = arith.subf %min3A_771, %max3A_765 : vector<512x512xf32>
    %max3A_777 = arith.constant 0.000000e+00 : f32
    %max3A_778 = vector.broadcast %max3A_777 : f32 to vector<512x512xf32>
    %max3A_779 = arith.maximumf %sub3A_776, %max3A_778 : vector<512x512xf32>
    %mul3A_780 = arith.mulf %max3A_775, %max3A_779 : vector<512x512xf32>
    %add3A_781 = vector.broadcast %mul3A_460 : vector<512x1xf32> to vector<512x512xf32>
    %add3A_782 = vector.broadcast %mul3A_759 : vector<1x512xf32> to vector<512x512xf32>
    %add3A_783 = arith.addf %add3A_781, %add3A_782 : vector<512x512xf32>
    %sub3A_784 = arith.subf %add3A_783, %mul3A_780 : vector<512x512xf32>
    %add3A_785 = arith.constant 9.99999971E-10 : f32
    %add3A_786 = vector.broadcast %add3A_785 : f32 to vector<512x512xf32>
    %add3A_787 = arith.addf %sub3A_784, %add3A_786 : vector<512x512xf32>
    %div3A_788 = arith.divf %mul3A_780, %add3A_787 : vector<512x512xf32>
    %gt3A_789 = arith.constant 0.699999988 : f32
    %gt3A_790 = vector.broadcast %gt3A_789 : f32 to vector<512x512xf32>
    %gt3A_791 = arith.cmpf ogt, %div3A_788, %gt3A_790 : vector<512x512xf32>
    %convert_element_type3A_792 = arith.extui %gt3A_791 : vector<512x512xi1> to vector<512x512xi32>
    %convert_element_type3A_793 = arith.sitofp %convert_element_type3A_792 : vector<512x512xi32> to vector<512x512xf32>
    %get3A_794 = arith.constant 0 : index
    %get3A_795 = arith.constant 2560 : index
    %get3A_796 = vector.load %arg4[%get3A_794, %get3A_795] : memref<1x3072xf32, #tpu.memory_space<vmem>>, vector<1x512xf32>
    %dot_general3A_797 = arith.constant dense<0.000000e+00> : vector<1x512xf32>
    %dot_general3A_798 = tpu.matmul %while3A_535#0, %convert_element_type3A_793, %dot_general3A_797 {dimension_numbers = #tpu.dot_dimension_numbers<[1], [0], [0], [1], [0, 0, 1, 1], [], []>, transpose_lhs_hint = false} : vector<1x512xf32>, vector<512x512xf32>, vector<1x512xf32> -> vector<1x512xf32>
    %add3A_799 = arith.addf %get3A_796, %dot_general3A_798 : vector<1x512xf32>
    %swap3A_800 = arith.constant 0 : index
    %swap3A_801 = arith.constant 2560 : index
    %swap3A_802 = vector.load %arg4[%swap3A_800, %swap3A_801] : memref<1x3072xf32, #tpu.memory_space<vmem>>, vector<1x512xf32>
    tpu.vector_store %arg4[%swap3A_800, %swap3A_801], %add3A_799 {strides = array<i32>} : memref<1x3072xf32, #tpu.memory_space<vmem>>, vector<1x512xf32>,
    %get3A_803 = arith.constant 1024 : index
    %get3A_804 = arith.constant 0 : index
    %get3A_805 = vector.load %arg0[%get3A_803, %get3A_804] : memref<3072x8xf32, #tpu.memory_space<vmem>>, vector<512x1xf32>
    %add3A_806 = vector.broadcast %mul3A_11 : f32 to vector<512x1xf32>
    %add3A_807 = arith.addf %get3A_805, %add3A_806 : vector<512x1xf32>
    %get3A_808 = arith.constant 1024 : index
    %get3A_809 = arith.constant 1 : index
    %get3A_810 = vector.load %arg0[%get3A_808, %get3A_809] : memref<3072x8xf32, #tpu.memory_space<vmem>>, vector<512x1xf32>
    %add3A_811 = vector.broadcast %mul3A_11 : f32 to vector<512x1xf32>
    %add3A_812 = arith.addf %get3A_810, %add3A_811 : vector<512x1xf32>
    %get3A_813 = arith.constant 1024 : index
    %get3A_814 = arith.constant 2 : index
    %get3A_815 = vector.load %arg0[%get3A_813, %get3A_814] : memref<3072x8xf32, #tpu.memory_space<vmem>>, vector<512x1xf32>
    %add3A_816 = vector.broadcast %mul3A_11 : f32 to vector<512x1xf32>
    %add3A_817 = arith.addf %get3A_815, %add3A_816 : vector<512x1xf32>
    %get3A_818 = arith.constant 1024 : index
    %get3A_819 = arith.constant 3 : index
    %get3A_820 = vector.load %arg0[%get3A_818, %get3A_819] : memref<3072x8xf32, #tpu.memory_space<vmem>>, vector<512x1xf32>
    %add3A_821 = vector.broadcast %mul3A_11 : f32 to vector<512x1xf32>
    %add3A_822 = arith.addf %get3A_820, %add3A_821 : vector<512x1xf32>
    %sub3A_823 = arith.subf %add3A_817, %add3A_807 : vector<512x1xf32>
    %sub3A_824 = arith.subf %add3A_822, %add3A_812 : vector<512x1xf32>
    %mul3A_825 = arith.mulf %sub3A_823, %sub3A_824 : vector<512x1xf32>
    %get3A_826 = arith.constant 0 : index
    %get3A_827 = arith.constant 1024 : index
    %get3A_828 = vector.load %arg1[%get3A_826, %get3A_827] : memref<8x3072xf32, #tpu.memory_space<vmem>>, vector<1x512xf32>
    %add3A_829 = vector.broadcast %mul3A_11 : f32 to vector<1x512xf32>
    %add3A_830 = arith.addf %get3A_828, %add3A_829 : vector<1x512xf32>
    %get3A_831 = arith.constant 1 : index
    %get3A_832 = arith.constant 1024 : index
    %get3A_833 = vector.load %arg1[%get3A_831, %get3A_832] : memref<8x3072xf32, #tpu.memory_space<vmem>>, vector<1x512xf32>
    %add3A_834 = vector.broadcast %mul3A_11 : f32 to vector<1x512xf32>
    %add3A_835 = arith.addf %get3A_833, %add3A_834 : vector<1x512xf32>
    %get3A_836 = arith.constant 2 : index
    %get3A_837 = arith.constant 1024 : index
    %get3A_838 = vector.load %arg1[%get3A_836, %get3A_837] : memref<8x3072xf32, #tpu.memory_space<vmem>>, vector<1x512xf32>
    %add3A_839 = vector.broadcast %mul3A_11 : f32 to vector<1x512xf32>
    %add3A_840 = arith.addf %get3A_838, %add3A_839 : vector<1x512xf32>
    %get3A_841 = arith.constant 3 : index
    %get3A_842 = arith.constant 1024 : index
    %get3A_843 = vector.load %arg1[%get3A_841, %get3A_842] : memref<8x3072xf32, #tpu.memory_space<vmem>>, vector<1x512xf32>
    %add3A_844 = vector.broadcast %mul3A_11 : f32 to vector<1x512xf32>
    %add3A_845 = arith.addf %get3A_843, %add3A_844 : vector<1x512xf32>
    %sub3A_846 = arith.subf %add3A_840, %add3A_830 : vector<1x512xf32>
    %sub3A_847 = arith.subf %add3A_845, %add3A_835 : vector<1x512xf32>
    %mul3A_848 = arith.mulf %sub3A_846, %sub3A_847 : vector<1x512xf32>
    %max3A_849 = vector.broadcast %add3A_807 : vector<512x1xf32> to vector<512x512xf32>
    %max3A_850 = vector.broadcast %add3A_830 : vector<1x512xf32> to vector<512x512xf32>
    %max3A_851 = arith.maximumf %max3A_849, %max3A_850 : vector<512x512xf32>
    %max3A_852 = vector.broadcast %add3A_812 : vector<512x1xf32> to vector<512x512xf32>
    %max3A_853 = vector.broadcast %add3A_835 : vector<1x512xf32> to vector<512x512xf32>
    %max3A_854 = arith.maximumf %max3A_852, %max3A_853 : vector<512x512xf32>
    %min3A_855 = vector.broadcast %add3A_817 : vector<512x1xf32> to vector<512x512xf32>
    %min3A_856 = vector.broadcast %add3A_840 : vector<1x512xf32> to vector<512x512xf32>
    %min3A_857 = arith.minimumf %min3A_855, %min3A_856 : vector<512x512xf32>
    %min3A_858 = vector.broadcast %add3A_822 : vector<512x1xf32> to vector<512x512xf32>
    %min3A_859 = vector.broadcast %add3A_845 : vector<1x512xf32> to vector<512x512xf32>
    %min3A_860 = arith.minimumf %min3A_858, %min3A_859 : vector<512x512xf32>
    %sub3A_861 = arith.subf %min3A_857, %max3A_851 : vector<512x512xf32>
    %max3A_862 = arith.constant 0.000000e+00 : f32
    %max3A_863 = vector.broadcast %max3A_862 : f32 to vector<512x512xf32>
    %max3A_864 = arith.maximumf %sub3A_861, %max3A_863 : vector<512x512xf32>
    %sub3A_865 = arith.subf %min3A_860, %max3A_854 : vector<512x512xf32>
    %max3A_866 = arith.constant 0.000000e+00 : f32
    %max3A_867 = vector.broadcast %max3A_866 : f32 to vector<512x512xf32>
    %max3A_868 = arith.maximumf %sub3A_865, %max3A_867 : vector<512x512xf32>
    %mul3A_869 = arith.mulf %max3A_864, %max3A_868 : vector<512x512xf32>
    %add3A_870 = vector.broadcast %mul3A_825 : vector<512x1xf32> to vector<512x512xf32>
    %add3A_871 = vector.broadcast %mul3A_848 : vector<1x512xf32> to vector<512x512xf32>
    %add3A_872 = arith.addf %add3A_870, %add3A_871 : vector<512x512xf32>
    %sub3A_873 = arith.subf %add3A_872, %mul3A_869 : vector<512x512xf32>
    %add3A_874 = arith.constant 9.99999971E-10 : f32
    %add3A_875 = vector.broadcast %add3A_874 : f32 to vector<512x512xf32>
    %add3A_876 = arith.addf %sub3A_873, %add3A_875 : vector<512x512xf32>
    %div3A_877 = arith.divf %mul3A_869, %add3A_876 : vector<512x512xf32>
    %gt3A_878 = arith.constant 0.699999988 : f32
    %gt3A_879 = vector.broadcast %gt3A_878 : f32 to vector<512x512xf32>
    %gt3A_880 = arith.cmpf ogt, %div3A_877, %gt3A_879 : vector<512x512xf32>
    %convert_element_type3A_881 = arith.extui %gt3A_880 : vector<512x512xi1> to vector<512x512xi32>
    %convert_element_type3A_882 = arith.sitofp %convert_element_type3A_881 : vector<512x512xi32> to vector<512x512xf32>
    %iota3A_883 = tpu.iota {dimensions = array<i32: 0>} : vector<512x1xi32>
    %iota3A_884 = tpu.iota {dimensions = array<i32: 1>} : vector<1x512xi32>
    %lt3A_885 = vector.broadcast %iota3A_883 : vector<512x1xi32> to vector<512x512xi32>
    %lt3A_886 = vector.broadcast %iota3A_884 : vector<1x512xi32> to vector<512x512xi32>
    %lt3A_887 = arith.cmpi slt, %lt3A_885, %lt3A_886 : vector<512x512xi32>
    %convert_element_type3A_888 = arith.extui %lt3A_887 : vector<512x512xi1> to vector<512x512xi32>
    %convert_element_type3A_889 = arith.sitofp %convert_element_type3A_888 : vector<512x512xi32> to vector<512x512xf32>
    %mul3A_890 = arith.mulf %convert_element_type3A_882, %convert_element_type3A_889 : vector<512x512xf32>
    %get3A_891 = arith.constant 0 : index
    %get3A_892 = arith.constant 1024 : index
    %get3A_893 = vector.load %arg4[%get3A_891, %get3A_892] : memref<1x3072xf32, #tpu.memory_space<vmem>>, vector<1x512xf32>
    %eq3A_894 = arith.constant 0.000000e+00 : f32
    %eq3A_895 = vector.broadcast %eq3A_894 : f32 to vector<1x512xf32>
    %eq3A_896 = arith.cmpf oeq, %get3A_893, %eq3A_895 : vector<1x512xf32>
    %convert_element_type3A_897 = arith.extui %eq3A_896 : vector<1x512xi1> to vector<1x512xi32>
    %convert_element_type3A_898 = arith.sitofp %convert_element_type3A_897 : vector<1x512xi32> to vector<1x512xf32>
    %while3A_899 = arith.constant true
    %while3A_900:2 = scf.while (%while3A_1691 = %convert_element_type3A_898, %while3A_1692 = %while3A_899) : (vector<1x512xf32>, i1) -> (vector<1x512xf32>, i1) {
      scf.condition(%while3A_1692) %while3A_1691, %while3A_1692 : vector<1x512xf32>, i1
    } do {
    ^bb0(%while3A_1691: vector<1x512xf32>, %while3A_1692: i1):
      %dot_general3A_1693 = arith.constant dense<0.000000e+00> : vector<1x512xf32>
      %dot_general3A_1694 = tpu.matmul %while3A_1691, %mul3A_890, %dot_general3A_1693 {dimension_numbers = #tpu.dot_dimension_numbers<[1], [0], [0], [1], [0, 0, 1, 1], [], []>, transpose_lhs_hint = false} : vector<1x512xf32>, vector<512x512xf32>, vector<1x512xf32> -> vector<1x512xf32>
      %eq3A_1695 = arith.constant 0.000000e+00 : f32
      %eq3A_1696 = vector.broadcast %eq3A_1695 : f32 to vector<1x512xf32>
      %eq3A_1697 = arith.cmpf oeq, %dot_general3A_1694, %eq3A_1696 : vector<1x512xf32>
      %convert_element_type3A_1698 = arith.extui %eq3A_1697 : vector<1x512xi1> to vector<1x512xi32>
      %convert_element_type3A_1699 = arith.sitofp %convert_element_type3A_1698 : vector<1x512xi32> to vector<1x512xf32>
      %mul3A_1700 = arith.mulf %convert_element_type3A_898, %convert_element_type3A_1699 : vector<1x512xf32>
      %ne3A_1701 = arith.cmpf one, %mul3A_1700, %while3A_1691 : vector<1x512xf32>
      %reduce_or3A = arith.constant 1.000000e+00 : f32
      %reduce_or3A_1702 = arith.constant 0.000000e+00 : f32
      %reduce_or3A_1703 = vector.broadcast %reduce_or3A : f32 to vector<1x512xf32>
      %reduce_or3A_1704 = vector.broadcast %reduce_or3A_1702 : f32 to vector<1x512xf32>
      %reduce_or3A_1705 = arith.select %ne3A_1701, %reduce_or3A_1703, %reduce_or3A_1704 : vector<1x512xi1>, vector<1x512xf32>
      %reduce_or3A_1706 = vector.shape_cast %reduce_or3A_1705 : vector<1x512xf32> to vector<1x1x512xf32>
      %reduce_or3A_1707 = arith.constant dense<0xFF800000> : vector<1xf32>
      %reduce_or3A_1708 = vector.multi_reduction <maximumf>, %reduce_or3A_1706, %reduce_or3A_1707 [1, 2] : vector<1x1x512xf32> to vector<1xf32>
      %reduce_or3A_1709 = vector.shape_cast %reduce_or3A_1708 : vector<1xf32> to vector<1x1x1xf32>
      %reduce_or3A_1710 = vector.extract %reduce_or3A_1709[0, 0, 0] : f32 from vector<1x1x1xf32>
      %reduce_or3A_1711 = arith.constant 0.000000e+00 : f32
      %reduce_or3A_1712 = arith.cmpf ogt, %reduce_or3A_1710, %reduce_or3A_1711 : f32
      scf.yield %mul3A_1700, %reduce_or3A_1712 : vector<1x512xf32>, i1
    }
    %swap3A_901 = arith.constant 0 : index
    %swap3A_902 = arith.constant 1024 : index
    %swap3A_903 = vector.load %arg3[%swap3A_901, %swap3A_902] : memref<1x3072xf32, #tpu.memory_space<vmem>>, vector<1x512xf32>
    tpu.vector_store %arg3[%swap3A_901, %swap3A_902], %while3A_900#0 {strides = array<i32>} : memref<1x3072xf32, #tpu.memory_space<vmem>>, vector<1x512xf32>,
    %get3A_904 = arith.constant 0 : index
    %get3A_905 = arith.constant 1536 : index
    %get3A_906 = vector.load %arg1[%get3A_904, %get3A_905] : memref<8x3072xf32, #tpu.memory_space<vmem>>, vector<1x512xf32>
    %add3A_907 = vector.broadcast %mul3A_11 : f32 to vector<1x512xf32>
    %add3A_908 = arith.addf %get3A_906, %add3A_907 : vector<1x512xf32>
    %get3A_909 = arith.constant 1 : index
    %get3A_910 = arith.constant 1536 : index
    %get3A_911 = vector.load %arg1[%get3A_909, %get3A_910] : memref<8x3072xf32, #tpu.memory_space<vmem>>, vector<1x512xf32>
    %add3A_912 = vector.broadcast %mul3A_11 : f32 to vector<1x512xf32>
    %add3A_913 = arith.addf %get3A_911, %add3A_912 : vector<1x512xf32>
    %get3A_914 = arith.constant 2 : index
    %get3A_915 = arith.constant 1536 : index
    %get3A_916 = vector.load %arg1[%get3A_914, %get3A_915] : memref<8x3072xf32, #tpu.memory_space<vmem>>, vector<1x512xf32>
    %add3A_917 = vector.broadcast %mul3A_11 : f32 to vector<1x512xf32>
    %add3A_918 = arith.addf %get3A_916, %add3A_917 : vector<1x512xf32>
    %get3A_919 = arith.constant 3 : index
    %get3A_920 = arith.constant 1536 : index
    %get3A_921 = vector.load %arg1[%get3A_919, %get3A_920] : memref<8x3072xf32, #tpu.memory_space<vmem>>, vector<1x512xf32>
    %add3A_922 = vector.broadcast %mul3A_11 : f32 to vector<1x512xf32>
    %add3A_923 = arith.addf %get3A_921, %add3A_922 : vector<1x512xf32>
    %sub3A_924 = arith.subf %add3A_918, %add3A_908 : vector<1x512xf32>
    %sub3A_925 = arith.subf %add3A_923, %add3A_913 : vector<1x512xf32>
    %mul3A_926 = arith.mulf %sub3A_924, %sub3A_925 : vector<1x512xf32>
    %max3A_927 = vector.broadcast %add3A_807 : vector<512x1xf32> to vector<512x512xf32>
    %max3A_928 = vector.broadcast %add3A_908 : vector<1x512xf32> to vector<512x512xf32>
    %max3A_929 = arith.maximumf %max3A_927, %max3A_928 : vector<512x512xf32>
    %max3A_930 = vector.broadcast %add3A_812 : vector<512x1xf32> to vector<512x512xf32>
    %max3A_931 = vector.broadcast %add3A_913 : vector<1x512xf32> to vector<512x512xf32>
    %max3A_932 = arith.maximumf %max3A_930, %max3A_931 : vector<512x512xf32>
    %min3A_933 = vector.broadcast %add3A_817 : vector<512x1xf32> to vector<512x512xf32>
    %min3A_934 = vector.broadcast %add3A_918 : vector<1x512xf32> to vector<512x512xf32>
    %min3A_935 = arith.minimumf %min3A_933, %min3A_934 : vector<512x512xf32>
    %min3A_936 = vector.broadcast %add3A_822 : vector<512x1xf32> to vector<512x512xf32>
    %min3A_937 = vector.broadcast %add3A_923 : vector<1x512xf32> to vector<512x512xf32>
    %min3A_938 = arith.minimumf %min3A_936, %min3A_937 : vector<512x512xf32>
    %sub3A_939 = arith.subf %min3A_935, %max3A_929 : vector<512x512xf32>
    %max3A_940 = arith.constant 0.000000e+00 : f32
    %max3A_941 = vector.broadcast %max3A_940 : f32 to vector<512x512xf32>
    %max3A_942 = arith.maximumf %sub3A_939, %max3A_941 : vector<512x512xf32>
    %sub3A_943 = arith.subf %min3A_938, %max3A_932 : vector<512x512xf32>
    %max3A_944 = arith.constant 0.000000e+00 : f32
    %max3A_945 = vector.broadcast %max3A_944 : f32 to vector<512x512xf32>
    %max3A_946 = arith.maximumf %sub3A_943, %max3A_945 : vector<512x512xf32>
    %mul3A_947 = arith.mulf %max3A_942, %max3A_946 : vector<512x512xf32>
    %add3A_948 = vector.broadcast %mul3A_825 : vector<512x1xf32> to vector<512x512xf32>
    %add3A_949 = vector.broadcast %mul3A_926 : vector<1x512xf32> to vector<512x512xf32>
    %add3A_950 = arith.addf %add3A_948, %add3A_949 : vector<512x512xf32>
    %sub3A_951 = arith.subf %add3A_950, %mul3A_947 : vector<512x512xf32>
    %add3A_952 = arith.constant 9.99999971E-10 : f32
    %add3A_953 = vector.broadcast %add3A_952 : f32 to vector<512x512xf32>
    %add3A_954 = arith.addf %sub3A_951, %add3A_953 : vector<512x512xf32>
    %div3A_955 = arith.divf %mul3A_947, %add3A_954 : vector<512x512xf32>
    %gt3A_956 = arith.constant 0.699999988 : f32
    %gt3A_957 = vector.broadcast %gt3A_956 : f32 to vector<512x512xf32>
    %gt3A_958 = arith.cmpf ogt, %div3A_955, %gt3A_957 : vector<512x512xf32>
    %convert_element_type3A_959 = arith.extui %gt3A_958 : vector<512x512xi1> to vector<512x512xi32>
    %convert_element_type3A_960 = arith.sitofp %convert_element_type3A_959 : vector<512x512xi32> to vector<512x512xf32>
    %get3A_961 = arith.constant 0 : index
    %get3A_962 = arith.constant 1536 : index
    %get3A_963 = vector.load %arg4[%get3A_961, %get3A_962] : memref<1x3072xf32, #tpu.memory_space<vmem>>, vector<1x512xf32>
    %dot_general3A_964 = arith.constant dense<0.000000e+00> : vector<1x512xf32>
    %dot_general3A_965 = tpu.matmul %while3A_900#0, %convert_element_type3A_960, %dot_general3A_964 {dimension_numbers = #tpu.dot_dimension_numbers<[1], [0], [0], [1], [0, 0, 1, 1], [], []>, transpose_lhs_hint = false} : vector<1x512xf32>, vector<512x512xf32>, vector<1x512xf32> -> vector<1x512xf32>
    %add3A_966 = arith.addf %get3A_963, %dot_general3A_965 : vector<1x512xf32>
    %swap3A_967 = arith.constant 0 : index
    %swap3A_968 = arith.constant 1536 : index
    %swap3A_969 = vector.load %arg4[%swap3A_967, %swap3A_968] : memref<1x3072xf32, #tpu.memory_space<vmem>>, vector<1x512xf32>
    tpu.vector_store %arg4[%swap3A_967, %swap3A_968], %add3A_966 {strides = array<i32>} : memref<1x3072xf32, #tpu.memory_space<vmem>>, vector<1x512xf32>,
    %get3A_970 = arith.constant 0 : index
    %get3A_971 = arith.constant 2048 : index
    %get3A_972 = vector.load %arg1[%get3A_970, %get3A_971] : memref<8x3072xf32, #tpu.memory_space<vmem>>, vector<1x512xf32>
    %add3A_973 = vector.broadcast %mul3A_11 : f32 to vector<1x512xf32>
    %add3A_974 = arith.addf %get3A_972, %add3A_973 : vector<1x512xf32>
    %get3A_975 = arith.constant 1 : index
    %get3A_976 = arith.constant 2048 : index
    %get3A_977 = vector.load %arg1[%get3A_975, %get3A_976] : memref<8x3072xf32, #tpu.memory_space<vmem>>, vector<1x512xf32>
    %add3A_978 = vector.broadcast %mul3A_11 : f32 to vector<1x512xf32>
    %add3A_979 = arith.addf %get3A_977, %add3A_978 : vector<1x512xf32>
    %get3A_980 = arith.constant 2 : index
    %get3A_981 = arith.constant 2048 : index
    %get3A_982 = vector.load %arg1[%get3A_980, %get3A_981] : memref<8x3072xf32, #tpu.memory_space<vmem>>, vector<1x512xf32>
    %add3A_983 = vector.broadcast %mul3A_11 : f32 to vector<1x512xf32>
    %add3A_984 = arith.addf %get3A_982, %add3A_983 : vector<1x512xf32>
    %get3A_985 = arith.constant 3 : index
    %get3A_986 = arith.constant 2048 : index
    %get3A_987 = vector.load %arg1[%get3A_985, %get3A_986] : memref<8x3072xf32, #tpu.memory_space<vmem>>, vector<1x512xf32>
    %add3A_988 = vector.broadcast %mul3A_11 : f32 to vector<1x512xf32>
    %add3A_989 = arith.addf %get3A_987, %add3A_988 : vector<1x512xf32>
    %sub3A_990 = arith.subf %add3A_984, %add3A_974 : vector<1x512xf32>
    %sub3A_991 = arith.subf %add3A_989, %add3A_979 : vector<1x512xf32>
    %mul3A_992 = arith.mulf %sub3A_990, %sub3A_991 : vector<1x512xf32>
    %max3A_993 = vector.broadcast %add3A_807 : vector<512x1xf32> to vector<512x512xf32>
    %max3A_994 = vector.broadcast %add3A_974 : vector<1x512xf32> to vector<512x512xf32>
    %max3A_995 = arith.maximumf %max3A_993, %max3A_994 : vector<512x512xf32>
    %max3A_996 = vector.broadcast %add3A_812 : vector<512x1xf32> to vector<512x512xf32>
    %max3A_997 = vector.broadcast %add3A_979 : vector<1x512xf32> to vector<512x512xf32>
    %max3A_998 = arith.maximumf %max3A_996, %max3A_997 : vector<512x512xf32>
    %min3A_999 = vector.broadcast %add3A_817 : vector<512x1xf32> to vector<512x512xf32>
    %min3A_1000 = vector.broadcast %add3A_984 : vector<1x512xf32> to vector<512x512xf32>
    %min3A_1001 = arith.minimumf %min3A_999, %min3A_1000 : vector<512x512xf32>
    %min3A_1002 = vector.broadcast %add3A_822 : vector<512x1xf32> to vector<512x512xf32>
    %min3A_1003 = vector.broadcast %add3A_989 : vector<1x512xf32> to vector<512x512xf32>
    %min3A_1004 = arith.minimumf %min3A_1002, %min3A_1003 : vector<512x512xf32>
    %sub3A_1005 = arith.subf %min3A_1001, %max3A_995 : vector<512x512xf32>
    %max3A_1006 = arith.constant 0.000000e+00 : f32
    %max3A_1007 = vector.broadcast %max3A_1006 : f32 to vector<512x512xf32>
    %max3A_1008 = arith.maximumf %sub3A_1005, %max3A_1007 : vector<512x512xf32>
    %sub3A_1009 = arith.subf %min3A_1004, %max3A_998 : vector<512x512xf32>
    %max3A_1010 = arith.constant 0.000000e+00 : f32
    %max3A_1011 = vector.broadcast %max3A_1010 : f32 to vector<512x512xf32>
    %max3A_1012 = arith.maximumf %sub3A_1009, %max3A_1011 : vector<512x512xf32>
    %mul3A_1013 = arith.mulf %max3A_1008, %max3A_1012 : vector<512x512xf32>
    %add3A_1014 = vector.broadcast %mul3A_825 : vector<512x1xf32> to vector<512x512xf32>
    %add3A_1015 = vector.broadcast %mul3A_992 : vector<1x512xf32> to vector<512x512xf32>
    %add3A_1016 = arith.addf %add3A_1014, %add3A_1015 : vector<512x512xf32>
    %sub3A_1017 = arith.subf %add3A_1016, %mul3A_1013 : vector<512x512xf32>
    %add3A_1018 = arith.constant 9.99999971E-10 : f32
    %add3A_1019 = vector.broadcast %add3A_1018 : f32 to vector<512x512xf32>
    %add3A_1020 = arith.addf %sub3A_1017, %add3A_1019 : vector<512x512xf32>
    %div3A_1021 = arith.divf %mul3A_1013, %add3A_1020 : vector<512x512xf32>
    %gt3A_1022 = arith.constant 0.699999988 : f32
    %gt3A_1023 = vector.broadcast %gt3A_1022 : f32 to vector<512x512xf32>
    %gt3A_1024 = arith.cmpf ogt, %div3A_1021, %gt3A_1023 : vector<512x512xf32>
    %convert_element_type3A_1025 = arith.extui %gt3A_1024 : vector<512x512xi1> to vector<512x512xi32>
    %convert_element_type3A_1026 = arith.sitofp %convert_element_type3A_1025 : vector<512x512xi32> to vector<512x512xf32>
    %get3A_1027 = arith.constant 0 : index
    %get3A_1028 = arith.constant 2048 : index
    %get3A_1029 = vector.load %arg4[%get3A_1027, %get3A_1028] : memref<1x3072xf32, #tpu.memory_space<vmem>>, vector<1x512xf32>
    %dot_general3A_1030 = arith.constant dense<0.000000e+00> : vector<1x512xf32>
    %dot_general3A_1031 = tpu.matmul %while3A_900#0, %convert_element_type3A_1026, %dot_general3A_1030 {dimension_numbers = #tpu.dot_dimension_numbers<[1], [0], [0], [1], [0, 0, 1, 1], [], []>, transpose_lhs_hint = false} : vector<1x512xf32>, vector<512x512xf32>, vector<1x512xf32> -> vector<1x512xf32>
    %add3A_1032 = arith.addf %get3A_1029, %dot_general3A_1031 : vector<1x512xf32>
    %swap3A_1033 = arith.constant 0 : index
    %swap3A_1034 = arith.constant 2048 : index
    %swap3A_1035 = vector.load %arg4[%swap3A_1033, %swap3A_1034] : memref<1x3072xf32, #tpu.memory_space<vmem>>, vector<1x512xf32>
    tpu.vector_store %arg4[%swap3A_1033, %swap3A_1034], %add3A_1032 {strides = array<i32>} : memref<1x3072xf32, #tpu.memory_space<vmem>>, vector<1x512xf32>,
    %get3A_1036 = arith.constant 0 : index
    %get3A_1037 = arith.constant 2560 : index
    %get3A_1038 = vector.load %arg1[%get3A_1036, %get3A_1037] : memref<8x3072xf32, #tpu.memory_space<vmem>>, vector<1x512xf32>
    %add3A_1039 = vector.broadcast %mul3A_11 : f32 to vector<1x512xf32>
    %add3A_1040 = arith.addf %get3A_1038, %add3A_1039 : vector<1x512xf32>
    %get3A_1041 = arith.constant 1 : index
    %get3A_1042 = arith.constant 2560 : index
    %get3A_1043 = vector.load %arg1[%get3A_1041, %get3A_1042] : memref<8x3072xf32, #tpu.memory_space<vmem>>, vector<1x512xf32>
    %add3A_1044 = vector.broadcast %mul3A_11 : f32 to vector<1x512xf32>
    %add3A_1045 = arith.addf %get3A_1043, %add3A_1044 : vector<1x512xf32>
    %get3A_1046 = arith.constant 2 : index
    %get3A_1047 = arith.constant 2560 : index
    %get3A_1048 = vector.load %arg1[%get3A_1046, %get3A_1047] : memref<8x3072xf32, #tpu.memory_space<vmem>>, vector<1x512xf32>
    %add3A_1049 = vector.broadcast %mul3A_11 : f32 to vector<1x512xf32>
    %add3A_1050 = arith.addf %get3A_1048, %add3A_1049 : vector<1x512xf32>
    %get3A_1051 = arith.constant 3 : index
    %get3A_1052 = arith.constant 2560 : index
    %get3A_1053 = vector.load %arg1[%get3A_1051, %get3A_1052] : memref<8x3072xf32, #tpu.memory_space<vmem>>, vector<1x512xf32>
    %add3A_1054 = vector.broadcast %mul3A_11 : f32 to vector<1x512xf32>
    %add3A_1055 = arith.addf %get3A_1053, %add3A_1054 : vector<1x512xf32>
    %sub3A_1056 = arith.subf %add3A_1050, %add3A_1040 : vector<1x512xf32>
    %sub3A_1057 = arith.subf %add3A_1055, %add3A_1045 : vector<1x512xf32>
    %mul3A_1058 = arith.mulf %sub3A_1056, %sub3A_1057 : vector<1x512xf32>
    %max3A_1059 = vector.broadcast %add3A_807 : vector<512x1xf32> to vector<512x512xf32>
    %max3A_1060 = vector.broadcast %add3A_1040 : vector<1x512xf32> to vector<512x512xf32>
    %max3A_1061 = arith.maximumf %max3A_1059, %max3A_1060 : vector<512x512xf32>
    %max3A_1062 = vector.broadcast %add3A_812 : vector<512x1xf32> to vector<512x512xf32>
    %max3A_1063 = vector.broadcast %add3A_1045 : vector<1x512xf32> to vector<512x512xf32>
    %max3A_1064 = arith.maximumf %max3A_1062, %max3A_1063 : vector<512x512xf32>
    %min3A_1065 = vector.broadcast %add3A_817 : vector<512x1xf32> to vector<512x512xf32>
    %min3A_1066 = vector.broadcast %add3A_1050 : vector<1x512xf32> to vector<512x512xf32>
    %min3A_1067 = arith.minimumf %min3A_1065, %min3A_1066 : vector<512x512xf32>
    %min3A_1068 = vector.broadcast %add3A_822 : vector<512x1xf32> to vector<512x512xf32>
    %min3A_1069 = vector.broadcast %add3A_1055 : vector<1x512xf32> to vector<512x512xf32>
    %min3A_1070 = arith.minimumf %min3A_1068, %min3A_1069 : vector<512x512xf32>
    %sub3A_1071 = arith.subf %min3A_1067, %max3A_1061 : vector<512x512xf32>
    %max3A_1072 = arith.constant 0.000000e+00 : f32
    %max3A_1073 = vector.broadcast %max3A_1072 : f32 to vector<512x512xf32>
    %max3A_1074 = arith.maximumf %sub3A_1071, %max3A_1073 : vector<512x512xf32>
    %sub3A_1075 = arith.subf %min3A_1070, %max3A_1064 : vector<512x512xf32>
    %max3A_1076 = arith.constant 0.000000e+00 : f32
    %max3A_1077 = vector.broadcast %max3A_1076 : f32 to vector<512x512xf32>
    %max3A_1078 = arith.maximumf %sub3A_1075, %max3A_1077 : vector<512x512xf32>
    %mul3A_1079 = arith.mulf %max3A_1074, %max3A_1078 : vector<512x512xf32>
    %add3A_1080 = vector.broadcast %mul3A_825 : vector<512x1xf32> to vector<512x512xf32>
    %add3A_1081 = vector.broadcast %mul3A_1058 : vector<1x512xf32> to vector<512x512xf32>
    %add3A_1082 = arith.addf %add3A_1080, %add3A_1081 : vector<512x512xf32>
    %sub3A_1083 = arith.subf %add3A_1082, %mul3A_1079 : vector<512x512xf32>
    %add3A_1084 = arith.constant 9.99999971E-10 : f32
    %add3A_1085 = vector.broadcast %add3A_1084 : f32 to vector<512x512xf32>
    %add3A_1086 = arith.addf %sub3A_1083, %add3A_1085 : vector<512x512xf32>
    %div3A_1087 = arith.divf %mul3A_1079, %add3A_1086 : vector<512x512xf32>
    %gt3A_1088 = arith.constant 0.699999988 : f32
    %gt3A_1089 = vector.broadcast %gt3A_1088 : f32 to vector<512x512xf32>
    %gt3A_1090 = arith.cmpf ogt, %div3A_1087, %gt3A_1089 : vector<512x512xf32>
    %convert_element_type3A_1091 = arith.extui %gt3A_1090 : vector<512x512xi1> to vector<512x512xi32>
    %convert_element_type3A_1092 = arith.sitofp %convert_element_type3A_1091 : vector<512x512xi32> to vector<512x512xf32>
    %get3A_1093 = arith.constant 0 : index
    %get3A_1094 = arith.constant 2560 : index
    %get3A_1095 = vector.load %arg4[%get3A_1093, %get3A_1094] : memref<1x3072xf32, #tpu.memory_space<vmem>>, vector<1x512xf32>
    %dot_general3A_1096 = arith.constant dense<0.000000e+00> : vector<1x512xf32>
    %dot_general3A_1097 = tpu.matmul %while3A_900#0, %convert_element_type3A_1092, %dot_general3A_1096 {dimension_numbers = #tpu.dot_dimension_numbers<[1], [0], [0], [1], [0, 0, 1, 1], [], []>, transpose_lhs_hint = false} : vector<1x512xf32>, vector<512x512xf32>, vector<1x512xf32> -> vector<1x512xf32>
    %add3A_1098 = arith.addf %get3A_1095, %dot_general3A_1097 : vector<1x512xf32>
    %swap3A_1099 = arith.constant 0 : index
    %swap3A_1100 = arith.constant 2560 : index
    %swap3A_1101 = vector.load %arg4[%swap3A_1099, %swap3A_1100] : memref<1x3072xf32, #tpu.memory_space<vmem>>, vector<1x512xf32>
    tpu.vector_store %arg4[%swap3A_1099, %swap3A_1100], %add3A_1098 {strides = array<i32>} : memref<1x3072xf32, #tpu.memory_space<vmem>>, vector<1x512xf32>,
    %get3A_1102 = arith.constant 1536 : index
    %get3A_1103 = arith.constant 0 : index
    %get3A_1104 = vector.load %arg0[%get3A_1102, %get3A_1103] : memref<3072x8xf32, #tpu.memory_space<vmem>>, vector<512x1xf32>
    %add3A_1105 = vector.broadcast %mul3A_11 : f32 to vector<512x1xf32>
    %add3A_1106 = arith.addf %get3A_1104, %add3A_1105 : vector<512x1xf32>
    %get3A_1107 = arith.constant 1536 : index
    %get3A_1108 = arith.constant 1 : index
    %get3A_1109 = vector.load %arg0[%get3A_1107, %get3A_1108] : memref<3072x8xf32, #tpu.memory_space<vmem>>, vector<512x1xf32>
    %add3A_1110 = vector.broadcast %mul3A_11 : f32 to vector<512x1xf32>
    %add3A_1111 = arith.addf %get3A_1109, %add3A_1110 : vector<512x1xf32>
    %get3A_1112 = arith.constant 1536 : index
    %get3A_1113 = arith.constant 2 : index
    %get3A_1114 = vector.load %arg0[%get3A_1112, %get3A_1113] : memref<3072x8xf32, #tpu.memory_space<vmem>>, vector<512x1xf32>
    %add3A_1115 = vector.broadcast %mul3A_11 : f32 to vector<512x1xf32>
    %add3A_1116 = arith.addf %get3A_1114, %add3A_1115 : vector<512x1xf32>
    %get3A_1117 = arith.constant 1536 : index
    %get3A_1118 = arith.constant 3 : index
    %get3A_1119 = vector.load %arg0[%get3A_1117, %get3A_1118] : memref<3072x8xf32, #tpu.memory_space<vmem>>, vector<512x1xf32>
    %add3A_1120 = vector.broadcast %mul3A_11 : f32 to vector<512x1xf32>
    %add3A_1121 = arith.addf %get3A_1119, %add3A_1120 : vector<512x1xf32>
    %sub3A_1122 = arith.subf %add3A_1116, %add3A_1106 : vector<512x1xf32>
    %sub3A_1123 = arith.subf %add3A_1121, %add3A_1111 : vector<512x1xf32>
    %mul3A_1124 = arith.mulf %sub3A_1122, %sub3A_1123 : vector<512x1xf32>
    %get3A_1125 = arith.constant 0 : index
    %get3A_1126 = arith.constant 1536 : index
    %get3A_1127 = vector.load %arg1[%get3A_1125, %get3A_1126] : memref<8x3072xf32, #tpu.memory_space<vmem>>, vector<1x512xf32>
    %add3A_1128 = vector.broadcast %mul3A_11 : f32 to vector<1x512xf32>
    %add3A_1129 = arith.addf %get3A_1127, %add3A_1128 : vector<1x512xf32>
    %get3A_1130 = arith.constant 1 : index
    %get3A_1131 = arith.constant 1536 : index
    %get3A_1132 = vector.load %arg1[%get3A_1130, %get3A_1131] : memref<8x3072xf32, #tpu.memory_space<vmem>>, vector<1x512xf32>
    %add3A_1133 = vector.broadcast %mul3A_11 : f32 to vector<1x512xf32>
    %add3A_1134 = arith.addf %get3A_1132, %add3A_1133 : vector<1x512xf32>
    %get3A_1135 = arith.constant 2 : index
    %get3A_1136 = arith.constant 1536 : index
    %get3A_1137 = vector.load %arg1[%get3A_1135, %get3A_1136] : memref<8x3072xf32, #tpu.memory_space<vmem>>, vector<1x512xf32>
    %add3A_1138 = vector.broadcast %mul3A_11 : f32 to vector<1x512xf32>
    %add3A_1139 = arith.addf %get3A_1137, %add3A_1138 : vector<1x512xf32>
    %get3A_1140 = arith.constant 3 : index
    %get3A_1141 = arith.constant 1536 : index
    %get3A_1142 = vector.load %arg1[%get3A_1140, %get3A_1141] : memref<8x3072xf32, #tpu.memory_space<vmem>>, vector<1x512xf32>
    %add3A_1143 = vector.broadcast %mul3A_11 : f32 to vector<1x512xf32>
    %add3A_1144 = arith.addf %get3A_1142, %add3A_1143 : vector<1x512xf32>
    %sub3A_1145 = arith.subf %add3A_1139, %add3A_1129 : vector<1x512xf32>
    %sub3A_1146 = arith.subf %add3A_1144, %add3A_1134 : vector<1x512xf32>
    %mul3A_1147 = arith.mulf %sub3A_1145, %sub3A_1146 : vector<1x512xf32>
    %max3A_1148 = vector.broadcast %add3A_1106 : vector<512x1xf32> to vector<512x512xf32>
    %max3A_1149 = vector.broadcast %add3A_1129 : vector<1x512xf32> to vector<512x512xf32>
    %max3A_1150 = arith.maximumf %max3A_1148, %max3A_1149 : vector<512x512xf32>
    %max3A_1151 = vector.broadcast %add3A_1111 : vector<512x1xf32> to vector<512x512xf32>
    %max3A_1152 = vector.broadcast %add3A_1134 : vector<1x512xf32> to vector<512x512xf32>
    %max3A_1153 = arith.maximumf %max3A_1151, %max3A_1152 : vector<512x512xf32>
    %min3A_1154 = vector.broadcast %add3A_1116 : vector<512x1xf32> to vector<512x512xf32>
    %min3A_1155 = vector.broadcast %add3A_1139 : vector<1x512xf32> to vector<512x512xf32>
    %min3A_1156 = arith.minimumf %min3A_1154, %min3A_1155 : vector<512x512xf32>
    %min3A_1157 = vector.broadcast %add3A_1121 : vector<512x1xf32> to vector<512x512xf32>
    %min3A_1158 = vector.broadcast %add3A_1144 : vector<1x512xf32> to vector<512x512xf32>
    %min3A_1159 = arith.minimumf %min3A_1157, %min3A_1158 : vector<512x512xf32>
    %sub3A_1160 = arith.subf %min3A_1156, %max3A_1150 : vector<512x512xf32>
    %max3A_1161 = arith.constant 0.000000e+00 : f32
    %max3A_1162 = vector.broadcast %max3A_1161 : f32 to vector<512x512xf32>
    %max3A_1163 = arith.maximumf %sub3A_1160, %max3A_1162 : vector<512x512xf32>
    %sub3A_1164 = arith.subf %min3A_1159, %max3A_1153 : vector<512x512xf32>
    %max3A_1165 = arith.constant 0.000000e+00 : f32
    %max3A_1166 = vector.broadcast %max3A_1165 : f32 to vector<512x512xf32>
    %max3A_1167 = arith.maximumf %sub3A_1164, %max3A_1166 : vector<512x512xf32>
    %mul3A_1168 = arith.mulf %max3A_1163, %max3A_1167 : vector<512x512xf32>
    %add3A_1169 = vector.broadcast %mul3A_1124 : vector<512x1xf32> to vector<512x512xf32>
    %add3A_1170 = vector.broadcast %mul3A_1147 : vector<1x512xf32> to vector<512x512xf32>
    %add3A_1171 = arith.addf %add3A_1169, %add3A_1170 : vector<512x512xf32>
    %sub3A_1172 = arith.subf %add3A_1171, %mul3A_1168 : vector<512x512xf32>
    %add3A_1173 = arith.constant 9.99999971E-10 : f32
    %add3A_1174 = vector.broadcast %add3A_1173 : f32 to vector<512x512xf32>
    %add3A_1175 = arith.addf %sub3A_1172, %add3A_1174 : vector<512x512xf32>
    %div3A_1176 = arith.divf %mul3A_1168, %add3A_1175 : vector<512x512xf32>
    %gt3A_1177 = arith.constant 0.699999988 : f32
    %gt3A_1178 = vector.broadcast %gt3A_1177 : f32 to vector<512x512xf32>
    %gt3A_1179 = arith.cmpf ogt, %div3A_1176, %gt3A_1178 : vector<512x512xf32>
    %convert_element_type3A_1180 = arith.extui %gt3A_1179 : vector<512x512xi1> to vector<512x512xi32>
    %convert_element_type3A_1181 = arith.sitofp %convert_element_type3A_1180 : vector<512x512xi32> to vector<512x512xf32>
    %iota3A_1182 = tpu.iota {dimensions = array<i32: 0>} : vector<512x1xi32>
    %iota3A_1183 = tpu.iota {dimensions = array<i32: 1>} : vector<1x512xi32>
    %lt3A_1184 = vector.broadcast %iota3A_1182 : vector<512x1xi32> to vector<512x512xi32>
    %lt3A_1185 = vector.broadcast %iota3A_1183 : vector<1x512xi32> to vector<512x512xi32>
    %lt3A_1186 = arith.cmpi slt, %lt3A_1184, %lt3A_1185 : vector<512x512xi32>
    %convert_element_type3A_1187 = arith.extui %lt3A_1186 : vector<512x512xi1> to vector<512x512xi32>
    %convert_element_type3A_1188 = arith.sitofp %convert_element_type3A_1187 : vector<512x512xi32> to vector<512x512xf32>
    %mul3A_1189 = arith.mulf %convert_element_type3A_1181, %convert_element_type3A_1188 : vector<512x512xf32>
    %get3A_1190 = arith.constant 0 : index
    %get3A_1191 = arith.constant 1536 : index
    %get3A_1192 = vector.load %arg4[%get3A_1190, %get3A_1191] : memref<1x3072xf32, #tpu.memory_space<vmem>>, vector<1x512xf32>
    %eq3A_1193 = arith.constant 0.000000e+00 : f32
    %eq3A_1194 = vector.broadcast %eq3A_1193 : f32 to vector<1x512xf32>
    %eq3A_1195 = arith.cmpf oeq, %get3A_1192, %eq3A_1194 : vector<1x512xf32>
    %convert_element_type3A_1196 = arith.extui %eq3A_1195 : vector<1x512xi1> to vector<1x512xi32>
    %convert_element_type3A_1197 = arith.sitofp %convert_element_type3A_1196 : vector<1x512xi32> to vector<1x512xf32>
    %while3A_1198 = arith.constant true
    %while3A_1199:2 = scf.while (%while3A_1691 = %convert_element_type3A_1197, %while3A_1692 = %while3A_1198) : (vector<1x512xf32>, i1) -> (vector<1x512xf32>, i1) {
      scf.condition(%while3A_1692) %while3A_1691, %while3A_1692 : vector<1x512xf32>, i1
    } do {
    ^bb0(%while3A_1691: vector<1x512xf32>, %while3A_1692: i1):
      %dot_general3A_1693 = arith.constant dense<0.000000e+00> : vector<1x512xf32>
      %dot_general3A_1694 = tpu.matmul %while3A_1691, %mul3A_1189, %dot_general3A_1693 {dimension_numbers = #tpu.dot_dimension_numbers<[1], [0], [0], [1], [0, 0, 1, 1], [], []>, transpose_lhs_hint = false} : vector<1x512xf32>, vector<512x512xf32>, vector<1x512xf32> -> vector<1x512xf32>
      %eq3A_1695 = arith.constant 0.000000e+00 : f32
      %eq3A_1696 = vector.broadcast %eq3A_1695 : f32 to vector<1x512xf32>
      %eq3A_1697 = arith.cmpf oeq, %dot_general3A_1694, %eq3A_1696 : vector<1x512xf32>
      %convert_element_type3A_1698 = arith.extui %eq3A_1697 : vector<1x512xi1> to vector<1x512xi32>
      %convert_element_type3A_1699 = arith.sitofp %convert_element_type3A_1698 : vector<1x512xi32> to vector<1x512xf32>
      %mul3A_1700 = arith.mulf %convert_element_type3A_1197, %convert_element_type3A_1699 : vector<1x512xf32>
      %ne3A_1701 = arith.cmpf one, %mul3A_1700, %while3A_1691 : vector<1x512xf32>
      %reduce_or3A = arith.constant 1.000000e+00 : f32
      %reduce_or3A_1702 = arith.constant 0.000000e+00 : f32
      %reduce_or3A_1703 = vector.broadcast %reduce_or3A : f32 to vector<1x512xf32>
      %reduce_or3A_1704 = vector.broadcast %reduce_or3A_1702 : f32 to vector<1x512xf32>
      %reduce_or3A_1705 = arith.select %ne3A_1701, %reduce_or3A_1703, %reduce_or3A_1704 : vector<1x512xi1>, vector<1x512xf32>
      %reduce_or3A_1706 = vector.shape_cast %reduce_or3A_1705 : vector<1x512xf32> to vector<1x1x512xf32>
      %reduce_or3A_1707 = arith.constant dense<0xFF800000> : vector<1xf32>
      %reduce_or3A_1708 = vector.multi_reduction <maximumf>, %reduce_or3A_1706, %reduce_or3A_1707 [1, 2] : vector<1x1x512xf32> to vector<1xf32>
      %reduce_or3A_1709 = vector.shape_cast %reduce_or3A_1708 : vector<1xf32> to vector<1x1x1xf32>
      %reduce_or3A_1710 = vector.extract %reduce_or3A_1709[0, 0, 0] : f32 from vector<1x1x1xf32>
      %reduce_or3A_1711 = arith.constant 0.000000e+00 : f32
      %reduce_or3A_1712 = arith.cmpf ogt, %reduce_or3A_1710, %reduce_or3A_1711 : f32
      scf.yield %mul3A_1700, %reduce_or3A_1712 : vector<1x512xf32>, i1
    }
    %swap3A_1200 = arith.constant 0 : index
    %swap3A_1201 = arith.constant 1536 : index
    %swap3A_1202 = vector.load %arg3[%swap3A_1200, %swap3A_1201] : memref<1x3072xf32, #tpu.memory_space<vmem>>, vector<1x512xf32>
    tpu.vector_store %arg3[%swap3A_1200, %swap3A_1201], %while3A_1199#0 {strides = array<i32>} : memref<1x3072xf32, #tpu.memory_space<vmem>>, vector<1x512xf32>,
    %get3A_1203 = arith.constant 0 : index
    %get3A_1204 = arith.constant 2048 : index
    %get3A_1205 = vector.load %arg1[%get3A_1203, %get3A_1204] : memref<8x3072xf32, #tpu.memory_space<vmem>>, vector<1x512xf32>
    %add3A_1206 = vector.broadcast %mul3A_11 : f32 to vector<1x512xf32>
    %add3A_1207 = arith.addf %get3A_1205, %add3A_1206 : vector<1x512xf32>
    %get3A_1208 = arith.constant 1 : index
    %get3A_1209 = arith.constant 2048 : index
    %get3A_1210 = vector.load %arg1[%get3A_1208, %get3A_1209] : memref<8x3072xf32, #tpu.memory_space<vmem>>, vector<1x512xf32>
    %add3A_1211 = vector.broadcast %mul3A_11 : f32 to vector<1x512xf32>
    %add3A_1212 = arith.addf %get3A_1210, %add3A_1211 : vector<1x512xf32>
    %get3A_1213 = arith.constant 2 : index
    %get3A_1214 = arith.constant 2048 : index
    %get3A_1215 = vector.load %arg1[%get3A_1213, %get3A_1214] : memref<8x3072xf32, #tpu.memory_space<vmem>>, vector<1x512xf32>
    %add3A_1216 = vector.broadcast %mul3A_11 : f32 to vector<1x512xf32>
    %add3A_1217 = arith.addf %get3A_1215, %add3A_1216 : vector<1x512xf32>
    %get3A_1218 = arith.constant 3 : index
    %get3A_1219 = arith.constant 2048 : index
    %get3A_1220 = vector.load %arg1[%get3A_1218, %get3A_1219] : memref<8x3072xf32, #tpu.memory_space<vmem>>, vector<1x512xf32>
    %add3A_1221 = vector.broadcast %mul3A_11 : f32 to vector<1x512xf32>
    %add3A_1222 = arith.addf %get3A_1220, %add3A_1221 : vector<1x512xf32>
    %sub3A_1223 = arith.subf %add3A_1217, %add3A_1207 : vector<1x512xf32>
    %sub3A_1224 = arith.subf %add3A_1222, %add3A_1212 : vector<1x512xf32>
    %mul3A_1225 = arith.mulf %sub3A_1223, %sub3A_1224 : vector<1x512xf32>
    %max3A_1226 = vector.broadcast %add3A_1106 : vector<512x1xf32> to vector<512x512xf32>
    %max3A_1227 = vector.broadcast %add3A_1207 : vector<1x512xf32> to vector<512x512xf32>
    %max3A_1228 = arith.maximumf %max3A_1226, %max3A_1227 : vector<512x512xf32>
    %max3A_1229 = vector.broadcast %add3A_1111 : vector<512x1xf32> to vector<512x512xf32>
    %max3A_1230 = vector.broadcast %add3A_1212 : vector<1x512xf32> to vector<512x512xf32>
    %max3A_1231 = arith.maximumf %max3A_1229, %max3A_1230 : vector<512x512xf32>
    %min3A_1232 = vector.broadcast %add3A_1116 : vector<512x1xf32> to vector<512x512xf32>
    %min3A_1233 = vector.broadcast %add3A_1217 : vector<1x512xf32> to vector<512x512xf32>
    %min3A_1234 = arith.minimumf %min3A_1232, %min3A_1233 : vector<512x512xf32>
    %min3A_1235 = vector.broadcast %add3A_1121 : vector<512x1xf32> to vector<512x512xf32>
    %min3A_1236 = vector.broadcast %add3A_1222 : vector<1x512xf32> to vector<512x512xf32>
    %min3A_1237 = arith.minimumf %min3A_1235, %min3A_1236 : vector<512x512xf32>
    %sub3A_1238 = arith.subf %min3A_1234, %max3A_1228 : vector<512x512xf32>
    %max3A_1239 = arith.constant 0.000000e+00 : f32
    %max3A_1240 = vector.broadcast %max3A_1239 : f32 to vector<512x512xf32>
    %max3A_1241 = arith.maximumf %sub3A_1238, %max3A_1240 : vector<512x512xf32>
    %sub3A_1242 = arith.subf %min3A_1237, %max3A_1231 : vector<512x512xf32>
    %max3A_1243 = arith.constant 0.000000e+00 : f32
    %max3A_1244 = vector.broadcast %max3A_1243 : f32 to vector<512x512xf32>
    %max3A_1245 = arith.maximumf %sub3A_1242, %max3A_1244 : vector<512x512xf32>
    %mul3A_1246 = arith.mulf %max3A_1241, %max3A_1245 : vector<512x512xf32>
    %add3A_1247 = vector.broadcast %mul3A_1124 : vector<512x1xf32> to vector<512x512xf32>
    %add3A_1248 = vector.broadcast %mul3A_1225 : vector<1x512xf32> to vector<512x512xf32>
    %add3A_1249 = arith.addf %add3A_1247, %add3A_1248 : vector<512x512xf32>
    %sub3A_1250 = arith.subf %add3A_1249, %mul3A_1246 : vector<512x512xf32>
    %add3A_1251 = arith.constant 9.99999971E-10 : f32
    %add3A_1252 = vector.broadcast %add3A_1251 : f32 to vector<512x512xf32>
    %add3A_1253 = arith.addf %sub3A_1250, %add3A_1252 : vector<512x512xf32>
    %div3A_1254 = arith.divf %mul3A_1246, %add3A_1253 : vector<512x512xf32>
    %gt3A_1255 = arith.constant 0.699999988 : f32
    %gt3A_1256 = vector.broadcast %gt3A_1255 : f32 to vector<512x512xf32>
    %gt3A_1257 = arith.cmpf ogt, %div3A_1254, %gt3A_1256 : vector<512x512xf32>
    %convert_element_type3A_1258 = arith.extui %gt3A_1257 : vector<512x512xi1> to vector<512x512xi32>
    %convert_element_type3A_1259 = arith.sitofp %convert_element_type3A_1258 : vector<512x512xi32> to vector<512x512xf32>
    %get3A_1260 = arith.constant 0 : index
    %get3A_1261 = arith.constant 2048 : index
    %get3A_1262 = vector.load %arg4[%get3A_1260, %get3A_1261] : memref<1x3072xf32, #tpu.memory_space<vmem>>, vector<1x512xf32>
    %dot_general3A_1263 = arith.constant dense<0.000000e+00> : vector<1x512xf32>
    %dot_general3A_1264 = tpu.matmul %while3A_1199#0, %convert_element_type3A_1259, %dot_general3A_1263 {dimension_numbers = #tpu.dot_dimension_numbers<[1], [0], [0], [1], [0, 0, 1, 1], [], []>, transpose_lhs_hint = false} : vector<1x512xf32>, vector<512x512xf32>, vector<1x512xf32> -> vector<1x512xf32>
    %add3A_1265 = arith.addf %get3A_1262, %dot_general3A_1264 : vector<1x512xf32>
    %swap3A_1266 = arith.constant 0 : index
    %swap3A_1267 = arith.constant 2048 : index
    %swap3A_1268 = vector.load %arg4[%swap3A_1266, %swap3A_1267] : memref<1x3072xf32, #tpu.memory_space<vmem>>, vector<1x512xf32>
    tpu.vector_store %arg4[%swap3A_1266, %swap3A_1267], %add3A_1265 {strides = array<i32>} : memref<1x3072xf32, #tpu.memory_space<vmem>>, vector<1x512xf32>,
    %get3A_1269 = arith.constant 0 : index
    %get3A_1270 = arith.constant 2560 : index
    %get3A_1271 = vector.load %arg1[%get3A_1269, %get3A_1270] : memref<8x3072xf32, #tpu.memory_space<vmem>>, vector<1x512xf32>
    %add3A_1272 = vector.broadcast %mul3A_11 : f32 to vector<1x512xf32>
    %add3A_1273 = arith.addf %get3A_1271, %add3A_1272 : vector<1x512xf32>
    %get3A_1274 = arith.constant 1 : index
    %get3A_1275 = arith.constant 2560 : index
    %get3A_1276 = vector.load %arg1[%get3A_1274, %get3A_1275] : memref<8x3072xf32, #tpu.memory_space<vmem>>, vector<1x512xf32>
    %add3A_1277 = vector.broadcast %mul3A_11 : f32 to vector<1x512xf32>
    %add3A_1278 = arith.addf %get3A_1276, %add3A_1277 : vector<1x512xf32>
    %get3A_1279 = arith.constant 2 : index
    %get3A_1280 = arith.constant 2560 : index
    %get3A_1281 = vector.load %arg1[%get3A_1279, %get3A_1280] : memref<8x3072xf32, #tpu.memory_space<vmem>>, vector<1x512xf32>
    %add3A_1282 = vector.broadcast %mul3A_11 : f32 to vector<1x512xf32>
    %add3A_1283 = arith.addf %get3A_1281, %add3A_1282 : vector<1x512xf32>
    %get3A_1284 = arith.constant 3 : index
    %get3A_1285 = arith.constant 2560 : index
    %get3A_1286 = vector.load %arg1[%get3A_1284, %get3A_1285] : memref<8x3072xf32, #tpu.memory_space<vmem>>, vector<1x512xf32>
    %add3A_1287 = vector.broadcast %mul3A_11 : f32 to vector<1x512xf32>
    %add3A_1288 = arith.addf %get3A_1286, %add3A_1287 : vector<1x512xf32>
    %sub3A_1289 = arith.subf %add3A_1283, %add3A_1273 : vector<1x512xf32>
    %sub3A_1290 = arith.subf %add3A_1288, %add3A_1278 : vector<1x512xf32>
    %mul3A_1291 = arith.mulf %sub3A_1289, %sub3A_1290 : vector<1x512xf32>
    %max3A_1292 = vector.broadcast %add3A_1106 : vector<512x1xf32> to vector<512x512xf32>
    %max3A_1293 = vector.broadcast %add3A_1273 : vector<1x512xf32> to vector<512x512xf32>
    %max3A_1294 = arith.maximumf %max3A_1292, %max3A_1293 : vector<512x512xf32>
    %max3A_1295 = vector.broadcast %add3A_1111 : vector<512x1xf32> to vector<512x512xf32>
    %max3A_1296 = vector.broadcast %add3A_1278 : vector<1x512xf32> to vector<512x512xf32>
    %max3A_1297 = arith.maximumf %max3A_1295, %max3A_1296 : vector<512x512xf32>
    %min3A_1298 = vector.broadcast %add3A_1116 : vector<512x1xf32> to vector<512x512xf32>
    %min3A_1299 = vector.broadcast %add3A_1283 : vector<1x512xf32> to vector<512x512xf32>
    %min3A_1300 = arith.minimumf %min3A_1298, %min3A_1299 : vector<512x512xf32>
    %min3A_1301 = vector.broadcast %add3A_1121 : vector<512x1xf32> to vector<512x512xf32>
    %min3A_1302 = vector.broadcast %add3A_1288 : vector<1x512xf32> to vector<512x512xf32>
    %min3A_1303 = arith.minimumf %min3A_1301, %min3A_1302 : vector<512x512xf32>
    %sub3A_1304 = arith.subf %min3A_1300, %max3A_1294 : vector<512x512xf32>
    %max3A_1305 = arith.constant 0.000000e+00 : f32
    %max3A_1306 = vector.broadcast %max3A_1305 : f32 to vector<512x512xf32>
    %max3A_1307 = arith.maximumf %sub3A_1304, %max3A_1306 : vector<512x512xf32>
    %sub3A_1308 = arith.subf %min3A_1303, %max3A_1297 : vector<512x512xf32>
    %max3A_1309 = arith.constant 0.000000e+00 : f32
    %max3A_1310 = vector.broadcast %max3A_1309 : f32 to vector<512x512xf32>
    %max3A_1311 = arith.maximumf %sub3A_1308, %max3A_1310 : vector<512x512xf32>
    %mul3A_1312 = arith.mulf %max3A_1307, %max3A_1311 : vector<512x512xf32>
    %add3A_1313 = vector.broadcast %mul3A_1124 : vector<512x1xf32> to vector<512x512xf32>
    %add3A_1314 = vector.broadcast %mul3A_1291 : vector<1x512xf32> to vector<512x512xf32>
    %add3A_1315 = arith.addf %add3A_1313, %add3A_1314 : vector<512x512xf32>
    %sub3A_1316 = arith.subf %add3A_1315, %mul3A_1312 : vector<512x512xf32>
    %add3A_1317 = arith.constant 9.99999971E-10 : f32
    %add3A_1318 = vector.broadcast %add3A_1317 : f32 to vector<512x512xf32>
    %add3A_1319 = arith.addf %sub3A_1316, %add3A_1318 : vector<512x512xf32>
    %div3A_1320 = arith.divf %mul3A_1312, %add3A_1319 : vector<512x512xf32>
    %gt3A_1321 = arith.constant 0.699999988 : f32
    %gt3A_1322 = vector.broadcast %gt3A_1321 : f32 to vector<512x512xf32>
    %gt3A_1323 = arith.cmpf ogt, %div3A_1320, %gt3A_1322 : vector<512x512xf32>
    %convert_element_type3A_1324 = arith.extui %gt3A_1323 : vector<512x512xi1> to vector<512x512xi32>
    %convert_element_type3A_1325 = arith.sitofp %convert_element_type3A_1324 : vector<512x512xi32> to vector<512x512xf32>
    %get3A_1326 = arith.constant 0 : index
    %get3A_1327 = arith.constant 2560 : index
    %get3A_1328 = vector.load %arg4[%get3A_1326, %get3A_1327] : memref<1x3072xf32, #tpu.memory_space<vmem>>, vector<1x512xf32>
    %dot_general3A_1329 = arith.constant dense<0.000000e+00> : vector<1x512xf32>
    %dot_general3A_1330 = tpu.matmul %while3A_1199#0, %convert_element_type3A_1325, %dot_general3A_1329 {dimension_numbers = #tpu.dot_dimension_numbers<[1], [0], [0], [1], [0, 0, 1, 1], [], []>, transpose_lhs_hint = false} : vector<1x512xf32>, vector<512x512xf32>, vector<1x512xf32> -> vector<1x512xf32>
    %add3A_1331 = arith.addf %get3A_1328, %dot_general3A_1330 : vector<1x512xf32>
    %swap3A_1332 = arith.constant 0 : index
    %swap3A_1333 = arith.constant 2560 : index
    %swap3A_1334 = vector.load %arg4[%swap3A_1332, %swap3A_1333] : memref<1x3072xf32, #tpu.memory_space<vmem>>, vector<1x512xf32>
    tpu.vector_store %arg4[%swap3A_1332, %swap3A_1333], %add3A_1331 {strides = array<i32>} : memref<1x3072xf32, #tpu.memory_space<vmem>>, vector<1x512xf32>,
    %get3A_1335 = arith.constant 2048 : index
    %get3A_1336 = arith.constant 0 : index
    %get3A_1337 = vector.load %arg0[%get3A_1335, %get3A_1336] : memref<3072x8xf32, #tpu.memory_space<vmem>>, vector<512x1xf32>
    %add3A_1338 = vector.broadcast %mul3A_11 : f32 to vector<512x1xf32>
    %add3A_1339 = arith.addf %get3A_1337, %add3A_1338 : vector<512x1xf32>
    %get3A_1340 = arith.constant 2048 : index
    %get3A_1341 = arith.constant 1 : index
    %get3A_1342 = vector.load %arg0[%get3A_1340, %get3A_1341] : memref<3072x8xf32, #tpu.memory_space<vmem>>, vector<512x1xf32>
    %add3A_1343 = vector.broadcast %mul3A_11 : f32 to vector<512x1xf32>
    %add3A_1344 = arith.addf %get3A_1342, %add3A_1343 : vector<512x1xf32>
    %get3A_1345 = arith.constant 2048 : index
    %get3A_1346 = arith.constant 2 : index
    %get3A_1347 = vector.load %arg0[%get3A_1345, %get3A_1346] : memref<3072x8xf32, #tpu.memory_space<vmem>>, vector<512x1xf32>
    %add3A_1348 = vector.broadcast %mul3A_11 : f32 to vector<512x1xf32>
    %add3A_1349 = arith.addf %get3A_1347, %add3A_1348 : vector<512x1xf32>
    %get3A_1350 = arith.constant 2048 : index
    %get3A_1351 = arith.constant 3 : index
    %get3A_1352 = vector.load %arg0[%get3A_1350, %get3A_1351] : memref<3072x8xf32, #tpu.memory_space<vmem>>, vector<512x1xf32>
    %add3A_1353 = vector.broadcast %mul3A_11 : f32 to vector<512x1xf32>
    %add3A_1354 = arith.addf %get3A_1352, %add3A_1353 : vector<512x1xf32>
    %sub3A_1355 = arith.subf %add3A_1349, %add3A_1339 : vector<512x1xf32>
    %sub3A_1356 = arith.subf %add3A_1354, %add3A_1344 : vector<512x1xf32>
    %mul3A_1357 = arith.mulf %sub3A_1355, %sub3A_1356 : vector<512x1xf32>
    %get3A_1358 = arith.constant 0 : index
    %get3A_1359 = arith.constant 2048 : index
    %get3A_1360 = vector.load %arg1[%get3A_1358, %get3A_1359] : memref<8x3072xf32, #tpu.memory_space<vmem>>, vector<1x512xf32>
    %add3A_1361 = vector.broadcast %mul3A_11 : f32 to vector<1x512xf32>
    %add3A_1362 = arith.addf %get3A_1360, %add3A_1361 : vector<1x512xf32>
    %get3A_1363 = arith.constant 1 : index
    %get3A_1364 = arith.constant 2048 : index
    %get3A_1365 = vector.load %arg1[%get3A_1363, %get3A_1364] : memref<8x3072xf32, #tpu.memory_space<vmem>>, vector<1x512xf32>
    %add3A_1366 = vector.broadcast %mul3A_11 : f32 to vector<1x512xf32>
    %add3A_1367 = arith.addf %get3A_1365, %add3A_1366 : vector<1x512xf32>
    %get3A_1368 = arith.constant 2 : index
    %get3A_1369 = arith.constant 2048 : index
    %get3A_1370 = vector.load %arg1[%get3A_1368, %get3A_1369] : memref<8x3072xf32, #tpu.memory_space<vmem>>, vector<1x512xf32>
    %add3A_1371 = vector.broadcast %mul3A_11 : f32 to vector<1x512xf32>
    %add3A_1372 = arith.addf %get3A_1370, %add3A_1371 : vector<1x512xf32>
    %get3A_1373 = arith.constant 3 : index
    %get3A_1374 = arith.constant 2048 : index
    %get3A_1375 = vector.load %arg1[%get3A_1373, %get3A_1374] : memref<8x3072xf32, #tpu.memory_space<vmem>>, vector<1x512xf32>
    %add3A_1376 = vector.broadcast %mul3A_11 : f32 to vector<1x512xf32>
    %add3A_1377 = arith.addf %get3A_1375, %add3A_1376 : vector<1x512xf32>
    %sub3A_1378 = arith.subf %add3A_1372, %add3A_1362 : vector<1x512xf32>
    %sub3A_1379 = arith.subf %add3A_1377, %add3A_1367 : vector<1x512xf32>
    %mul3A_1380 = arith.mulf %sub3A_1378, %sub3A_1379 : vector<1x512xf32>
    %max3A_1381 = vector.broadcast %add3A_1339 : vector<512x1xf32> to vector<512x512xf32>
    %max3A_1382 = vector.broadcast %add3A_1362 : vector<1x512xf32> to vector<512x512xf32>
    %max3A_1383 = arith.maximumf %max3A_1381, %max3A_1382 : vector<512x512xf32>
    %max3A_1384 = vector.broadcast %add3A_1344 : vector<512x1xf32> to vector<512x512xf32>
    %max3A_1385 = vector.broadcast %add3A_1367 : vector<1x512xf32> to vector<512x512xf32>
    %max3A_1386 = arith.maximumf %max3A_1384, %max3A_1385 : vector<512x512xf32>
    %min3A_1387 = vector.broadcast %add3A_1349 : vector<512x1xf32> to vector<512x512xf32>
    %min3A_1388 = vector.broadcast %add3A_1372 : vector<1x512xf32> to vector<512x512xf32>
    %min3A_1389 = arith.minimumf %min3A_1387, %min3A_1388 : vector<512x512xf32>
    %min3A_1390 = vector.broadcast %add3A_1354 : vector<512x1xf32> to vector<512x512xf32>
    %min3A_1391 = vector.broadcast %add3A_1377 : vector<1x512xf32> to vector<512x512xf32>
    %min3A_1392 = arith.minimumf %min3A_1390, %min3A_1391 : vector<512x512xf32>
    %sub3A_1393 = arith.subf %min3A_1389, %max3A_1383 : vector<512x512xf32>
    %max3A_1394 = arith.constant 0.000000e+00 : f32
    %max3A_1395 = vector.broadcast %max3A_1394 : f32 to vector<512x512xf32>
    %max3A_1396 = arith.maximumf %sub3A_1393, %max3A_1395 : vector<512x512xf32>
    %sub3A_1397 = arith.subf %min3A_1392, %max3A_1386 : vector<512x512xf32>
    %max3A_1398 = arith.constant 0.000000e+00 : f32
    %max3A_1399 = vector.broadcast %max3A_1398 : f32 to vector<512x512xf32>
    %max3A_1400 = arith.maximumf %sub3A_1397, %max3A_1399 : vector<512x512xf32>
    %mul3A_1401 = arith.mulf %max3A_1396, %max3A_1400 : vector<512x512xf32>
    %add3A_1402 = vector.broadcast %mul3A_1357 : vector<512x1xf32> to vector<512x512xf32>
    %add3A_1403 = vector.broadcast %mul3A_1380 : vector<1x512xf32> to vector<512x512xf32>
    %add3A_1404 = arith.addf %add3A_1402, %add3A_1403 : vector<512x512xf32>
    %sub3A_1405 = arith.subf %add3A_1404, %mul3A_1401 : vector<512x512xf32>
    %add3A_1406 = arith.constant 9.99999971E-10 : f32
    %add3A_1407 = vector.broadcast %add3A_1406 : f32 to vector<512x512xf32>
    %add3A_1408 = arith.addf %sub3A_1405, %add3A_1407 : vector<512x512xf32>
    %div3A_1409 = arith.divf %mul3A_1401, %add3A_1408 : vector<512x512xf32>
    %gt3A_1410 = arith.constant 0.699999988 : f32
    %gt3A_1411 = vector.broadcast %gt3A_1410 : f32 to vector<512x512xf32>
    %gt3A_1412 = arith.cmpf ogt, %div3A_1409, %gt3A_1411 : vector<512x512xf32>
    %convert_element_type3A_1413 = arith.extui %gt3A_1412 : vector<512x512xi1> to vector<512x512xi32>
    %convert_element_type3A_1414 = arith.sitofp %convert_element_type3A_1413 : vector<512x512xi32> to vector<512x512xf32>
    %iota3A_1415 = tpu.iota {dimensions = array<i32: 0>} : vector<512x1xi32>
    %iota3A_1416 = tpu.iota {dimensions = array<i32: 1>} : vector<1x512xi32>
    %lt3A_1417 = vector.broadcast %iota3A_1415 : vector<512x1xi32> to vector<512x512xi32>
    %lt3A_1418 = vector.broadcast %iota3A_1416 : vector<1x512xi32> to vector<512x512xi32>
    %lt3A_1419 = arith.cmpi slt, %lt3A_1417, %lt3A_1418 : vector<512x512xi32>
    %convert_element_type3A_1420 = arith.extui %lt3A_1419 : vector<512x512xi1> to vector<512x512xi32>
    %convert_element_type3A_1421 = arith.sitofp %convert_element_type3A_1420 : vector<512x512xi32> to vector<512x512xf32>
    %mul3A_1422 = arith.mulf %convert_element_type3A_1414, %convert_element_type3A_1421 : vector<512x512xf32>
    %get3A_1423 = arith.constant 0 : index
    %get3A_1424 = arith.constant 2048 : index
    %get3A_1425 = vector.load %arg4[%get3A_1423, %get3A_1424] : memref<1x3072xf32, #tpu.memory_space<vmem>>, vector<1x512xf32>
    %eq3A_1426 = arith.constant 0.000000e+00 : f32
    %eq3A_1427 = vector.broadcast %eq3A_1426 : f32 to vector<1x512xf32>
    %eq3A_1428 = arith.cmpf oeq, %get3A_1425, %eq3A_1427 : vector<1x512xf32>
    %convert_element_type3A_1429 = arith.extui %eq3A_1428 : vector<1x512xi1> to vector<1x512xi32>
    %convert_element_type3A_1430 = arith.sitofp %convert_element_type3A_1429 : vector<1x512xi32> to vector<1x512xf32>
    %while3A_1431 = arith.constant true
    %while3A_1432:2 = scf.while (%while3A_1691 = %convert_element_type3A_1430, %while3A_1692 = %while3A_1431) : (vector<1x512xf32>, i1) -> (vector<1x512xf32>, i1) {
      scf.condition(%while3A_1692) %while3A_1691, %while3A_1692 : vector<1x512xf32>, i1
    } do {
    ^bb0(%while3A_1691: vector<1x512xf32>, %while3A_1692: i1):
      %dot_general3A_1693 = arith.constant dense<0.000000e+00> : vector<1x512xf32>
      %dot_general3A_1694 = tpu.matmul %while3A_1691, %mul3A_1422, %dot_general3A_1693 {dimension_numbers = #tpu.dot_dimension_numbers<[1], [0], [0], [1], [0, 0, 1, 1], [], []>, transpose_lhs_hint = false} : vector<1x512xf32>, vector<512x512xf32>, vector<1x512xf32> -> vector<1x512xf32>
      %eq3A_1695 = arith.constant 0.000000e+00 : f32
      %eq3A_1696 = vector.broadcast %eq3A_1695 : f32 to vector<1x512xf32>
      %eq3A_1697 = arith.cmpf oeq, %dot_general3A_1694, %eq3A_1696 : vector<1x512xf32>
      %convert_element_type3A_1698 = arith.extui %eq3A_1697 : vector<1x512xi1> to vector<1x512xi32>
      %convert_element_type3A_1699 = arith.sitofp %convert_element_type3A_1698 : vector<1x512xi32> to vector<1x512xf32>
      %mul3A_1700 = arith.mulf %convert_element_type3A_1430, %convert_element_type3A_1699 : vector<1x512xf32>
      %ne3A_1701 = arith.cmpf one, %mul3A_1700, %while3A_1691 : vector<1x512xf32>
      %reduce_or3A = arith.constant 1.000000e+00 : f32
      %reduce_or3A_1702 = arith.constant 0.000000e+00 : f32
      %reduce_or3A_1703 = vector.broadcast %reduce_or3A : f32 to vector<1x512xf32>
      %reduce_or3A_1704 = vector.broadcast %reduce_or3A_1702 : f32 to vector<1x512xf32>
      %reduce_or3A_1705 = arith.select %ne3A_1701, %reduce_or3A_1703, %reduce_or3A_1704 : vector<1x512xi1>, vector<1x512xf32>
      %reduce_or3A_1706 = vector.shape_cast %reduce_or3A_1705 : vector<1x512xf32> to vector<1x1x512xf32>
      %reduce_or3A_1707 = arith.constant dense<0xFF800000> : vector<1xf32>
      %reduce_or3A_1708 = vector.multi_reduction <maximumf>, %reduce_or3A_1706, %reduce_or3A_1707 [1, 2] : vector<1x1x512xf32> to vector<1xf32>
      %reduce_or3A_1709 = vector.shape_cast %reduce_or3A_1708 : vector<1xf32> to vector<1x1x1xf32>
      %reduce_or3A_1710 = vector.extract %reduce_or3A_1709[0, 0, 0] : f32 from vector<1x1x1xf32>
      %reduce_or3A_1711 = arith.constant 0.000000e+00 : f32
      %reduce_or3A_1712 = arith.cmpf ogt, %reduce_or3A_1710, %reduce_or3A_1711 : f32
      scf.yield %mul3A_1700, %reduce_or3A_1712 : vector<1x512xf32>, i1
    }
    %swap3A_1433 = arith.constant 0 : index
    %swap3A_1434 = arith.constant 2048 : index
    %swap3A_1435 = vector.load %arg3[%swap3A_1433, %swap3A_1434] : memref<1x3072xf32, #tpu.memory_space<vmem>>, vector<1x512xf32>
    tpu.vector_store %arg3[%swap3A_1433, %swap3A_1434], %while3A_1432#0 {strides = array<i32>} : memref<1x3072xf32, #tpu.memory_space<vmem>>, vector<1x512xf32>,
    %get3A_1436 = arith.constant 0 : index
    %get3A_1437 = arith.constant 2560 : index
    %get3A_1438 = vector.load %arg1[%get3A_1436, %get3A_1437] : memref<8x3072xf32, #tpu.memory_space<vmem>>, vector<1x512xf32>
    %add3A_1439 = vector.broadcast %mul3A_11 : f32 to vector<1x512xf32>
    %add3A_1440 = arith.addf %get3A_1438, %add3A_1439 : vector<1x512xf32>
    %get3A_1441 = arith.constant 1 : index
    %get3A_1442 = arith.constant 2560 : index
    %get3A_1443 = vector.load %arg1[%get3A_1441, %get3A_1442] : memref<8x3072xf32, #tpu.memory_space<vmem>>, vector<1x512xf32>
    %add3A_1444 = vector.broadcast %mul3A_11 : f32 to vector<1x512xf32>
    %add3A_1445 = arith.addf %get3A_1443, %add3A_1444 : vector<1x512xf32>
    %get3A_1446 = arith.constant 2 : index
    %get3A_1447 = arith.constant 2560 : index
    %get3A_1448 = vector.load %arg1[%get3A_1446, %get3A_1447] : memref<8x3072xf32, #tpu.memory_space<vmem>>, vector<1x512xf32>
    %add3A_1449 = vector.broadcast %mul3A_11 : f32 to vector<1x512xf32>
    %add3A_1450 = arith.addf %get3A_1448, %add3A_1449 : vector<1x512xf32>
    %get3A_1451 = arith.constant 3 : index
    %get3A_1452 = arith.constant 2560 : index
    %get3A_1453 = vector.load %arg1[%get3A_1451, %get3A_1452] : memref<8x3072xf32, #tpu.memory_space<vmem>>, vector<1x512xf32>
    %add3A_1454 = vector.broadcast %mul3A_11 : f32 to vector<1x512xf32>
    %add3A_1455 = arith.addf %get3A_1453, %add3A_1454 : vector<1x512xf32>
    %sub3A_1456 = arith.subf %add3A_1450, %add3A_1440 : vector<1x512xf32>
    %sub3A_1457 = arith.subf %add3A_1455, %add3A_1445 : vector<1x512xf32>
    %mul3A_1458 = arith.mulf %sub3A_1456, %sub3A_1457 : vector<1x512xf32>
    %max3A_1459 = vector.broadcast %add3A_1339 : vector<512x1xf32> to vector<512x512xf32>
    %max3A_1460 = vector.broadcast %add3A_1440 : vector<1x512xf32> to vector<512x512xf32>
    %max3A_1461 = arith.maximumf %max3A_1459, %max3A_1460 : vector<512x512xf32>
    %max3A_1462 = vector.broadcast %add3A_1344 : vector<512x1xf32> to vector<512x512xf32>
    %max3A_1463 = vector.broadcast %add3A_1445 : vector<1x512xf32> to vector<512x512xf32>
    %max3A_1464 = arith.maximumf %max3A_1462, %max3A_1463 : vector<512x512xf32>
    %min3A_1465 = vector.broadcast %add3A_1349 : vector<512x1xf32> to vector<512x512xf32>
    %min3A_1466 = vector.broadcast %add3A_1450 : vector<1x512xf32> to vector<512x512xf32>
    %min3A_1467 = arith.minimumf %min3A_1465, %min3A_1466 : vector<512x512xf32>
    %min3A_1468 = vector.broadcast %add3A_1354 : vector<512x1xf32> to vector<512x512xf32>
    %min3A_1469 = vector.broadcast %add3A_1455 : vector<1x512xf32> to vector<512x512xf32>
    %min3A_1470 = arith.minimumf %min3A_1468, %min3A_1469 : vector<512x512xf32>
    %sub3A_1471 = arith.subf %min3A_1467, %max3A_1461 : vector<512x512xf32>
    %max3A_1472 = arith.constant 0.000000e+00 : f32
    %max3A_1473 = vector.broadcast %max3A_1472 : f32 to vector<512x512xf32>
    %max3A_1474 = arith.maximumf %sub3A_1471, %max3A_1473 : vector<512x512xf32>
    %sub3A_1475 = arith.subf %min3A_1470, %max3A_1464 : vector<512x512xf32>
    %max3A_1476 = arith.constant 0.000000e+00 : f32
    %max3A_1477 = vector.broadcast %max3A_1476 : f32 to vector<512x512xf32>
    %max3A_1478 = arith.maximumf %sub3A_1475, %max3A_1477 : vector<512x512xf32>
    %mul3A_1479 = arith.mulf %max3A_1474, %max3A_1478 : vector<512x512xf32>
    %add3A_1480 = vector.broadcast %mul3A_1357 : vector<512x1xf32> to vector<512x512xf32>
    %add3A_1481 = vector.broadcast %mul3A_1458 : vector<1x512xf32> to vector<512x512xf32>
    %add3A_1482 = arith.addf %add3A_1480, %add3A_1481 : vector<512x512xf32>
    %sub3A_1483 = arith.subf %add3A_1482, %mul3A_1479 : vector<512x512xf32>
    %add3A_1484 = arith.constant 9.99999971E-10 : f32
    %add3A_1485 = vector.broadcast %add3A_1484 : f32 to vector<512x512xf32>
    %add3A_1486 = arith.addf %sub3A_1483, %add3A_1485 : vector<512x512xf32>
    %div3A_1487 = arith.divf %mul3A_1479, %add3A_1486 : vector<512x512xf32>
    %gt3A_1488 = arith.constant 0.699999988 : f32
    %gt3A_1489 = vector.broadcast %gt3A_1488 : f32 to vector<512x512xf32>
    %gt3A_1490 = arith.cmpf ogt, %div3A_1487, %gt3A_1489 : vector<512x512xf32>
    %convert_element_type3A_1491 = arith.extui %gt3A_1490 : vector<512x512xi1> to vector<512x512xi32>
    %convert_element_type3A_1492 = arith.sitofp %convert_element_type3A_1491 : vector<512x512xi32> to vector<512x512xf32>
    %get3A_1493 = arith.constant 0 : index
    %get3A_1494 = arith.constant 2560 : index
    %get3A_1495 = vector.load %arg4[%get3A_1493, %get3A_1494] : memref<1x3072xf32, #tpu.memory_space<vmem>>, vector<1x512xf32>
    %dot_general3A_1496 = arith.constant dense<0.000000e+00> : vector<1x512xf32>
    %dot_general3A_1497 = tpu.matmul %while3A_1432#0, %convert_element_type3A_1492, %dot_general3A_1496 {dimension_numbers = #tpu.dot_dimension_numbers<[1], [0], [0], [1], [0, 0, 1, 1], [], []>, transpose_lhs_hint = false} : vector<1x512xf32>, vector<512x512xf32>, vector<1x512xf32> -> vector<1x512xf32>
    %add3A_1498 = arith.addf %get3A_1495, %dot_general3A_1497 : vector<1x512xf32>
    %swap3A_1499 = arith.constant 0 : index
    %swap3A_1500 = arith.constant 2560 : index
    %swap3A_1501 = vector.load %arg4[%swap3A_1499, %swap3A_1500] : memref<1x3072xf32, #tpu.memory_space<vmem>>, vector<1x512xf32>
    tpu.vector_store %arg4[%swap3A_1499, %swap3A_1500], %add3A_1498 {strides = array<i32>} : memref<1x3072xf32, #tpu.memory_space<vmem>>, vector<1x512xf32>,
    %get3A_1502 = arith.constant 2560 : index
    %get3A_1503 = arith.constant 0 : index
    %get3A_1504 = vector.load %arg0[%get3A_1502, %get3A_1503] : memref<3072x8xf32, #tpu.memory_space<vmem>>, vector<512x1xf32>
    %add3A_1505 = vector.broadcast %mul3A_11 : f32 to vector<512x1xf32>
    %add3A_1506 = arith.addf %get3A_1504, %add3A_1505 : vector<512x1xf32>
    %get3A_1507 = arith.constant 2560 : index
    %get3A_1508 = arith.constant 1 : index
    %get3A_1509 = vector.load %arg0[%get3A_1507, %get3A_1508] : memref<3072x8xf32, #tpu.memory_space<vmem>>, vector<512x1xf32>
    %add3A_1510 = vector.broadcast %mul3A_11 : f32 to vector<512x1xf32>
    %add3A_1511 = arith.addf %get3A_1509, %add3A_1510 : vector<512x1xf32>
    %get3A_1512 = arith.constant 2560 : index
    %get3A_1513 = arith.constant 2 : index
    %get3A_1514 = vector.load %arg0[%get3A_1512, %get3A_1513] : memref<3072x8xf32, #tpu.memory_space<vmem>>, vector<512x1xf32>
    %add3A_1515 = vector.broadcast %mul3A_11 : f32 to vector<512x1xf32>
    %add3A_1516 = arith.addf %get3A_1514, %add3A_1515 : vector<512x1xf32>
    %get3A_1517 = arith.constant 2560 : index
    %get3A_1518 = arith.constant 3 : index
    %get3A_1519 = vector.load %arg0[%get3A_1517, %get3A_1518] : memref<3072x8xf32, #tpu.memory_space<vmem>>, vector<512x1xf32>
    %add3A_1520 = vector.broadcast %mul3A_11 : f32 to vector<512x1xf32>
    %add3A_1521 = arith.addf %get3A_1519, %add3A_1520 : vector<512x1xf32>
    %sub3A_1522 = arith.subf %add3A_1516, %add3A_1506 : vector<512x1xf32>
    %sub3A_1523 = arith.subf %add3A_1521, %add3A_1511 : vector<512x1xf32>
    %mul3A_1524 = arith.mulf %sub3A_1522, %sub3A_1523 : vector<512x1xf32>
    %get3A_1525 = arith.constant 0 : index
    %get3A_1526 = arith.constant 2560 : index
    %get3A_1527 = vector.load %arg1[%get3A_1525, %get3A_1526] : memref<8x3072xf32, #tpu.memory_space<vmem>>, vector<1x512xf32>
    %add3A_1528 = vector.broadcast %mul3A_11 : f32 to vector<1x512xf32>
    %add3A_1529 = arith.addf %get3A_1527, %add3A_1528 : vector<1x512xf32>
    %get3A_1530 = arith.constant 1 : index
    %get3A_1531 = arith.constant 2560 : index
    %get3A_1532 = vector.load %arg1[%get3A_1530, %get3A_1531] : memref<8x3072xf32, #tpu.memory_space<vmem>>, vector<1x512xf32>
    %add3A_1533 = vector.broadcast %mul3A_11 : f32 to vector<1x512xf32>
    %add3A_1534 = arith.addf %get3A_1532, %add3A_1533 : vector<1x512xf32>
    %get3A_1535 = arith.constant 2 : index
    %get3A_1536 = arith.constant 2560 : index
    %get3A_1537 = vector.load %arg1[%get3A_1535, %get3A_1536] : memref<8x3072xf32, #tpu.memory_space<vmem>>, vector<1x512xf32>
    %add3A_1538 = vector.broadcast %mul3A_11 : f32 to vector<1x512xf32>
    %add3A_1539 = arith.addf %get3A_1537, %add3A_1538 : vector<1x512xf32>
    %get3A_1540 = arith.constant 3 : index
    %get3A_1541 = arith.constant 2560 : index
    %get3A_1542 = vector.load %arg1[%get3A_1540, %get3A_1541] : memref<8x3072xf32, #tpu.memory_space<vmem>>, vector<1x512xf32>
    %add3A_1543 = vector.broadcast %mul3A_11 : f32 to vector<1x512xf32>
    %add3A_1544 = arith.addf %get3A_1542, %add3A_1543 : vector<1x512xf32>
    %sub3A_1545 = arith.subf %add3A_1539, %add3A_1529 : vector<1x512xf32>
    %sub3A_1546 = arith.subf %add3A_1544, %add3A_1534 : vector<1x512xf32>
    %mul3A_1547 = arith.mulf %sub3A_1545, %sub3A_1546 : vector<1x512xf32>
    %max3A_1548 = vector.broadcast %add3A_1506 : vector<512x1xf32> to vector<512x512xf32>
    %max3A_1549 = vector.broadcast %add3A_1529 : vector<1x512xf32> to vector<512x512xf32>
    %max3A_1550 = arith.maximumf %max3A_1548, %max3A_1549 : vector<512x512xf32>
    %max3A_1551 = vector.broadcast %add3A_1511 : vector<512x1xf32> to vector<512x512xf32>
    %max3A_1552 = vector.broadcast %add3A_1534 : vector<1x512xf32> to vector<512x512xf32>
    %max3A_1553 = arith.maximumf %max3A_1551, %max3A_1552 : vector<512x512xf32>
    %min3A_1554 = vector.broadcast %add3A_1516 : vector<512x1xf32> to vector<512x512xf32>
    %min3A_1555 = vector.broadcast %add3A_1539 : vector<1x512xf32> to vector<512x512xf32>
    %min3A_1556 = arith.minimumf %min3A_1554, %min3A_1555 : vector<512x512xf32>
    %min3A_1557 = vector.broadcast %add3A_1521 : vector<512x1xf32> to vector<512x512xf32>
    %min3A_1558 = vector.broadcast %add3A_1544 : vector<1x512xf32> to vector<512x512xf32>
    %min3A_1559 = arith.minimumf %min3A_1557, %min3A_1558 : vector<512x512xf32>
    %sub3A_1560 = arith.subf %min3A_1556, %max3A_1550 : vector<512x512xf32>
    %max3A_1561 = arith.constant 0.000000e+00 : f32
    %max3A_1562 = vector.broadcast %max3A_1561 : f32 to vector<512x512xf32>
    %max3A_1563 = arith.maximumf %sub3A_1560, %max3A_1562 : vector<512x512xf32>
    %sub3A_1564 = arith.subf %min3A_1559, %max3A_1553 : vector<512x512xf32>
    %max3A_1565 = arith.constant 0.000000e+00 : f32
    %max3A_1566 = vector.broadcast %max3A_1565 : f32 to vector<512x512xf32>
    %max3A_1567 = arith.maximumf %sub3A_1564, %max3A_1566 : vector<512x512xf32>
    %mul3A_1568 = arith.mulf %max3A_1563, %max3A_1567 : vector<512x512xf32>
    %add3A_1569 = vector.broadcast %mul3A_1524 : vector<512x1xf32> to vector<512x512xf32>
    %add3A_1570 = vector.broadcast %mul3A_1547 : vector<1x512xf32> to vector<512x512xf32>
    %add3A_1571 = arith.addf %add3A_1569, %add3A_1570 : vector<512x512xf32>
    %sub3A_1572 = arith.subf %add3A_1571, %mul3A_1568 : vector<512x512xf32>
    %add3A_1573 = arith.constant 9.99999971E-10 : f32
    %add3A_1574 = vector.broadcast %add3A_1573 : f32 to vector<512x512xf32>
    %add3A_1575 = arith.addf %sub3A_1572, %add3A_1574 : vector<512x512xf32>
    %div3A_1576 = arith.divf %mul3A_1568, %add3A_1575 : vector<512x512xf32>
    %gt3A_1577 = arith.constant 0.699999988 : f32
    %gt3A_1578 = vector.broadcast %gt3A_1577 : f32 to vector<512x512xf32>
    %gt3A_1579 = arith.cmpf ogt, %div3A_1576, %gt3A_1578 : vector<512x512xf32>
    %convert_element_type3A_1580 = arith.extui %gt3A_1579 : vector<512x512xi1> to vector<512x512xi32>
    %convert_element_type3A_1581 = arith.sitofp %convert_element_type3A_1580 : vector<512x512xi32> to vector<512x512xf32>
    %iota3A_1582 = tpu.iota {dimensions = array<i32: 0>} : vector<512x1xi32>
    %iota3A_1583 = tpu.iota {dimensions = array<i32: 1>} : vector<1x512xi32>
    %lt3A_1584 = vector.broadcast %iota3A_1582 : vector<512x1xi32> to vector<512x512xi32>
    %lt3A_1585 = vector.broadcast %iota3A_1583 : vector<1x512xi32> to vector<512x512xi32>
    %lt3A_1586 = arith.cmpi slt, %lt3A_1584, %lt3A_1585 : vector<512x512xi32>
    %convert_element_type3A_1587 = arith.extui %lt3A_1586 : vector<512x512xi1> to vector<512x512xi32>
    %convert_element_type3A_1588 = arith.sitofp %convert_element_type3A_1587 : vector<512x512xi32> to vector<512x512xf32>
    %mul3A_1589 = arith.mulf %convert_element_type3A_1581, %convert_element_type3A_1588 : vector<512x512xf32>
    %get3A_1590 = arith.constant 0 : index
    %get3A_1591 = arith.constant 2560 : index
    %get3A_1592 = vector.load %arg4[%get3A_1590, %get3A_1591] : memref<1x3072xf32, #tpu.memory_space<vmem>>, vector<1x512xf32>
    %eq3A_1593 = arith.constant 0.000000e+00 : f32
    %eq3A_1594 = vector.broadcast %eq3A_1593 : f32 to vector<1x512xf32>
    %eq3A_1595 = arith.cmpf oeq, %get3A_1592, %eq3A_1594 : vector<1x512xf32>
    %convert_element_type3A_1596 = arith.extui %eq3A_1595 : vector<1x512xi1> to vector<1x512xi32>
    %convert_element_type3A_1597 = arith.sitofp %convert_element_type3A_1596 : vector<1x512xi32> to vector<1x512xf32>
    %while3A_1598 = arith.constant true
    %while3A_1599:2 = scf.while (%while3A_1691 = %convert_element_type3A_1597, %while3A_1692 = %while3A_1598) : (vector<1x512xf32>, i1) -> (vector<1x512xf32>, i1) {
      scf.condition(%while3A_1692) %while3A_1691, %while3A_1692 : vector<1x512xf32>, i1
    } do {
    ^bb0(%while3A_1691: vector<1x512xf32>, %while3A_1692: i1):
      %dot_general3A_1693 = arith.constant dense<0.000000e+00> : vector<1x512xf32>
      %dot_general3A_1694 = tpu.matmul %while3A_1691, %mul3A_1589, %dot_general3A_1693 {dimension_numbers = #tpu.dot_dimension_numbers<[1], [0], [0], [1], [0, 0, 1, 1], [], []>, transpose_lhs_hint = false} : vector<1x512xf32>, vector<512x512xf32>, vector<1x512xf32> -> vector<1x512xf32>
      %eq3A_1695 = arith.constant 0.000000e+00 : f32
      %eq3A_1696 = vector.broadcast %eq3A_1695 : f32 to vector<1x512xf32>
      %eq3A_1697 = arith.cmpf oeq, %dot_general3A_1694, %eq3A_1696 : vector<1x512xf32>
      %convert_element_type3A_1698 = arith.extui %eq3A_1697 : vector<1x512xi1> to vector<1x512xi32>
      %convert_element_type3A_1699 = arith.sitofp %convert_element_type3A_1698 : vector<1x512xi32> to vector<1x512xf32>
      %mul3A_1700 = arith.mulf %convert_element_type3A_1597, %convert_element_type3A_1699 : vector<1x512xf32>
      %ne3A_1701 = arith.cmpf one, %mul3A_1700, %while3A_1691 : vector<1x512xf32>
      %reduce_or3A = arith.constant 1.000000e+00 : f32
      %reduce_or3A_1702 = arith.constant 0.000000e+00 : f32
      %reduce_or3A_1703 = vector.broadcast %reduce_or3A : f32 to vector<1x512xf32>
      %reduce_or3A_1704 = vector.broadcast %reduce_or3A_1702 : f32 to vector<1x512xf32>
      %reduce_or3A_1705 = arith.select %ne3A_1701, %reduce_or3A_1703, %reduce_or3A_1704 : vector<1x512xi1>, vector<1x512xf32>
      %reduce_or3A_1706 = vector.shape_cast %reduce_or3A_1705 : vector<1x512xf32> to vector<1x1x512xf32>
      %reduce_or3A_1707 = arith.constant dense<0xFF800000> : vector<1xf32>
      %reduce_or3A_1708 = vector.multi_reduction <maximumf>, %reduce_or3A_1706, %reduce_or3A_1707 [1, 2] : vector<1x1x512xf32> to vector<1xf32>
      %reduce_or3A_1709 = vector.shape_cast %reduce_or3A_1708 : vector<1xf32> to vector<1x1x1xf32>
      %reduce_or3A_1710 = vector.extract %reduce_or3A_1709[0, 0, 0] : f32 from vector<1x1x1xf32>
      %reduce_or3A_1711 = arith.constant 0.000000e+00 : f32
      %reduce_or3A_1712 = arith.cmpf ogt, %reduce_or3A_1710, %reduce_or3A_1711 : f32
      scf.yield %mul3A_1700, %reduce_or3A_1712 : vector<1x512xf32>, i1
    }
    %swap3A_1600 = arith.constant 0 : index
    %swap3A_1601 = arith.constant 2560 : index
    %swap3A_1602 = vector.load %arg3[%swap3A_1600, %swap3A_1601] : memref<1x3072xf32, #tpu.memory_space<vmem>>, vector<1x512xf32>
    tpu.vector_store %arg3[%swap3A_1600, %swap3A_1601], %while3A_1599#0 {strides = array<i32>} : memref<1x3072xf32, #tpu.memory_space<vmem>>, vector<1x512xf32>,
    %get3A_1603 = arith.constant 0 : index
    %get3A_1604 = arith.constant 0 : index
    %get3A_1605 = vector.load %arg3[%get3A_1603, %get3A_1604] : memref<1x3072xf32, #tpu.memory_space<vmem>>, vector<1x3072xf32>
    %iota3A_1606 = tpu.iota {dimensions = array<i32: 0>} : vector<512x1xi32>
    %iota3A_1607 = tpu.iota {dimensions = array<i32: 1>} : vector<1x512xi32>
    %le3A = vector.broadcast %iota3A_1606 : vector<512x1xi32> to vector<512x512xi32>
    %le3A_1608 = vector.broadcast %iota3A_1607 : vector<1x512xi32> to vector<512x512xi32>
    %le3A_1609 = arith.cmpi sle, %le3A, %le3A_1608 : vector<512x512xi32>
    %convert_element_type3A_1610 = arith.extui %le3A_1609 : vector<512x512xi1> to vector<512x512xi32>
    %convert_element_type3A_1611 = arith.sitofp %convert_element_type3A_1610 : vector<512x512xi32> to vector<512x512xf32>
    %slice3A = vector.extract_strided_slice %get3A_1605 {offsets = [0, 0], sizes = [1, 512], strides = [1, 1]} : vector<1x3072xf32> to vector<1x512xf32>
    %dot_general3A_1612 = arith.constant dense<0.000000e+00> : vector<1x512xf32>
    %dot_general3A_1613 = tpu.matmul %slice3A, %convert_element_type3A_1611, %dot_general3A_1612 {dimension_numbers = #tpu.dot_dimension_numbers<[1], [0], [0], [1], [0, 0, 1, 1], [], []>, transpose_lhs_hint = false} : vector<1x512xf32>, vector<512x512xf32>, vector<1x512xf32> -> vector<1x512xf32>
    %add3A_1614 = arith.constant 0.000000e+00 : f32
    %add3A_1615 = vector.broadcast %add3A_1614 : f32 to vector<1x512xf32>
    %add3A_1616 = arith.addf %dot_general3A_1613, %add3A_1615 : vector<1x512xf32>
    %reduce_sum3A = vector.shape_cast %slice3A : vector<1x512xf32> to vector<1x1x512xf32>
    %reduce_sum3A_1617 = arith.constant dense<0.000000e+00> : vector<1xf32>
    %reduce_sum3A_1618 = vector.multi_reduction <add>, %reduce_sum3A, %reduce_sum3A_1617 [1, 2] : vector<1x1x512xf32> to vector<1xf32>
    %reduce_sum3A_1619 = vector.shape_cast %reduce_sum3A_1618 : vector<1xf32> to vector<1x1x1xf32>
    %reduce_sum3A_1620 = vector.extract %reduce_sum3A_1619[0, 0, 0] : f32 from vector<1x1x1xf32>
    %add3A_1621 = arith.constant 0.000000e+00 : f32
    %add3A_1622 = arith.addf %add3A_1621, %reduce_sum3A_1620 : f32
    %slice3A_1623 = vector.extract_strided_slice %get3A_1605 {offsets = [0, 512], sizes = [1, 512], strides = [1, 1]} : vector<1x3072xf32> to vector<1x512xf32>
    %dot_general3A_1624 = arith.constant dense<0.000000e+00> : vector<1x512xf32>
    %dot_general3A_1625 = tpu.matmul %slice3A_1623, %convert_element_type3A_1611, %dot_general3A_1624 {dimension_numbers = #tpu.dot_dimension_numbers<[1], [0], [0], [1], [0, 0, 1, 1], [], []>, transpose_lhs_hint = false} : vector<1x512xf32>, vector<512x512xf32>, vector<1x512xf32> -> vector<1x512xf32>
    %add3A_1626 = vector.broadcast %add3A_1622 : f32 to vector<1x512xf32>
    %add3A_1627 = arith.addf %dot_general3A_1625, %add3A_1626 : vector<1x512xf32>
    %reduce_sum3A_1628 = vector.shape_cast %slice3A_1623 : vector<1x512xf32> to vector<1x1x512xf32>
    %reduce_sum3A_1629 = arith.constant dense<0.000000e+00> : vector<1xf32>
    %reduce_sum3A_1630 = vector.multi_reduction <add>, %reduce_sum3A_1628, %reduce_sum3A_1629 [1, 2] : vector<1x1x512xf32> to vector<1xf32>
    %reduce_sum3A_1631 = vector.shape_cast %reduce_sum3A_1630 : vector<1xf32> to vector<1x1x1xf32>
    %reduce_sum3A_1632 = vector.extract %reduce_sum3A_1631[0, 0, 0] : f32 from vector<1x1x1xf32>
    %add3A_1633 = arith.addf %add3A_1622, %reduce_sum3A_1632 : f32
    %slice3A_1634 = vector.extract_strided_slice %get3A_1605 {offsets = [0, 1024], sizes = [1, 512], strides = [1, 1]} : vector<1x3072xf32> to vector<1x512xf32>
    %dot_general3A_1635 = arith.constant dense<0.000000e+00> : vector<1x512xf32>
    %dot_general3A_1636 = tpu.matmul %slice3A_1634, %convert_element_type3A_1611, %dot_general3A_1635 {dimension_numbers = #tpu.dot_dimension_numbers<[1], [0], [0], [1], [0, 0, 1, 1], [], []>, transpose_lhs_hint = false} : vector<1x512xf32>, vector<512x512xf32>, vector<1x512xf32> -> vector<1x512xf32>
    %add3A_1637 = vector.broadcast %add3A_1633 : f32 to vector<1x512xf32>
    %add3A_1638 = arith.addf %dot_general3A_1636, %add3A_1637 : vector<1x512xf32>
    %reduce_sum3A_1639 = vector.shape_cast %slice3A_1634 : vector<1x512xf32> to vector<1x1x512xf32>
    %reduce_sum3A_1640 = arith.constant dense<0.000000e+00> : vector<1xf32>
    %reduce_sum3A_1641 = vector.multi_reduction <add>, %reduce_sum3A_1639, %reduce_sum3A_1640 [1, 2] : vector<1x1x512xf32> to vector<1xf32>
    %reduce_sum3A_1642 = vector.shape_cast %reduce_sum3A_1641 : vector<1xf32> to vector<1x1x1xf32>
    %reduce_sum3A_1643 = vector.extract %reduce_sum3A_1642[0, 0, 0] : f32 from vector<1x1x1xf32>
    %add3A_1644 = arith.addf %add3A_1633, %reduce_sum3A_1643 : f32
    %slice3A_1645 = vector.extract_strided_slice %get3A_1605 {offsets = [0, 1536], sizes = [1, 512], strides = [1, 1]} : vector<1x3072xf32> to vector<1x512xf32>
    %dot_general3A_1646 = arith.constant dense<0.000000e+00> : vector<1x512xf32>
    %dot_general3A_1647 = tpu.matmul %slice3A_1645, %convert_element_type3A_1611, %dot_general3A_1646 {dimension_numbers = #tpu.dot_dimension_numbers<[1], [0], [0], [1], [0, 0, 1, 1], [], []>, transpose_lhs_hint = false} : vector<1x512xf32>, vector<512x512xf32>, vector<1x512xf32> -> vector<1x512xf32>
    %add3A_1648 = vector.broadcast %add3A_1644 : f32 to vector<1x512xf32>
    %add3A_1649 = arith.addf %dot_general3A_1647, %add3A_1648 : vector<1x512xf32>
    %reduce_sum3A_1650 = vector.shape_cast %slice3A_1645 : vector<1x512xf32> to vector<1x1x512xf32>
    %reduce_sum3A_1651 = arith.constant dense<0.000000e+00> : vector<1xf32>
    %reduce_sum3A_1652 = vector.multi_reduction <add>, %reduce_sum3A_1650, %reduce_sum3A_1651 [1, 2] : vector<1x1x512xf32> to vector<1xf32>
    %reduce_sum3A_1653 = vector.shape_cast %reduce_sum3A_1652 : vector<1xf32> to vector<1x1x1xf32>
    %reduce_sum3A_1654 = vector.extract %reduce_sum3A_1653[0, 0, 0] : f32 from vector<1x1x1xf32>
    %add3A_1655 = arith.addf %add3A_1644, %reduce_sum3A_1654 : f32
    %slice3A_1656 = vector.extract_strided_slice %get3A_1605 {offsets = [0, 2048], sizes = [1, 512], strides = [1, 1]} : vector<1x3072xf32> to vector<1x512xf32>
    %dot_general3A_1657 = arith.constant dense<0.000000e+00> : vector<1x512xf32>
    %dot_general3A_1658 = tpu.matmul %slice3A_1656, %convert_element_type3A_1611, %dot_general3A_1657 {dimension_numbers = #tpu.dot_dimension_numbers<[1], [0], [0], [1], [0, 0, 1, 1], [], []>, transpose_lhs_hint = false} : vector<1x512xf32>, vector<512x512xf32>, vector<1x512xf32> -> vector<1x512xf32>
    %add3A_1659 = vector.broadcast %add3A_1655 : f32 to vector<1x512xf32>
    %add3A_1660 = arith.addf %dot_general3A_1658, %add3A_1659 : vector<1x512xf32>
    %reduce_sum3A_1661 = vector.shape_cast %slice3A_1656 : vector<1x512xf32> to vector<1x1x512xf32>
    %reduce_sum3A_1662 = arith.constant dense<0.000000e+00> : vector<1xf32>
    %reduce_sum3A_1663 = vector.multi_reduction <add>, %reduce_sum3A_1661, %reduce_sum3A_1662 [1, 2] : vector<1x1x512xf32> to vector<1xf32>
    %reduce_sum3A_1664 = vector.shape_cast %reduce_sum3A_1663 : vector<1xf32> to vector<1x1x1xf32>
    %reduce_sum3A_1665 = vector.extract %reduce_sum3A_1664[0, 0, 0] : f32 from vector<1x1x1xf32>
    %add3A_1666 = arith.addf %add3A_1655, %reduce_sum3A_1665 : f32
    %slice3A_1667 = vector.extract_strided_slice %get3A_1605 {offsets = [0, 2560], sizes = [1, 512], strides = [1, 1]} : vector<1x3072xf32> to vector<1x512xf32>
    %dot_general3A_1668 = arith.constant dense<0.000000e+00> : vector<1x512xf32>
    %dot_general3A_1669 = tpu.matmul %slice3A_1667, %convert_element_type3A_1611, %dot_general3A_1668 {dimension_numbers = #tpu.dot_dimension_numbers<[1], [0], [0], [1], [0, 0, 1, 1], [], []>, transpose_lhs_hint = false} : vector<1x512xf32>, vector<512x512xf32>, vector<1x512xf32> -> vector<1x512xf32>
    %add3A_1670 = vector.broadcast %add3A_1666 : f32 to vector<1x512xf32>
    %add3A_1671 = arith.addf %dot_general3A_1669, %add3A_1670 : vector<1x512xf32>
    %concatenate3A = tpu.concatenate %add3A_1616, %add3A_1627, %add3A_1638, %add3A_1649, %add3A_1660, %add3A_1671 in 1 : vector<1x512xf32>, vector<1x512xf32>, vector<1x512xf32>, vector<1x512xf32>, vector<1x512xf32>, vector<1x512xf32> -> vector<1x3072xf32>
    %get3A_1672 = arith.constant 4 : index
    %get3A_1673 = arith.constant 0 : index
    %get3A_1674 = vector.load %arg1[%get3A_1672, %get3A_1673] : memref<8x3072xf32, #tpu.memory_space<vmem>>, vector<1x3072xf32>
    %iota3A_1675 = tpu.iota {dimensions = array<i32: 1>} : vector<1x3072xi32>
    %ne3A = arith.constant 0.000000e+00 : f32
    %ne3A_1676 = vector.broadcast %ne3A : f32 to vector<1x3072xf32>
    %ne3A_1677 = arith.cmpf one, %get3A_1605, %ne3A_1676 : vector<1x3072xf32>
    %le3A_1678 = arith.constant 1.000000e+03 : f32
    %le3A_1679 = vector.broadcast %le3A_1678 : f32 to vector<1x3072xf32>
    %le3A_1680 = arith.cmpf ole, %concatenate3A, %le3A_1679 : vector<1x3072xf32>
    %and3A = arith.andi %ne3A_1677, %le3A_1680 : vector<1x3072xi1>
    %lt3A_1681 = arith.constant 3000 : i32
    %lt3A_1682 = vector.broadcast %lt3A_1681 : i32 to vector<1x3072xi32>
    %lt3A_1683 = arith.cmpi slt, %iota3A_1675, %lt3A_1682 : vector<1x3072xi32>
    %and3A_1684 = arith.andi %and3A, %lt3A_1683 : vector<1x3072xi1>
    %jit3A_1685 = arith.constant 0xFF800000 : f32
    %broadcast_in_dim3A_1686 = vector.broadcast %jit3A_1685 : f32 to vector<1x3072xf32>
    %select_n3A_1687 = arith.select %and3A_1684, %get3A_1674, %broadcast_in_dim3A_1686 : vector<1x3072xi1>, vector<1x3072xf32>
    %swap3A_1688 = arith.constant 0 : index
    %swap3A_1689 = arith.constant 0 : index
    %swap3A_1690 = vector.load %arg2[%swap3A_1688, %swap3A_1689] : memref<1x3072xf32, #tpu.memory_space<vmem>>, vector<1x3072xf32>
    tpu.vector_store %arg2[%swap3A_1688, %swap3A_1689], %select_n3A_1687 {strides = array<i32>} : memref<1x3072xf32, #tpu.memory_space<vmem>>, vector<1x3072xf32>,
    return
  }
}

module attributes {stable_mosaic.version = 14 : i64} {
  func.func @_rank_body(%arg0: i32, %arg1: memref<256x1xf32, #tpu.memory_space<vmem>>, %arg2: memref<1x4352xf32, #tpu.memory_space<vmem>>, %arg3: memref<1x4352xf32, #tpu.memory_space<vmem>>) attributes {dimension_semantics = [#tpu.dimension_semantics<arbitrary>], iteration_bounds = array<i64: 17>, scalar_prefetch = 0 : i64, scratch_operands = 0 : i64, tpu.core_type = #tpu.core_type<tc>, window_params = [{transform_indices = @transform_0, window_bounds = array<i64: 256, 1>}, {pipeline_mode = #tpu.pipeline_mode<synchronous>, transform_indices = @transform_1, window_bounds = array<i64: 1, 4352>}, {pipeline_mode = #tpu.pipeline_mode<synchronous>, transform_indices = @transform_2, window_bounds = array<i64: 1, 4352>}]} {
    %get3A = arith.constant 0 : index
    %get3A_0 = arith.constant 0 : index
    %get3A_1 = vector.load %arg1[%get3A, %get3A_0] : memref<256x1xf32, #tpu.memory_space<vmem>>, vector<256x1xf32>
    %get3A_2 = arith.constant 0 : index
    %get3A_3 = arith.constant 0 : index
    %get3A_4 = vector.load %arg2[%get3A_2, %get3A_3] : memref<1x4352xf32, #tpu.memory_space<vmem>>, vector<1x4352xf32>
    %iota3A = tpu.iota {dimensions = array<i32: 0>} : vector<256x1xi32>
    %mul3A = arith.constant 256 : i32
    %mul3A_5 = arith.muli %arg0, %mul3A : i32
    %add3A = vector.broadcast %mul3A_5 : i32 to vector<256x1xi32>
    %add3A_6 = arith.addi %iota3A, %add3A : vector<256x1xi32>
    %iota3A_7 = tpu.iota {dimensions = array<i32: 1>} : vector<1x4352xi32>
    %gt3A = vector.broadcast %get3A_1 : vector<256x1xf32> to vector<256x4352xf32>
    %gt3A_8 = vector.broadcast %get3A_4 : vector<1x4352xf32> to vector<256x4352xf32>
    %gt3A_9 = arith.cmpf ogt, %gt3A, %gt3A_8 : vector<256x4352xf32>
    %eq3A = vector.broadcast %get3A_1 : vector<256x1xf32> to vector<256x4352xf32>
    %eq3A_10 = vector.broadcast %get3A_4 : vector<1x4352xf32> to vector<256x4352xf32>
    %eq3A_11 = arith.cmpf oeq, %eq3A, %eq3A_10 : vector<256x4352xf32>
    %lt3A = vector.broadcast %add3A_6 : vector<256x1xi32> to vector<256x4352xi32>
    %lt3A_12 = vector.broadcast %iota3A_7 : vector<1x4352xi32> to vector<256x4352xi32>
    %lt3A_13 = arith.cmpi slt, %lt3A, %lt3A_12 : vector<256x4352xi32>
    %and3A = arith.andi %eq3A_11, %lt3A_13 : vector<256x4352xi1>
    %or3A = arith.ori %gt3A_9, %and3A : vector<256x4352xi1>
    %convert_element_type3A = arith.extui %or3A : vector<256x4352xi1> to vector<256x4352xi32>
    %convert_element_type3A_14 = arith.sitofp %convert_element_type3A : vector<256x4352xi32> to vector<256x4352xf32>
    %reduce_sum3A = arith.constant dense<0.000000e+00> : vector<4352xf32>
    %reduce_sum3A_15 = vector.multi_reduction <add>, %convert_element_type3A_14, %reduce_sum3A [0] : vector<256x4352xf32> to vector<4352xf32>
    %broadcast_in_dim3A = vector.shape_cast %reduce_sum3A_15 : vector<4352xf32> to vector<1x4352xf32>
    %eq3A_16 = arith.constant 0 : i32
    %eq3A_17 = arith.cmpi eq, %arg0, %eq3A_16 : i32
    %convert_element_type3A_18 = arith.extui %eq3A_17 : i1 to i32
    %cond3A = arith.constant 0 : i32
    %cond3A_19 = arith.cmpi ne, %convert_element_type3A_18, %cond3A : i32
    scf.if %cond3A_19 {
      %broadcast_in_dim3A_26 = arith.constant 0.000000e+00 : f32
      %broadcast_in_dim3A_27 = vector.broadcast %broadcast_in_dim3A_26 : f32 to vector<1x4352xf32>
      %swap3A_28 = arith.constant 0 : index
      %swap3A_29 = arith.constant 0 : index
      %swap3A_30 = vector.load %arg3[%swap3A_28, %swap3A_29] : memref<1x4352xf32, #tpu.memory_space<vmem>>, vector<1x4352xf32>
      tpu.vector_store %arg3[%swap3A_28, %swap3A_29], %broadcast_in_dim3A_27 {strides = array<i32>} : memref<1x4352xf32, #tpu.memory_space<vmem>>, vector<1x4352xf32>,
    } else {
    }
    %get3A_20 = arith.constant 0 : index
    %get3A_21 = arith.constant 0 : index
    %get3A_22 = vector.load %arg3[%get3A_20, %get3A_21] : memref<1x4352xf32, #tpu.memory_space<vmem>>, vector<1x4352xf32>
    %add3A_23 = arith.addf %get3A_22, %broadcast_in_dim3A : vector<1x4352xf32>
    %swap3A = arith.constant 0 : index
    %swap3A_24 = arith.constant 0 : index
    %swap3A_25 = vector.load %arg3[%swap3A, %swap3A_24] : memref<1x4352xf32, #tpu.memory_space<vmem>>, vector<1x4352xf32>
    tpu.vector_store %arg3[%swap3A, %swap3A_24], %add3A_23 {strides = array<i32>} : memref<1x4352xf32, #tpu.memory_space<vmem>>, vector<1x4352xf32>,
    return
  }
  func.func @transform_0(%arg0: i32) -> (i32, i32) {
    %c0_i32 = arith.constant 0 : i32
    %c0_i32_0 = arith.constant 0 : i32
    return %arg0, %c0_i32 : i32, i32
  }
  func.func @transform_1(%arg0: i32) -> (i32, i32) {
    %c0_i32 = arith.constant 0 : i32
    %c0_i32_0 = arith.constant 0 : i32
    %c0_i32_1 = arith.constant 0 : i32
    return %c0_i32, %c0_i32_0 : i32, i32
  }
  func.func @transform_2(%arg0: i32) -> (i32, i32) {
    %c0_i32 = arith.constant 0 : i32
    %c0_i32_0 = arith.constant 0 : i32
    %c0_i32_1 = arith.constant 0 : i32
    return %c0_i32, %c0_i32_0 : i32, i32
  }
}

</mosaic_0001>

<sc_bundles>
// kernel: gather_offload_async_start
scs
__scs_entry_jumppad:
0x0: {  	(pc) =	sbr.rel $0x88, $3  }
0x1: {  	(tag) =	ssettag $0x0;
	lr =	simm.s32 $0x1  }
0x2: {  	[smem:$0x3F86] =	sst lr;
	_ =	strace $0xD0000000  }
0x3: {  	_ = 	snop  }
0x4: {  	_ = 	snop  }
0x5: {  	_ = 	snop  }
0x6: {  	_ = 	snop  }
0x7: {  	_ = 	snop  }
__scs_overlays_trampoline_lowered:
0x8: {  	[smem:$0x3F95] =	sst s0  }
0x9: {  	[smem:$0x3F96] =	sst s1  }
0xa: {  	[smem:$0x3F97] =	sst s2  }
0xb: {  	[smem:$0x3F98] =	sst s3  }
0xc: {  	[smem:$0x3F99] =	sst s4  }
0xd: {  	[smem:$0x3F9A] =	sst s5  }
0xe: {  	[smem:$0x3F9B] =	sst s6  }
0xf: {  	[smem:$0x3F9C] =	sst s7  }
0x10: {  	[smem:$0x3F9D] =	sst s8  }
0x11: {  	[smem:$0x3F9E] =	sst s9;
	s0 =	simm.s32 @!p0 $0x0  }
0x12: {  	s1 =	sld [smem:$0x3F84];
	s0 =	simm.s32 @p0 $0x1  }
0x13: {  	[smem:$0x3F9F] =	sst s0;
	s0 =	simm.s32 @!p1 $0x0  }
0x14: {  	s2 =	sld [smem:$0x3F83];
	s0 =	simm.s32 @p1 $0x1  }
0x15: {  	[smem:$0x3FA0] =	sst s0;
	s0 =	simm.s32 @!p2 $0x0  }
0x16: {  	s3 =	sld [smem:$0x3FDB];
	s0 =	simm.s32 @p2 $0x1  }
0x17: {  	s4 =	simm.s32 $0x1BF5;
	[smem:$0x3FA2] =	sst s0  }
0x18: {  	s0 =	sld [smem:$0x3F85];
	_ =	swait.ge [sflag:s4], $0x0  }
0x19: {  	s7 =	sld [smem:$0x3F86]  }
0x1a: {  	s8 =	sadd.s32 $0xFFFFE003, lr  }
0x1b: {  	s9 =	sadd.s32 $0xFFFFFEF7, lr;
	s5 =	simm.s32 $0xFFFFFFFF;
	p2 =	slt.u32 s8, $0xFFFFF086  }
0x1c: {  	p1 =	slt.u32 s9, $0xF7A;
	s5 =	simm.s32 @!p2 $0x0  }
0x1d: {  	s5 =	simm.s32 @p1 $0x1;
	p0 =	seq.s32 s7, s2  }
0x1e: {  	s7 =	smul.u32 @!p0 $0xF7A, s2;
	p2 =	seq.s32 @!p0 s5, $0x0  }
0x1f: {  	s9 =	smul.u32 $0xF7A, s1;
	s8 =	simm.s32 @!p0 $0x1BF5;
	p2 =	por !p2, p0  }
0x20: {  	[sflag:s8] =	ssyncset.s32 @!p0 $0xFFFFF086;
	s6 =	sadd.s32 @!p0 s3, s7;
	s7 =	simm.s32 @!p0 $0x108  }
0x21: {  	s3 =	sadd.s32 s3, s9;
	s6 =	sadd.s32 @!p0 $0x88, s6;
	s7 =	simm.s32 @p2 $0x1082  }
0x22: {  	[simem:s7], [sflag:s8] =	dma.local @!p0 [hbm:s6], $0xF7A  }
0x23: {  	s9 =	sor.u32 $0xD0000000, s2;
	s6 =	simm.s32 $0x108;
	_ =	swait.ge @!p0 [sflag:s8], $0x0  }
0x24: {  	s3 =	sadd.s32 $0x88, s3;
	s6 =	simm.s32 @!p1 $0x1082;
	[sflag:s4] =	ssyncset.s32 $0xFFFFF086  }
0x25: {  	[simem:s6], [sflag:s4] =	dma.local [hbm:s3], $0xF7A  }
0x26: {  	[smem:$0x3F86] =	sst s1;
	(tag) =	ssettag s2;
	_ =	strace s9  }
0x27: {  	s1 =	sld [smem:$0x3F96]  }
0x28: {  	s2 =	sld [smem:$0x3F97]  }
0x29: {  	s4 =	sld [smem:$0x3F99]  }
0x2a: {  	p0 =	seq.s32 s5, $0x0;
	s5 =	sld [smem:$0x3F9A]  }
0x2b: {  	s6 =	sld [smem:$0x3F9B]  }
0x2c: {  	s7 =	sld [smem:$0x3F9C]  }
0x2d: {  	s3 =	simm.s32 $0x108;
	s8 =	sld [smem:$0x3F9D]  }
0x2e: {  	s3 =	simm.s32 @!p0 $0x1082;
	s9 =	sld [smem:$0x3F9E]  }
0x2f: {  	lr =	sadd.s32 s0, s3;
	s0 =	sld [smem:$0x3F95]  }
0x30: {  	s3 =	sld [smem:$0x3F98]  }
0x31: {  	[smem:$0x3FA1] =	sst s10  }
0x32: {  	s10 =	sld [smem:$0x3F9F];
	_ =	sdelay $0x3  }
0x33: {  	p0 =	seq.s32 s10, $0x1;
	s10 =	sld [smem:$0x3FA1];
	_ =	sdelay $0x3  }
0x34: {  	[smem:$0x3FA1] =	sst s10  }
0x35: {  	s10 =	sld [smem:$0x3FA0];
	_ =	sdelay $0x3  }
0x36: {  	p1 =	seq.s32 s10, $0x1;
	s10 =	sld [smem:$0x3FA1];
	_ =	sdelay $0x3  }
0x37: {  	[smem:$0x3FA1] =	sst s10  }
0x38: {  	s10 =	sld [smem:$0x3FA2]  }
0x39: {  	_ = 	snop;
	(pc) =	sbr.ind lr, $3  }
0x3a: {  	_ = 	snop  }
0x3b: {  	_ = 	snop  }
0x3c: {  	p2 =	seq.s32 s10, $0x1;
	s10 =	sld [smem:$0x3FA1]  }
0x3d: {  	_ =	shalt  }
0x3e: {  	_ =	shalt  }
0x3f: {  	_ =	shalt  }
0x40: {  	_ =	shalt  }
0x41: {  	_ =	shalt  }
0x42: {  	_ =	shalt  }
0x43: {  	_ =	shalt  }
0x44: {  	_ =	shalt  }
0x45: {  	_ =	shalt  }
0x46: {  	_ =	shalt  }
0x47: {  	_ =	shalt  }
0x48: {  	_ =	shalt  }
0x49: {  	_ =	shalt  }
0x4a: {  	_ =	shalt  }
0x4b: {  	_ =	shalt  }
0x4c: {  	_ =	shalt  }
0x4d: {  	_ =	shalt  }
0x4e: {  	_ =	shalt  }
0x4f: {  	_ =	shalt  }
0x50: {  	_ =	shalt  }
0x51: {  	_ =	shalt  }
0x52: {  	_ =	shalt  }
0x53: {  	_ =	shalt  }
0x54: {  	_ =	shalt  }
0x55: {  	_ =	shalt  }
0x56: {  	_ =	shalt  }
0x57: {  	_ =	shalt  }
0x58: {  	_ =	shalt  }
0x59: {  	_ =	shalt  }
0x5a: {  	_ =	shalt  }
0x5b: {  	_ =	shalt  }
0x5c: {  	_ =	shalt  }
0x5d: {  	_ =	shalt  }
0x5e: {  	_ =	shalt  }
0x5f: {  	_ =	shalt  }
0x60: {  	_ =	shalt  }
0x61: {  	_ =	shalt  }
0x62: {  	_ =	shalt  }
0x63: {  	_ =	shalt  }
0x64: {  	_ =	shalt  }
0x65: {  	_ =	shalt  }
0x66: {  	_ =	shalt  }
0x67: {  	_ =	shalt  }
0x68: {  	_ =	shalt  }
0x69: {  	_ =	shalt  }
0x6a: {  	_ =	shalt  }
0x6b: {  	_ =	shalt  }
0x6c: {  	_ =	shalt  }
0x6d: {  	_ =	shalt  }
0x6e: {  	_ =	shalt  }
0x6f: {  	_ =	shalt  }
0x70: {  	_ =	shalt  }
0x71: {  	_ =	shalt  }
0x72: {  	_ =	shalt  }
0x73: {  	_ =	shalt  }
0x74: {  	_ =	shalt  }
0x75: {  	_ =	shalt  }
0x76: {  	_ =	shalt  }
0x77: {  	_ =	shalt  }
0x78: {  	_ =	shalt  }
0x79: {  	_ =	shalt  }
0x7a: {  	_ =	shalt  }
0x7b: {  	_ =	shalt  }
0x7c: {  	_ =	shalt  }
0x7d: {  	_ =	shalt  }
0x7e: {  	_ =	shalt  }
0x7f: {  	_ =	shalt  }
0x80: {  	_ =	shalt  }
0x81: {  	_ =	shalt  }
0x82: {  	_ =	shalt  }
0x83: {  	_ =	shalt  }
0x84: {  	_ =	shalt  }
0x85: {  	_ =	shalt  }
0x86: {  	_ =	shalt  }
0x87: {  	_ =	shalt  }
.Lfunc_end0:
.L_simem_size_0:
called_computation_lowered:
.L_overlay_start_0:
0x88: {  	s0 =	sld [smem:$0x3FD9]  }
0x89: {  	s1 =	sld [smem:$0x3FFE];
	_ =	sdelay $0x3  }
0x8a: {  	s0 =	sadd.s32 s1, s0  }
0x8b: {  	[smem:$0x3FAD] =	sst s0  }
0x8c: {  	_ = 	snop  }
0x8d: {  	s0 =	sld [smem:$0x3FD0];
	_ =	sdelay $0x2  }
0x8e: {  	s13 =	simm.s32 $0xA;
	s2 =	simm.s32 $0x10  }
0x8f: {  	[smem:s2], [sflag:s13] =	dma.local [hbm:s0], $0x1  }
0x90: {  	_ =	swait.eq [sflag:s13], $0x1  }
0x91: {  	[sflag:s13] =	ssyncset.done $0x0  }
0x92: {  	[sflag:s13] =	ssyncadd.s32 $0xFFFFFFFF  }
0x93: {  	s14 =	sld [smem:$0x10];
	(tm) =	ssettm $0x1  }
0x94: {  	s15 =	sld [smem:$0x3FFB];
	_ =	sdelay $0x3  }
0x95: {  	_ =	strace s15  }
0x96: {  	s1 =	sld [smem:$0x3FFC];
	_ =	sdelay $0x3  }
0x97: {  	_ =	strace s1  }
0x98: {  	s1 =	sld [smem:$0x3FFD];
	_ =	sdelay $0x3  }
0x99: {  	_ =	strace s1  }
0x9a: {  	_ =	strace $0x8FFFFFFF  }
0x9b: {  	s16 =	sld [smem:$0x3FDB];
	_ =	sdelay $0x1  }
0x9c: {  	s17 =	simm.s32 $_scs_section_size  }
0x9d: {  	s3 =	simm.s32 $_size__tile_overlayer_lowered;
	s4 =	simm.s32 $_tile_overlayer_lowered  }
0x9e: {  	s20 =	simm.s32 $0x1BFF;
	s19 =	sshll.u32 s4, $0x1;
	s1 =	sadd.s32 s17, s16  }
0x9f: {  	s5 =	simm.s32 $0x0;
	s18 =	sshll.u32 s3, $0x1;
	s3 =	sadd.s32 s19, s1  }
0xa0: {  	[timem:s5], [sflag:s20] =	dma.local [hbm:s3], s18  }
0xa1: {  	_ =	swait.ge [sflag:s20], s18  }
0xa2: {  	s2 =	ssub.s32 $0x0, s18;
	[sflag:s20] =	ssyncset.done $0x0  }
0xa3: {  	[sflag:s20] =	ssyncadd.s32 s2;
	_ =	sdelay $0x1  }
0xa4: {  	s21 =	simm.s32 $0x1B8B  }
0xa5: {  	_ =	swait.ge [sflag:s21], $0x1  }
0xa6: {  	[sflag:s21] =	ssyncset.done $0x0  }
0xa7: {  	s23 =	simm.s32 $0x1B8E;
	s22 =	sld [smem:$0x3FFE];
	[sflag:s21] =	ssyncadd.s32 $0xFFFFFFFF  }
0xa8: {  	s24 =	simm.s32 $execute0_lowered;
	[smem:$0x3FD2] =	sst s23  }
0xa9: {  	s3 =	sshll.u32 s24, $0x1;
	_ =	strace $0x80000046;
	[dreg:$0x1] =	wrdreg $0xFFFFFFFF  }
0xaa: {  	s25 =	simm.s32 $_size_execute0_lowered;
	s1 =	sadd.s32 s1, s3;
	[dreg:$0x0] =	wrdreg $0x0  }
0xab: {  	s3 =	sshll.u32 s25, $0x1;
	[dreg:$0x2] =	wrdreg s1  }
0xac: {  	[dreg:$0x3] =	wrdreg s3  }
0xad: {  	[dreg:$0x4] =	wrdreg $0xC0  }
0xae: {  	_ =	task [dreg:s5], $0x5FFFF  }
0xaf: {  	[dreg:$0x1] =	wrdreg $0xFFFFFFFF  }
0xb0: {  	[dreg:$0x0] =	wrdreg $0x60  }
0xb1: {  	[dreg:$0x2] =	wrdreg s22  }
0xb2: {  	[dreg:$0x3] =	wrdreg s14  }
0xb3: {  	[dreg:$0x4] =	wrdreg $0x9  }
0xb4: {  	_ =	task.clear_ibuf [dreg:s5], $0x5FFFF;
	_ =	strace $0x90000046  }
0xb5: {  	s26 =	simm.s32 $0x9;
	_ =	strace $0x80000048  }
0xb6: {  	_ =	swait.ge [sflag:s26], $0x1  }
0xb7: {  	[sflag:s26] =	ssyncadd.s32 $0xFFFFFFFF  }
0xb8: {  	_ =	strace $0x90000048  }
0xb9: {  	_ =	sfence  }
0xba: {  	s28 =	sld [smem:$0x0];
	_ =	sdelay $0x1  }
0xbb: {  	s29 =	srdreg.scid  }
0xbc: {  	s30 =	sshll.u32 s29, $0xD;
	s31 =	sshrl.u32 s29, $0x2  }
0xbd: {  	s2 =	sand.u32 $0x4000, s30;
	s1 =	sand.u32 $0x1, s29;
	s0 =	sadd.s32 s31, s28  }
0xbe: {  	s1 =	sor.u32 s2, s1;
	s0 =	sshll.u32 s0, $0x11  }
0xbf: {  	s0 =	sor.u32 s0, s1  }
0xc0: {  	s0 =	sadd.s32 $0x8F2B, s0  }
0xc1: {  	[sflag:s0] =	ssyncadd.remote.s32 $0x1  }
0xc2: {  	_ =	sfence.sel $0xFFFF  }
0xc3: {  	[dreg:$0x0] =	wrdreg $0xFFFFFFFF;
	(pc) =	sbr.abs _section_cstart, $3  }
0xc4: {  	[dreg:$0x1] =	wrdreg $0xFFFFFFFF  }
0xc5: {  	_ =	task.clear_ibuf [dreg:s5], $0x2FFFF;
	_ =	strace $0x9FFFFFFF  }
0xc6: {  	(tm) =	ssettm $0x7FFFFFFF  }
0xc7: {  	_ =	shalt  }
tec
execute0_lowered:
.L_overlay_start_1:
0x0: {  	(tag) =	ssettag $0x1  }
0x1: {  	s0 =	stileid.u32  }
0x2: {  	s1 =	smin.u32 s0, $0x9  }
0x3: {  	s1 =	sadd.s32 s0, s1  }
0x4: {  	s2 =	simm.s32 $0xF0;
	p0 =	slt.u32 s0, $0x9;
	s1 =	smul.u32 $0x78, s1  }
0x5: {  	s2 =	simm.s32 @!p0 $0x78  }
0x6: {  	s2 =	sadd.s32 s2, s1  }
0x7: {  	s3 =	smin.u32 s2, $0xBB8  }
0x8: {  	s7 =	ssub.s32 s3, s1  }
0x9: {  	p0 =	sgt.s32 s7, $0x0  }
0xa: {  	s7 =	simm.s32 @!p0 $0x0  }
0xb: {  	s4 =	rddreg [dreg:$0x0];
	s31 =	smul.u32 $0x8889, s7  }
0xc: {  	s5 =	rddreg [dreg:$0x1]  }
0xd: {  	s6 =	simm.s32 $0x1;
	s10 =	simm.s32 $0x3;
	s8 =	sshrl.u32 s31, $0x16  }
0xe: {  	s13 =	simm.s32 $0x0;
	s12 =	simm.s32 $0x0;
	s9 =	smul.u32 $0x78, s8  }
.Ltmp0:
0xf: {  	s11 =	smov.u32 s1;
	s2 =	rddreg [dreg:$0x2];
	(pc) =	sbr.rel .LBB2_1-.Ltmp0, $4  }
0x10: {  	_ =	strace $0x80000047;
	p0 =	sne.s32 s7, s9;
	s9 =	simm.s32 $0x1  }
0x11: {  	[sflag:s6] =	ssyncpa.u1 $0x0;
	s7 =	simm.s32 $0x2;
	s9 =	simm.s32 @!p0 $0x0  }
0x12: {  	[sflag:s7] =	ssyncpa.u1 $0x0;
	p0 =	por $0x0, $0x0;
	s8 =	sadd.s32 s8, s9  }
0x13: {  	vm0 =	vmmov $0xff;
	vm1 =	vcmask $0x3F20;
	s9 =	sadd.s32 $0x10000, s4;
	[sflag:s10] =	ssyncpa.u1 $0x0;
	s10 =	sadd.s32 $0x1, s8  }
.LBB2_6:
0x14: {  	[hbm:s17] =	stream.linear.scatter [tilespmem:s14], [sflag:$0x3], $0x400, $0x38;
	[tilespmem:$0x78F0] =	vst v63  }
.LBB2_7:
0x15: {  	s13 =	sadd.s32 $0x78, s11  }
0x16: {  	s15 =	smov.u32 s1;
	p2 =	slt.s32 s13, s3  }
0x17: {  	s15 =	smov.u32 @p2 s13;
	p2 =	sne.s32 s12, s10  }
.Ltmp1:
0x18: {  	p1 =	slt.u32 s12, $0x2;
	(pc) =	sbr.rel @!p2 .LBB2_8-.Ltmp1, $4  }
0x19: {  	s14 =	simm.s32 @!p1 $0x3  }
0x1a: {  	s16 =	sadd.s32 $0x1, s12;
	_ =	swait.ge @!p1 [sflag:s14], $0x3C00  }
0x1b: {  	p0 =	por !p0, !p0;
	s13 =	smov.u32 s11;
	[sflag:s14] =	ssyncset.done @!p1 $0x0  }
0x1c: {  	s12 =	smov.u32 s16;
	s11 =	smov.u32 s15;
	[sflag:s14] =	ssyncadd.s32 @!p1 $0xFFFFC400  }
.LBB2_1:
0x1d: {  	p1 =	sge.u32 s12, s8  }
0x1e: {  	s14 =	sxor.u32 @!p1 $0xFFFFFFFF, s12  }
0x1f: {  	s14 =	sand.u32 @!p1 $0x1, s14  }
0x20: {  	s14 =	smul.u32 @!p1 $0x1E0, s14  }
0x21: {  	s31 =	sadd.s32 $0xFFFFFFFF, s12;
	s15 =	sshrl.u32 @!p1 s11, $0x3  }
0x22: {  	s16 =	sand.u32 @!p1 $0x7, s11;
	s15 =	sadd.s32 @!p1 s5, s15;
	s14 =	sshrl.u32 @!p1 s14, $0x2  }
0x23: {  	[tilespmem:s14], [sflag:$0x2] =	stream.linear.gather @!p1 [hbm4b:s15+s16], $0x78, $0x38;
	[tilespmem:$0x78F0] =	vst v63  }
0x24: {  	p1 =	sge.u32 s31, s8  }
.Ltmp2:
0x25: {  	_ = 	snop;
	(pc) =	sbr.rel @p1 .LBB2_7-.Ltmp2, $1  }
0x26: {  	_ =	sdelay $0x3  }
0x27: {  	s14 =	simm.s32 $0x1  }
0x28: {  	s14 =	simm.s32 @!p0 $0x0  }
0x29: {  	s15 =	smul.u32 $0x1E0, s14  }
0x2a: {  	_ =	swait.ge [sflag:s7], $0x78  }
0x2b: {  	[sflag:s7] =	ssyncset.done $0x0;
	s16 =	sshrl.u32 s15, $0x2  }
0x2c: {  	[sflag:s7] =	ssyncadd.s32 $0xFFFFFF88;
	s15 =	sadd.s32 $0x0, s16  }
0x2d: {  	v0 =	vld.msk [tilespmem:s15+$0x0 ss:$0x1], $0xffff;
	_ =	sdelay $0x4  }
0x2e: {  	vm2 =	vgt.s32 v0, $0x0  }
0x2f: {  	v0 =	vnsel vm2, $0x0, v0  }
0x30: {  	v0 =	vmin.u32 v0, $0xFFF  }
0x31: {  	v0 =	vshll.u32 v0, $0x4  }
0x32: {  	s14 =	smul.u32 $0xF000, s14  }
0x33: {  	s31 =	sand.u32 $0x1, s12  }
0x34: {  	s17 =	smul.u32 $0x1E0, s31;
	s14 =	sshrl.u32 s14, $0x2  }
0x35: {  	s19 =	smul.u32 $0xF000, s31;
	s14 =	sor.u32 $0xF0, s14  }
0x36: {  	[tilespmem:s14], [sflag:$0x1] =	stream.indirect_vreg.gather [hbm:s4], $0x80, v0, vm0, $0x38;
	[tilespmem:$0x78F0] =	vst v63  }
0x37: {  	s18 =	sshrl.u32 s17, $0x2;
	s20 =	sadd.s32 $0x10, s16;
	s15 =	sadd.s32 $0x400, s14  }
0x38: {  	[tilespmem:s15], [sflag:$0x1] =	stream.indirect_vreg.gather [hbm:s4], $0x80, v0, vm1, $0x38;
	[tilespmem:$0x78F0] =	vst v63  }
0x39: {  	s17 =	sshrl.u32 s19, $0x2;
	s19 =	smov.u32 s14;
	v0 =	vld.msk [tilespmem:s20+$0x0 ss:$0x1], $0xffff;
	s20 =	simm.s32 $0x80  }
.LBB2_3:
0x3a: {  	p1 =	sne.s32 s20, $0x180;
	_ =	sdelay $0x4  }
0x3b: {  	vm2 =	vgt.s32 v0, $0x0  }
0x3c: {  	v0 =	vnsel vm2, $0x0, v0  }
0x3d: {  	v0 =	vmin.u32 v0, $0xFFF  }
0x3e: {  	v0 =	vshll.u32 v0, $0x4;
	_ =	sdelay $0x3  }
.Ltmp3:
0x3f: {  	s21 =	sshra.s32 s20, $0x2;
	s19 =	sadd.s32 $0x800, s19;
	(pc) =	sbr.rel @p1 .LBB2_3-.Ltmp3, $4  }
0x40: {  	[tilespmem:s19], [sflag:$0x1] =	stream.indirect_vreg.gather [hbm:s4], $0x80, v0, vm0, $0x38;
	[tilespmem:$0x78F0] =	vst v63  }
0x41: {  	s21 =	sadd.s32 s21, s16;
	s22 =	sadd.s32 $0x400, s19  }
0x42: {  	[tilespmem:s22], [sflag:$0x1] =	stream.indirect_vreg.gather [hbm:s4], $0x80, v0, vm1, $0x38;
	[tilespmem:$0x78F0] =	vst v63  }
0x43: {  	s20 =	sadd.s32 $0x40, s20;
	v0 =	vld.msk [tilespmem:s21+$0x0 ss:$0x1], $0xffff  }
0x44: {  	_ =	sdelay $0x3  }
0x45: {  	vm2 =	vgt.s32 v0, $0x0  }
0x46: {  	v0 =	vnsel vm2, $0x0, v0  }
0x47: {  	v0 =	vmin.u32 v0, $0xFFF  }
0x48: {  	v0 =	vshll.u32 v0, $0x4;
	_ =	sdelay $0x3  }
0x49: {  	s16 =	sadd.s32 $0x800, s19  }
0x4a: {  	[tilespmem:s16], [sflag:$0x1] =	stream.indirect_vreg.gather [hbm:s4], $0x80, v0, vm0, $0x38;
	[tilespmem:$0x78F0] =	vst v63  }
0x4b: {  	s16 =	sadd.s32 $0x400, s16  }
0x4c: {  	[tilespmem:s16], [sflag:$0x1] =	stream.indirect_vreg.gather [hbm:s4], $0x80, v0, vm1, $0x38;
	[tilespmem:$0x78F0] =	vst v63  }
0x4d: {  	v0 =	vld.msk [tilespmem:s18+$0x70 ss:$0x1], $0xff;
	_ =	sdelay $0x4  }
0x4e: {  	vm2 =	vgt.s32 v0, $0x0  }
0x4f: {  	v0 =	vnsel vm2, $0x0, v0  }
0x50: {  	v0 =	vmin.u32 v0, $0xFFF  }
0x51: {  	v0 =	vshll.u32 v0, $0x4;
	_ =	sdelay $0x3  }
0x52: {  	s31 =	sadd.s32 $0x38F0, s17  }
0x53: {  	[tilespmem:s31], [sflag:$0x1] =	stream.indirect_vreg.gather [hbm:s4], $0x80, v0, vm0, $0x38;
	[tilespmem:$0x78F0] =	vst v63  }
0x54: {  	s13 =	sshll.u32 s13, $0x4;
	_ =	swait.ge [sflag:s6], $0x3C00  }
0x55: {  	s13 =	sadd.s32 s13, s9;
	[sflag:s6] =	ssyncset.done $0x0  }
0x56: {  	s17 =	sadd.s32 $0x0, s13;
	s16 =	simm.s32 $0x80;
	[sflag:s6] =	ssyncadd.s32 $0xFFFFC400  }
.LBB2_5:
0x57: {  	[hbm:s17] =	stream.linear.scatter [tilespmem:s14], [sflag:$0x3], $0x400, $0x38;
	[tilespmem:$0x78F0] =	vst v63  }
0x58: {  	s17 =	smov.u32 s16;
	s14 =	smov.u32 s15;
	p1 =	sne.s32 s16, $0x700  }
.Ltmp4:
0x59: {  	s16 =	sadd.s32 $0x80, s16;
	(pc) =	sbr.rel @p1 .LBB2_5-.Ltmp4, $2  }
0x5a: {  	_ =	sdelay $0x2  }
0x5b: {  	s15 =	sadd.s32 $0x400, s15;
	s17 =	sadd.s32 s17, s13  }
.Ltmp5:
0x5c: {  	_ = 	snop;
	(pc) =	sbr.rel .LBB2_6-.Ltmp5, $1  }
0x5d: {  	_ =	sdelay $0x3  }
.LBB2_8:
0x5e: {  	_ =	sfence.sel $0x180000  }
0x5f: {  	s1 =	simm.s32 $0x2;
	[bflag:$0x0] =	sbarrier.arrive $0xFFFF  }
0x60: {  	s30 =	simm.s32 $0x3;
	[sflag:s1] =	ssyncpa.u1 $0x1  }
0x61: {  	s31 =	simm.s32 $0x1;
	[sflag:s30] =	ssyncpa.u1 $0x1  }
0x62: {  	[sflag:s31] =	ssyncpa.u1 $0x1  }
0x63: {  	p0 =	sne.s32 s0, $0x0;
	_ =	strace $0x90000047  }
0x64: {  	s0 =	sadd.s32 @!p0 $0x100000, s2;
	[bflag:$0x2] =	sbarrier.arrive $0xFFFF  }
0x65: {  	[sflag:s0] =	ssyncadd.tile.s32 @!p0 $0x1;
	_ =	shalt  }
.Lfunc_end2:
_tile_overlayer_lowered:
.L_overlay_start_2:
0x66: {  	(tag) =	ssettag $0x2  }
0x67: {  	s0 =	rddreg [dreg:$0x0];
	s2 =	stileid.u32  }
0x68: {  	s1 =	rddreg [dreg:$0x1];
	p0 =	sne.s32 s2, $0x0  }
0x69: {  	s3 =	rddreg [dreg:$0x2];
	[bflag:$0x3] =	sbarrier.arrive $0xFFFF;
	s2 =	simm.s32 @!p0 $0x1C01  }
0x6a: {  	[timem:s3], [sflag:s2] =	dma.local @!p0 [hbm:s0], s1  }
0x6b: {  	s0 =	simm.s32 @!p0 $0x1  }
0x6c: {  	_ =	swait.ge @!p0 [sflag:s0], s1  }
0x6d: {  	s1 =	ssub.s32 @!p0 $0x0, s1;
	[sflag:s0] =	ssyncset.done @!p0 $0x0  }
0x6e: {  	[sflag:s0] =	ssyncadd.s32 @!p0 s1  }
0x6f: {  	[bflag:$0x3] =	sbarrier.arrive $0xFFFF  }
0x70: {  	_ =	shalt  }

// kernel: kernel.7.cloned.1.call-start
scs
__scs_entry_jumppad:
0x0: {  	(pc) =	sbr.rel $0x88, $3  }
0x1: {  	(tag) =	ssettag $0x0;
	lr =	simm.s32 $0x1  }
0x2: {  	[smem:$0x3F86] =	sst lr;
	_ =	strace $0xD0000000  }
0x3: {  	_ = 	snop  }
0x4: {  	_ = 	snop  }
0x5: {  	_ = 	snop  }
0x6: {  	_ = 	snop  }
0x7: {  	_ = 	snop  }
__scs_overlays_trampoline_lowered:
0x8: {  	[smem:$0x3F95] =	sst s0  }
0x9: {  	[smem:$0x3F96] =	sst s1  }
0xa: {  	[smem:$0x3F97] =	sst s2  }
0xb: {  	[smem:$0x3F98] =	sst s3  }
0xc: {  	[smem:$0x3F99] =	sst s4  }
0xd: {  	[smem:$0x3F9A] =	sst s5  }
0xe: {  	[smem:$0x3F9B] =	sst s6  }
0xf: {  	[smem:$0x3F9C] =	sst s7  }
0x10: {  	[smem:$0x3F9D] =	sst s8  }
0x11: {  	[smem:$0x3F9E] =	sst s9;
	s0 =	simm.s32 @!p0 $0x0  }
0x12: {  	s1 =	sld [smem:$0x3F84];
	s0 =	simm.s32 @p0 $0x1  }
0x13: {  	[smem:$0x3F9F] =	sst s0;
	s0 =	simm.s32 @!p1 $0x0  }
0x14: {  	s2 =	sld [smem:$0x3F83];
	s0 =	simm.s32 @p1 $0x1  }
0x15: {  	[smem:$0x3FA0] =	sst s0;
	s0 =	simm.s32 @!p2 $0x0  }
0x16: {  	s3 =	sld [smem:$0x3FDB];
	s0 =	simm.s32 @p2 $0x1  }
0x17: {  	s4 =	simm.s32 $0x1BF5;
	[smem:$0x3FA2] =	sst s0  }
0x18: {  	s0 =	sld [smem:$0x3F85];
	_ =	swait.ge [sflag:s4], $0x0  }
0x19: {  	s7 =	sld [smem:$0x3F86]  }
0x1a: {  	s8 =	sadd.s32 $0xFFFFE003, lr  }
0x1b: {  	s9 =	sadd.s32 $0xFFFFFEF7, lr;
	s5 =	simm.s32 $0xFFFFFFFF;
	p2 =	slt.u32 s8, $0xFFFFF086  }
0x1c: {  	p1 =	slt.u32 s9, $0xF7A;
	s5 =	simm.s32 @!p2 $0x0  }
0x1d: {  	s5 =	simm.s32 @p1 $0x1;
	p0 =	seq.s32 s7, s2  }
0x1e: {  	s7 =	smul.u32 @!p0 $0xF7A, s2;
	p2 =	seq.s32 @!p0 s5, $0x0  }
0x1f: {  	s9 =	smul.u32 $0xF7A, s1;
	s8 =	simm.s32 @!p0 $0x1BF5;
	p2 =	por !p2, p0  }
0x20: {  	[sflag:s8] =	ssyncset.s32 @!p0 $0xFFFFF086;
	s6 =	sadd.s32 @!p0 s3, s7;
	s7 =	simm.s32 @!p0 $0x108  }
0x21: {  	s3 =	sadd.s32 s3, s9;
	s6 =	sadd.s32 @!p0 $0x88, s6;
	s7 =	simm.s32 @p2 $0x1082  }
0x22: {  	[simem:s7], [sflag:s8] =	dma.local @!p0 [hbm:s6], $0xF7A  }
0x23: {  	s9 =	sor.u32 $0xD0000000, s2;
	s6 =	simm.s32 $0x108;
	_ =	swait.ge @!p0 [sflag:s8], $0x0  }
0x24: {  	s3 =	sadd.s32 $0x88, s3;
	s6 =	simm.s32 @!p1 $0x1082;
	[sflag:s4] =	ssyncset.s32 $0xFFFFF086  }
0x25: {  	[simem:s6], [sflag:s4] =	dma.local [hbm:s3], $0xF7A  }
0x26: {  	[smem:$0x3F86] =	sst s1;
	(tag) =	ssettag s2;
	_ =	strace s9  }
0x27: {  	s1 =	sld [smem:$0x3F96]  }
0x28: {  	s2 =	sld [smem:$0x3F97]  }
0x29: {  	s4 =	sld [smem:$0x3F99]  }
0x2a: {  	p0 =	seq.s32 s5, $0x0;
	s5 =	sld [smem:$0x3F9A]  }
0x2b: {  	s6 =	sld [smem:$0x3F9B]  }
0x2c: {  	s7 =	sld [smem:$0x3F9C]  }
0x2d: {  	s3 =	simm.s32 $0x108;
	s8 =	sld [smem:$0x3F9D]  }
0x2e: {  	s3 =	simm.s32 @!p0 $0x1082;
	s9 =	sld [smem:$0x3F9E]  }
0x2f: {  	lr =	sadd.s32 s0, s3;
	s0 =	sld [smem:$0x3F95]  }
0x30: {  	s3 =	sld [smem:$0x3F98]  }
0x31: {  	[smem:$0x3FA1] =	sst s10  }
0x32: {  	s10 =	sld [smem:$0x3F9F];
	_ =	sdelay $0x3  }
0x33: {  	p0 =	seq.s32 s10, $0x1;
	s10 =	sld [smem:$0x3FA1];
	_ =	sdelay $0x3  }
0x34: {  	[smem:$0x3FA1] =	sst s10  }
0x35: {  	s10 =	sld [smem:$0x3FA0];
	_ =	sdelay $0x3  }
0x36: {  	p1 =	seq.s32 s10, $0x1;
	s10 =	sld [smem:$0x3FA1];
	_ =	sdelay $0x3  }
0x37: {  	[smem:$0x3FA1] =	sst s10  }
0x38: {  	s10 =	sld [smem:$0x3FA2]  }
0x39: {  	_ = 	snop;
	(pc) =	sbr.ind lr, $3  }
0x3a: {  	_ = 	snop  }
0x3b: {  	_ = 	snop  }
0x3c: {  	p2 =	seq.s32 s10, $0x1;
	s10 =	sld [smem:$0x3FA1]  }
0x3d: {  	_ =	shalt  }
0x3e: {  	_ =	shalt  }
0x3f: {  	_ =	shalt  }
0x40: {  	_ =	shalt  }
0x41: {  	_ =	shalt  }
0x42: {  	_ =	shalt  }
0x43: {  	_ =	shalt  }
0x44: {  	_ =	shalt  }
0x45: {  	_ =	shalt  }
0x46: {  	_ =	shalt  }
0x47: {  	_ =	shalt  }
0x48: {  	_ =	shalt  }
0x49: {  	_ =	shalt  }
0x4a: {  	_ =	shalt  }
0x4b: {  	_ =	shalt  }
0x4c: {  	_ =	shalt  }
0x4d: {  	_ =	shalt  }
0x4e: {  	_ =	shalt  }
0x4f: {  	_ =	shalt  }
0x50: {  	_ =	shalt  }
0x51: {  	_ =	shalt  }
0x52: {  	_ =	shalt  }
0x53: {  	_ =	shalt  }
0x54: {  	_ =	shalt  }
0x55: {  	_ =	shalt  }
0x56: {  	_ =	shalt  }
0x57: {  	_ =	shalt  }
0x58: {  	_ =	shalt  }
0x59: {  	_ =	shalt  }
0x5a: {  	_ =	shalt  }
0x5b: {  	_ =	shalt  }
0x5c: {  	_ =	shalt  }
0x5d: {  	_ =	shalt  }
0x5e: {  	_ =	shalt  }
0x5f: {  	_ =	shalt  }
0x60: {  	_ =	shalt  }
0x61: {  	_ =	shalt  }
0x62: {  	_ =	shalt  }
0x63: {  	_ =	shalt  }
0x64: {  	_ =	shalt  }
0x65: {  	_ =	shalt  }
0x66: {  	_ =	shalt  }
0x67: {  	_ =	shalt  }
0x68: {  	_ =	shalt  }
0x69: {  	_ =	shalt  }
0x6a: {  	_ =	shalt  }
0x6b: {  	_ =	shalt  }
0x6c: {  	_ =	shalt  }
0x6d: {  	_ =	shalt  }
0x6e: {  	_ =	shalt  }
0x6f: {  	_ =	shalt  }
0x70: {  	_ =	shalt  }
0x71: {  	_ =	shalt  }
0x72: {  	_ =	shalt  }
0x73: {  	_ =	shalt  }
0x74: {  	_ =	shalt  }
0x75: {  	_ =	shalt  }
0x76: {  	_ =	shalt  }
0x77: {  	_ =	shalt  }
0x78: {  	_ =	shalt  }
0x79: {  	_ =	shalt  }
0x7a: {  	_ =	shalt  }
0x7b: {  	_ =	shalt  }
0x7c: {  	_ =	shalt  }
0x7d: {  	_ =	shalt  }
0x7e: {  	_ =	shalt  }
0x7f: {  	_ =	shalt  }
0x80: {  	_ =	shalt  }
0x81: {  	_ =	shalt  }
0x82: {  	_ =	shalt  }
0x83: {  	_ =	shalt  }
0x84: {  	_ =	shalt  }
0x85: {  	_ =	shalt  }
0x86: {  	_ =	shalt  }
0x87: {  	_ =	shalt  }
.Lfunc_end0:
.L_simem_size_0:
called_computation.1_lowered:
.L_overlay_start_0:
0x88: {  	s2 =	sld [smem:$0x3FD9]  }
0x89: {  	s3 =	sld [smem:$0x3FFE];
	_ =	sdelay $0x1  }
0x8a: {  	s1 =	srdreg.scid  }
0x8b: {  	s0 =	sand.u32 $0x1, s1  }
0x8c: {  	s16 =	sshll.u32 s0, $0xA;
	s2 =	sadd.s32 s3, s2  }
0x8d: {  	s2 =	sadd.s32 s2, s16  }
0x8e: {  	[smem:$0x3FAD] =	sst s2  }
0x8f: {  	_ = 	snop  }
0x90: {  	(tm) =	ssettm $0x1  }
0x91: {  	s17 =	sld [smem:$0x3FFB];
	_ =	sdelay $0x3  }
0x92: {  	_ =	strace s17  }
0x93: {  	s2 =	sld [smem:$0x3FFC];
	_ =	sdelay $0x3  }
0x94: {  	_ =	strace s2  }
0x95: {  	s2 =	sld [smem:$0x3FFD];
	_ =	sdelay $0x3  }
0x96: {  	_ =	strace s2  }
0x97: {  	_ =	strace $0x8FFFFFFF  }
0x98: {  	s18 =	sld [smem:$0x3FDB];
	_ =	sdelay $0x1  }
0x99: {  	s19 =	simm.s32 $_scs_section_size  }
0x9a: {  	s4 =	simm.s32 $_size__tile_overlayer_lowered;
	s5 =	simm.s32 $_tile_overlayer_lowered  }
0x9b: {  	s22 =	simm.s32 $0x1BFF;
	s21 =	sshll.u32 s5, $0x1;
	s2 =	sadd.s32 s19, s18  }
0x9c: {  	s6 =	simm.s32 $0x0;
	s20 =	sshll.u32 s4, $0x1;
	s4 =	sadd.s32 s21, s2  }
0x9d: {  	[timem:s6], [sflag:s22] =	dma.local [hbm:s4], s20  }
0x9e: {  	_ =	swait.ge [sflag:s22], s20  }
0x9f: {  	s3 =	ssub.s32 $0x0, s20;
	[sflag:s22] =	ssyncset.done $0x0  }
0xa0: {  	[sflag:s22] =	ssyncadd.s32 s3;
	_ =	sdelay $0x1  }
0xa1: {  	s23 =	simm.s32 $0x1B8B  }
0xa2: {  	_ =	swait.ge [sflag:s23], $0x1  }
0xa3: {  	[sflag:s23] =	ssyncset.done $0x0  }
0xa4: {  	s25 =	simm.s32 $0x1B8E;
	s24 =	sld [smem:$0x3FFE];
	[sflag:s23] =	ssyncadd.s32 $0xFFFFFFFF  }
0xa5: {  	s26 =	simm.s32 $execute0_lowered;
	[smem:$0x3FD2] =	sst s25  }
0xa6: {  	s4 =	sshll.u32 s26, $0x1;
	_ =	strace $0x80000049;
	[dreg:$0x1] =	wrdreg $0xFFFFFFFF  }
0xa7: {  	s28 =	simm.s32 $_size_execute0_lowered;
	s2 =	sadd.s32 s2, s4;
	[dreg:$0x0] =	wrdreg $0x0  }
0xa8: {  	s4 =	sshll.u32 s28, $0x1;
	[dreg:$0x2] =	wrdreg s2  }
0xa9: {  	[dreg:$0x3] =	wrdreg s4  }
0xaa: {  	[dreg:$0x4] =	wrdreg $0xC0  }
0xab: {  	_ =	task [dreg:s6], $0x5FFFF  }
0xac: {  	[dreg:$0x1] =	wrdreg $0xFFFFFFFF  }
0xad: {  	[dreg:$0x0] =	wrdreg $0x60  }
0xae: {  	[dreg:$0x2] =	wrdreg s24  }
0xaf: {  	[dreg:$0x3] =	wrdreg $0x9  }
0xb0: {  	_ =	task.clear_ibuf [dreg:s6], $0x4FFFF;
	_ =	strace $0x90000049  }
0xb1: {  	s29 =	simm.s32 $0x9;
	_ =	strace $0x8000004B  }
0xb2: {  	_ =	swait.ge [sflag:s29], $0x1  }
0xb3: {  	[sflag:s29] =	ssyncadd.s32 $0xFFFFFFFF  }
0xb4: {  	_ =	strace $0x9000004B  }
0xb5: {  	_ =	sfence  }
0xb6: {  	s30 =	sld [smem:$0x0];
	_ =	sdelay $0x2  }
0xb7: {  	s31 =	sshll.u32 s1, $0xD;
	s1 =	sshrl.u32 s1, $0x2  }
0xb8: {  	s3 =	sand.u32 $0x4000, s31;
	s1 =	sadd.s32 s1, s30  }
0xb9: {  	s0 =	sor.u32 s3, s0;
	s1 =	sshll.u32 s1, $0x11  }
0xba: {  	s0 =	sor.u32 s1, s0  }
0xbb: {  	s0 =	sadd.s32 $0x8F2B, s0  }
0xbc: {  	[sflag:s0] =	ssyncadd.remote.s32 $0x1  }
0xbd: {  	_ =	sfence.sel $0xFFFF  }
0xbe: {  	[dreg:$0x0] =	wrdreg $0xFFFFFFFF;
	(pc) =	sbr.abs _section_cstart, $3  }
0xbf: {  	[dreg:$0x1] =	wrdreg $0xFFFFFFFF  }
0xc0: {  	_ =	task.clear_ibuf [dreg:s6], $0x2FFFF;
	_ =	strace $0x9FFFFFFF  }
0xc1: {  	(tm) =	ssettm $0x7FFFFFFF  }
tec
execute0_lowered:
.L_overlay_start_1:
0x0: {  	(tag) =	ssettag $0x1  }
0x1: {  	s1 =	srdreg.scid;
	s0 =	stileid.u32  }
0x2: {  	s5 =	sand.u32 $0x1, s1;
	s30 =	sshll.u32 s0, $0x1  }
0x3: {  	s6 =	sor.u32 s5, s30  }
0x4: {  	s7 =	rddreg [dreg:$0x0];
	s3 =	smul.u32 $0x11, s6  }
0x5: {  	s2 =	simm.s32 $0x0;
	s1 =	rddreg [dreg:$0x1]  }
0x6: {  	s4 =	simm.s32 $0x2;
	[smem:$0x7FF] =	sst s2;
	s3 =	sadd.s32 s3, s7  }
0x7: {  	_ =	strace $0x8000004A;
	s8 =	ssub.s32 $0x2, s5;
	s3 =	sadd.s32 $0x11000, s3  }
0x8: {  	[tilespmem:s2], [sflag:$0x2] =	stream.linear.gather [hbm4b:s3+s2], $0x88, $0x38;
	[tilespmem:$0x4500] =	vst v63  }
0x9: {  	s31 =	smul.u32 $0x880, s6;
	s9 =	sshrl.u32 s8, $0x1;
	_ =	swait.ge [sflag:s4], $0x88  }
0xa: {  	s6 =	simm.s32 $0x100;
	s8 =	ssub.s32 s8, s9;
	[sflag:s4] =	ssyncset.done $0x0  }
0xb: {  	s5 =	sadd.s32 s7, s31;
	s10 =	smax.u32 s8, $0x1;
	[sflag:s4] =	ssyncadd.s32 $0xFFFFFF78  }
0xc: {  	[tilespmem:s6], [sflag:$0x2] =	stream.linear.gather [hbm4b:s5+s2], $0x4400, $0x38;
	[tilespmem:$0x4500] =	vst v63  }
0xd: {  	p0 =	sne.s32 s10, $0x1;
	_ =	swait.ge [sflag:s4], $0x4400  }
.Ltmp0:
0xe: {  	s9 =	simm.s32 $0x88;
	[sflag:s4] =	ssyncset.done $0x0;
	(pc) =	sbr.rel @!p0 .LBB2_2-.Ltmp0, $4  }
0xf: {  	s7 =	sadd.s32 $0x11400, s7;
	s8 =	simm.s32 $0x1;
	[sflag:s4] =	ssyncadd.s32 $0xFFFFBC00  }
0x10: {  	[hbm4b:s7+s9] =	stream.indirect.scatter [tilespmem:s6], [sflag:$0x1], $0x80, s2, s9, $0xb8;
	[tilespmem:$0x4500] =	vst v63  }
0x11: {  	_ =	swait.ge [sflag:s8], $0x4400  }
0x12: {  	s10 =	sadd.s32 $0xFFFFFFFF, s10;
	[sflag:s8] =	ssyncset.done $0x0  }
.LBB2_1:
0x13: {  	p0 =	sne.s32 s10, $0x1;
	s10 =	sadd.s32 $0xFFFFFFFF, s10;
	[sflag:s8] =	ssyncadd.s32 $0xFFFFBC00  }
0x14: {  	[tilespmem:s2], [sflag:$0x2] =	stream.linear.gather [hbm4b:s3+s2], $0x88, $0x38;
	[tilespmem:$0x4500] =	vst v63  }
0x15: {  	_ =	swait.ge [sflag:s4], $0x88  }
0x16: {  	[sflag:s4] =	ssyncset.done $0x0  }
0x17: {  	[sflag:s4] =	ssyncadd.s32 $0xFFFFFF78  }
0x18: {  	[tilespmem:s6], [sflag:$0x2] =	stream.linear.gather [hbm4b:s5+s2], $0x4400, $0x38;
	[tilespmem:$0x4500] =	vst v63  }
0x19: {  	_ =	swait.ge [sflag:s4], $0x4400  }
.Ltmp1:
0x1a: {  	[sflag:s4] =	ssyncset.done $0x0;
	(pc) =	sbr.rel @p0 .LBB2_1-.Ltmp1, $4  }
0x1b: {  	[sflag:s4] =	ssyncadd.s32 $0xFFFFBC00  }
0x1c: {  	[hbm4b:s7+s9] =	stream.indirect.scatter [tilespmem:s6], [sflag:$0x1], $0x80, s2, s9, $0xb8;
	[tilespmem:$0x4500] =	vst v63  }
0x1d: {  	_ =	swait.ge [sflag:s8], $0x4400  }
0x1e: {  	[sflag:s8] =	ssyncset.done $0x0  }
.LBB2_2:
0x1f: {  	[sflag:s8] =	ssyncadd.s32 $0xFFFFBC00  }
0x20: {  	_ =	sfence.sel $0x180000  }
0x21: {  	[bflag:$0x0] =	sbarrier.arrive $0xFFFF  }
0x22: {  	p0 =	sne.s32 s0, $0x0;
	_ =	strace $0x9000004A  }
0x23: {  	s0 =	sadd.s32 @!p0 $0x100000, s1;
	[bflag:$0x2] =	sbarrier.arrive $0xFFFF  }
0x24: {  	[sflag:s0] =	ssyncadd.tile.s32 @!p0 $0x1;
	_ =	shalt  }
.Lfunc_end2:
_tile_overlayer_lowered:
.L_overlay_start_2:
0x25: {  	(tag) =	ssettag $0x2  }
0x26: {  	s0 =	rddreg [dreg:$0x0];
	s2 =	stileid.u32  }
0x27: {  	s1 =	rddreg [dreg:$0x1];
	p0 =	sne.s32 s2, $0x0  }
0x28: {  	s3 =	rddreg [dreg:$0x2];
	[bflag:$0x3] =	sbarrier.arrive $0xFFFF;
	s2 =	simm.s32 @!p0 $0x1C02  }
0x29: {  	[timem:s3], [sflag:s2] =	dma.local @!p0 [hbm:s0], s1  }
0x2a: {  	s0 =	simm.s32 @!p0 $0x2  }
0x2b: {  	_ =	swait.ge @!p0 [sflag:s0], s1  }
0x2c: {  	s1 =	ssub.s32 @!p0 $0x0, s1;
	[sflag:s0] =	ssyncset.done @!p0 $0x0  }
0x2d: {  	[sflag:s0] =	ssyncadd.s32 @!p0 s1  }
0x2e: {  	[bflag:$0x3] =	sbarrier.arrive $0xFFFF  }
0x2f: {  	_ =	shalt  }

</sc_bundles>
